<compile_context>
chip_gen: v7x
topology: tpu7x:2x2x1
jax: 0.10.2.dev20260603
libtpu: 0.0.44.dev20260713+nightly
codegen_flags: <defaults>
</compile_context>

<pallas_src>
import functools

import jax
import jax.numpy as jnp
from jax import lax
from jax.experimental import pallas as pl
from jax.experimental.pallas import tpu as pltpu
from jax.experimental.pallas import tpu_sc as plsc

_NC = 2
_NS = 16
_NW = _NC * _NS
_CHI = 16
_PBLK = 32768


def _pack_body(in_ref, out_ref):
    x = in_ref[...]
    tops = [x[:, c : c + 128] for c in range(0, _PBLK, 256)]
    bots = [x[:, c + 128 : c + 256] for c in range(0, _PBLK, 256)]
    z = jnp.concatenate(
        [jnp.concatenate(tops, axis=1), jnp.concatenate(bots, axis=1)], axis=0
    )
    out_ref[...] = z.T


def _gather_body(n_chunks, rows_per_w, s, d,
                 table_hbm, idx_hbm, out_hbm,
                 idx_all, rows0, rows1, gsem0, gsem1, ssem0, ssem1):
    wid = lax.axis_index("s") * _NC + lax.axis_index("c")
    row0 = wid * rows_per_w
    rows = (rows0, rows1)
    gsems = (gsem0, gsem1)
    ssems = (ssem0, ssem1)

    pltpu.sync_copy(idx_hbm.at[pl.ds(row0, rows_per_w)], idx_all)

    def fire_gathers(g, b):
        for j in range(_CHI):
            pltpu.async_copy(
                table_hbm.at[idx_all.at[g * _CHI + j]],
                rows[b].at[j],
                gsems[b],
            )

    def wait_gathers(b):
        pltpu.make_async_copy(
            out_hbm.at[pl.ds(0, _CHI)], rows[b], gsems[b]
        ).wait()

    def fire_store(g, b):
        pltpu.async_copy(
            rows[b],
            out_hbm.at[pl.ds(row0 + g * _CHI, _CHI), pl.ds(0, s), pl.ds(0, d)],
            ssems[b],
        )

    def wait_store(b):
        pltpu.make_async_copy(
            rows[b],
            out_hbm.at[pl.ds(row0, _CHI), pl.ds(0, s), pl.ds(0, d)],
            ssems[b],
        ).wait()

    fire_gathers(0, 0)
    fire_gathers(1, 1)
    wait_gathers(0)
    fire_store(0, 0)

    def pair(gg, carry):
        for b in (1, 0):
            g = 2 * gg + (1 if b == 1 else 2)
            wait_store(1 - b)
            fire_gathers(g + 1, 1 - b)
            wait_gathers(b)
            fire_store(g, b)
        return carry

    lax.fori_loop(0, (n_chunks - 2) // 2, pair, 0)

    bl = (n_chunks - 1) % 2
    wait_gathers(bl)
    fire_store(n_chunks - 1, bl)
    wait_store(1 - bl)
    wait_store(bl)


def kernel(params, indices):
    b, s = indices.shape
    v, d = params.shape
    rows_per_w = b // _NW
    n_chunks = rows_per_w // _CHI

    idx = indices.astype(jnp.int32)
    m = idx & 255
    idx32 = (idx - m) + 2 * (m & 127) + (m >> 7)

    vp = 2 * d * pl.cdiv(v, 4 * d)
    pack = pl.pallas_call(
        _pack_body,
        grid=(pl.cdiv(v, _PBLK),),
        in_specs=[pl.BlockSpec((d, _PBLK), lambda i: (0, i))],
        out_specs=pl.BlockSpec((_PBLK // 2, 2 * d), lambda i: (i, 0)),
        out_shape=jax.ShapeDtypeStruct((vp, 2 * d), jnp.float32),
    )
    table_lin = pack(params.T).reshape(2 * vp, d)

    mesh = plsc.VectorSubcoreMesh(core_axis_name="c", subcore_axis_name="s")

    gather = functools.partial(
        pl.kernel,
        mesh=mesh,
        out_type=jax.ShapeDtypeStruct((b, 56, 2 * d), jnp.float32),
        scratch_types=[
            pltpu.VMEM((rows_per_w, s), jnp.int32),
            pltpu.VMEM((_CHI, s, d), jnp.float32),
            pltpu.VMEM((_CHI, s, d), jnp.float32),
            pltpu.SemaphoreType.DMA,
            pltpu.SemaphoreType.DMA,
            pltpu.SemaphoreType.DMA,
            pltpu.SemaphoreType.DMA,
        ],
        compiler_params=pltpu.CompilerParams(use_tc_tiling_on_sc=False),
    )(functools.partial(_gather_body, n_chunks, rows_per_w, s, d))

    padded = gather(table_lin, idx32)
    return padded[:, :s, :d]

# --- scband reference (transcript-rebuilt; emitter-appended) ---
"""Pipeline reference for scband-gather-layer-67482526154999 (READ-ONLY COPY).

The authoritative reference and input builder live on the scoring server;
editing this copy changes nothing except your own understanding.
"""

import jax, jax.numpy as jnp
import numpy as np

def setup_inputs(seed: int = 0) -> dict:
    key = jax.random.key(seed)
    k1, k2 = jax.random.split(key)
    params = jax.random.normal(k1, (1000000, 64), dtype=jnp.float32)
    indices = jax.random.randint(k2, (16384, 50), 0, 1000000, dtype=jnp.int64)
    return {"params": params, "indices": indices}

def reference(params, indices):
    # tf.gather(params, indices) gathers along axis 0
    return jnp.take(params, indices, axis=0)

if __name__ == "__main__":
    import jax
    _d = setup_inputs()
    print(jax.jit(kernel)(*tuple(_d.values())))

</pallas_src>

<mosaic_0001>
#map = affine_map<(d0, d1) -> (0, 0)>
#map1 = affine_map<(d0, d1) -> (0, 0, 0)>
module attributes {stable_mosaic.version = 14 : i64} {
  func.func @_gather_body(%arg0: i32, %arg1: i32, %arg2: memref<1000192x64xf32, #tpu.memory_space<hbm>>, %arg3: memref<16384x50xi32, #tpu.memory_space<hbm>>, %arg4: memref<16384x56x128xf32, #tpu.memory_space<hbm>>, %arg5: memref<512x50xi32, #tpu.memory_space<vmem>>, %arg6: memref<16x50x64xf32, #tpu.memory_space<vmem>>, %arg7: memref<16x50x64xf32, #tpu.memory_space<vmem>>, %arg8: memref<!tpu.dma_semaphore, #tpu.memory_space<semaphore_mem>>, %arg9: memref<!tpu.dma_semaphore, #tpu.memory_space<semaphore_mem>>, %arg10: memref<!tpu.dma_semaphore, #tpu.memory_space<semaphore_mem>>, %arg11: memref<!tpu.dma_semaphore, #tpu.memory_space<semaphore_mem>>) attributes {dimension_semantics = [#tpu.dimension_semantics<core_parallel>, #tpu.dimension_semantics<subcore_parallel>], iteration_bounds = array<i64: 2, 16>, scalar_prefetch = 0 : i64, scratch_operands = 7 : i64, tpu.core_type = #tpu.core_type<sc_vector_subcore>, window_params = [{transform_indices = #map}, {transform_indices = #map}, {transform_indices = #map1}]} {
    %mul3A = arith.constant 2 : i32
    %mul3A_0 = arith.muli %arg1, %mul3A : i32
    %add3A = arith.addi %mul3A_0, %arg0 : i32
    %mul3A_1 = arith.constant 512 : i32
    %mul3A_2 = arith.muli %add3A, %mul3A_1 : i32
    "tpu.region"() ({
      %run_scoped3A = tpu.sem_alloc : memref<!tpu.dma_semaphore, #tpu.memory_space<semaphore_mem>>
      %dma_start3A_434 = arith.constant 0 : i32
      %dma_start3A_435 = tpu.memref_slice %arg3[%mul3A_2, %dma_start3A_434] : memref<16384x50xi32, #tpu.memory_space<hbm>> -> memref<512x50xi32, #tpu.memory_space<hbm>>
      %dma_start3A_436 = arith.constant 0 : i32
      %dma_start3A_437 = tpu.memref_slice %arg3[%mul3A_2, %dma_start3A_436] : memref<16384x50xi32, #tpu.memory_space<hbm>> -> memref<512x50xi32, #tpu.memory_space<hbm>>
      tpu.enqueue_dma source(%dma_start3A_437 : memref<512x50xi32, #tpu.memory_space<hbm>>) target(%arg5 : memref<512x50xi32, #tpu.memory_space<vmem>>) target_semaphore(%run_scoped3A : memref<!tpu.dma_semaphore, #tpu.memory_space<semaphore_mem>>)
      %dma_wait3A_438 = arith.constant 0 : i32
      %dma_wait3A_439 = tpu.memref_slice %arg3[%mul3A_2, %dma_wait3A_438] : memref<16384x50xi32, #tpu.memory_space<hbm>> -> memref<512x50xi32, #tpu.memory_space<hbm>>
      %dma_wait3A_440 = arith.constant 0 : i32
      %dma_wait3A_441 = tpu.memref_slice %arg3[%mul3A_2, %dma_wait3A_440] : memref<16384x50xi32, #tpu.memory_space<hbm>> -> memref<512x50xi32, #tpu.memory_space<hbm>>
      tpu.wait_dma2 semaphore(%run_scoped3A : memref<!tpu.dma_semaphore, #tpu.memory_space<semaphore_mem>>) src(%dma_wait3A_441 : memref<512x50xi32, #tpu.memory_space<hbm>>) dst(%arg5 : memref<512x50xi32, #tpu.memory_space<vmem>>)
      tpu.yield
    }) : () -> ()
    %dma_start3A = arith.constant 0 : i32
    %dma_start3A_3 = arith.constant 0 : i32
    %dma_start3A_4 = arith.constant 0 : i32
    %dma_start3A_5 = arith.constant 0 : i32
    %dma_start3A_6 = tpu.memref_slice %arg6[%dma_start3A_3, %dma_start3A_4, %dma_start3A_5] : memref<16x50x64xf32, #tpu.memory_space<vmem>> -> memref<1x50x64xf32, #tpu.memory_space<vmem>>
    %dma_start3A_7 = tpu.memref_squeeze %dma_start3A_6 : memref<1x50x64xf32, #tpu.memory_space<vmem>> -> memref<50x64xf32, #tpu.memory_space<vmem>>
    %dma_start3A_8 = arith.constant 0 : i32
    %dma_start3A_9 = tpu.memref_slice %arg5[%dma_start3A, %dma_start3A_8] : memref<512x50xi32, #tpu.memory_space<vmem>> -> memref<1x50xi32, #tpu.memory_space<vmem>>
    %dma_start3A_10 = tpu.memref_squeeze %dma_start3A_9 : memref<1x50xi32, #tpu.memory_space<vmem>> -> memref<50xi32, #tpu.memory_space<vmem>>
    %dma_start3A_11 = arith.constant 0 : i32
    %dma_start3A_12 = arith.constant 0 : i32
    %dma_start3A_13 = tpu.memref_slice %arg2[%dma_start3A_11, %dma_start3A_12] : memref<1000192x64xf32, #tpu.memory_space<hbm>> -> memref<1000192x64xf32, #tpu.memory_space<hbm>>
    tpu.enqueue_indirect_dma source(%dma_start3A_13 : memref<1000192x64xf32, #tpu.memory_space<hbm>>) target(%dma_start3A_7 : memref<50x64xf32, #tpu.memory_space<vmem>>) offsets(%dma_start3A_10 : memref<50xi32, #tpu.memory_space<vmem>>) semaphore(%arg8 : memref<!tpu.dma_semaphore, #tpu.memory_space<semaphore_mem>>)
    %dma_start3A_14 = arith.constant 1 : i32
    %dma_start3A_15 = arith.constant 1 : i32
    %dma_start3A_16 = arith.constant 0 : i32
    %dma_start3A_17 = arith.constant 0 : i32
    %dma_start3A_18 = tpu.memref_slice %arg6[%dma_start3A_15, %dma_start3A_16, %dma_start3A_17] : memref<16x50x64xf32, #tpu.memory_space<vmem>> -> memref<1x50x64xf32, #tpu.memory_space<vmem>>
    %dma_start3A_19 = tpu.memref_squeeze %dma_start3A_18 : memref<1x50x64xf32, #tpu.memory_space<vmem>> -> memref<50x64xf32, #tpu.memory_space<vmem>>
    %dma_start3A_20 = arith.constant 0 : i32
    %dma_start3A_21 = tpu.memref_slice %arg5[%dma_start3A_14, %dma_start3A_20] : memref<512x50xi32, #tpu.memory_space<vmem>> -> memref<1x50xi32, #tpu.memory_space<vmem>>
    %dma_start3A_22 = tpu.memref_squeeze %dma_start3A_21 : memref<1x50xi32, #tpu.memory_space<vmem>> -> memref<50xi32, #tpu.memory_space<vmem>>
    %dma_start3A_23 = arith.constant 0 : i32
    %dma_start3A_24 = arith.constant 0 : i32
    %dma_start3A_25 = tpu.memref_slice %arg2[%dma_start3A_23, %dma_start3A_24] : memref<1000192x64xf32, #tpu.memory_space<hbm>> -> memref<1000192x64xf32, #tpu.memory_space<hbm>>
    tpu.enqueue_indirect_dma source(%dma_start3A_25 : memref<1000192x64xf32, #tpu.memory_space<hbm>>) target(%dma_start3A_19 : memref<50x64xf32, #tpu.memory_space<vmem>>) offsets(%dma_start3A_22 : memref<50xi32, #tpu.memory_space<vmem>>) semaphore(%arg8 : memref<!tpu.dma_semaphore, #tpu.memory_space<semaphore_mem>>)
    %dma_start3A_26 = arith.constant 2 : i32
    %dma_start3A_27 = arith.constant 2 : i32
    %dma_start3A_28 = arith.constant 0 : i32
    %dma_start3A_29 = arith.constant 0 : i32
    %dma_start3A_30 = tpu.memref_slice %arg6[%dma_start3A_27, %dma_start3A_28, %dma_start3A_29] : memref<16x50x64xf32, #tpu.memory_space<vmem>> -> memref<1x50x64xf32, #tpu.memory_space<vmem>>
    %dma_start3A_31 = tpu.memref_squeeze %dma_start3A_30 : memref<1x50x64xf32, #tpu.memory_space<vmem>> -> memref<50x64xf32, #tpu.memory_space<vmem>>
    %dma_start3A_32 = arith.constant 0 : i32
    %dma_start3A_33 = tpu.memref_slice %arg5[%dma_start3A_26, %dma_start3A_32] : memref<512x50xi32, #tpu.memory_space<vmem>> -> memref<1x50xi32, #tpu.memory_space<vmem>>
    %dma_start3A_34 = tpu.memref_squeeze %dma_start3A_33 : memref<1x50xi32, #tpu.memory_space<vmem>> -> memref<50xi32, #tpu.memory_space<vmem>>
    %dma_start3A_35 = arith.constant 0 : i32
    %dma_start3A_36 = arith.constant 0 : i32
    %dma_start3A_37 = tpu.memref_slice %arg2[%dma_start3A_35, %dma_start3A_36] : memref<1000192x64xf32, #tpu.memory_space<hbm>> -> memref<1000192x64xf32, #tpu.memory_space<hbm>>
    tpu.enqueue_indirect_dma source(%dma_start3A_37 : memref<1000192x64xf32, #tpu.memory_space<hbm>>) target(%dma_start3A_31 : memref<50x64xf32, #tpu.memory_space<vmem>>) offsets(%dma_start3A_34 : memref<50xi32, #tpu.memory_space<vmem>>) semaphore(%arg8 : memref<!tpu.dma_semaphore, #tpu.memory_space<semaphore_mem>>)
    %dma_start3A_38 = arith.constant 3 : i32
    %dma_start3A_39 = arith.constant 3 : i32
    %dma_start3A_40 = arith.constant 0 : i32
    %dma_start3A_41 = arith.constant 0 : i32
    %dma_start3A_42 = tpu.memref_slice %arg6[%dma_start3A_39, %dma_start3A_40, %dma_start3A_41] : memref<16x50x64xf32, #tpu.memory_space<vmem>> -> memref<1x50x64xf32, #tpu.memory_space<vmem>>
    %dma_start3A_43 = tpu.memref_squeeze %dma_start3A_42 : memref<1x50x64xf32, #tpu.memory_space<vmem>> -> memref<50x64xf32, #tpu.memory_space<vmem>>
    %dma_start3A_44 = arith.constant 0 : i32
    %dma_start3A_45 = tpu.memref_slice %arg5[%dma_start3A_38, %dma_start3A_44] : memref<512x50xi32, #tpu.memory_space<vmem>> -> memref<1x50xi32, #tpu.memory_space<vmem>>
    %dma_start3A_46 = tpu.memref_squeeze %dma_start3A_45 : memref<1x50xi32, #tpu.memory_space<vmem>> -> memref<50xi32, #tpu.memory_space<vmem>>
    %dma_start3A_47 = arith.constant 0 : i32
    %dma_start3A_48 = arith.constant 0 : i32
    %dma_start3A_49 = tpu.memref_slice %arg2[%dma_start3A_47, %dma_start3A_48] : memref<1000192x64xf32, #tpu.memory_space<hbm>> -> memref<1000192x64xf32, #tpu.memory_space<hbm>>
    tpu.enqueue_indirect_dma source(%dma_start3A_49 : memref<1000192x64xf32, #tpu.memory_space<hbm>>) target(%dma_start3A_43 : memref<50x64xf32, #tpu.memory_space<vmem>>) offsets(%dma_start3A_46 : memref<50xi32, #tpu.memory_space<vmem>>) semaphore(%arg8 : memref<!tpu.dma_semaphore, #tpu.memory_space<semaphore_mem>>)
    %dma_start3A_50 = arith.constant 4 : i32
    %dma_start3A_51 = arith.constant 4 : i32
    %dma_start3A_52 = arith.constant 0 : i32
    %dma_start3A_53 = arith.constant 0 : i32
    %dma_start3A_54 = tpu.memref_slice %arg6[%dma_start3A_51, %dma_start3A_52, %dma_start3A_53] : memref<16x50x64xf32, #tpu.memory_space<vmem>> -> memref<1x50x64xf32, #tpu.memory_space<vmem>>
    %dma_start3A_55 = tpu.memref_squeeze %dma_start3A_54 : memref<1x50x64xf32, #tpu.memory_space<vmem>> -> memref<50x64xf32, #tpu.memory_space<vmem>>
    %dma_start3A_56 = arith.constant 0 : i32
    %dma_start3A_57 = tpu.memref_slice %arg5[%dma_start3A_50, %dma_start3A_56] : memref<512x50xi32, #tpu.memory_space<vmem>> -> memref<1x50xi32, #tpu.memory_space<vmem>>
    %dma_start3A_58 = tpu.memref_squeeze %dma_start3A_57 : memref<1x50xi32, #tpu.memory_space<vmem>> -> memref<50xi32, #tpu.memory_space<vmem>>
    %dma_start3A_59 = arith.constant 0 : i32
    %dma_start3A_60 = arith.constant 0 : i32
    %dma_start3A_61 = tpu.memref_slice %arg2[%dma_start3A_59, %dma_start3A_60] : memref<1000192x64xf32, #tpu.memory_space<hbm>> -> memref<1000192x64xf32, #tpu.memory_space<hbm>>
    tpu.enqueue_indirect_dma source(%dma_start3A_61 : memref<1000192x64xf32, #tpu.memory_space<hbm>>) target(%dma_start3A_55 : memref<50x64xf32, #tpu.memory_space<vmem>>) offsets(%dma_start3A_58 : memref<50xi32, #tpu.memory_space<vmem>>) semaphore(%arg8 : memref<!tpu.dma_semaphore, #tpu.memory_space<semaphore_mem>>)
    %dma_start3A_62 = arith.constant 5 : i32
    %dma_start3A_63 = arith.constant 5 : i32
    %dma_start3A_64 = arith.constant 0 : i32
    %dma_start3A_65 = arith.constant 0 : i32
    %dma_start3A_66 = tpu.memref_slice %arg6[%dma_start3A_63, %dma_start3A_64, %dma_start3A_65] : memref<16x50x64xf32, #tpu.memory_space<vmem>> -> memref<1x50x64xf32, #tpu.memory_space<vmem>>
    %dma_start3A_67 = tpu.memref_squeeze %dma_start3A_66 : memref<1x50x64xf32, #tpu.memory_space<vmem>> -> memref<50x64xf32, #tpu.memory_space<vmem>>
    %dma_start3A_68 = arith.constant 0 : i32
    %dma_start3A_69 = tpu.memref_slice %arg5[%dma_start3A_62, %dma_start3A_68] : memref<512x50xi32, #tpu.memory_space<vmem>> -> memref<1x50xi32, #tpu.memory_space<vmem>>
    %dma_start3A_70 = tpu.memref_squeeze %dma_start3A_69 : memref<1x50xi32, #tpu.memory_space<vmem>> -> memref<50xi32, #tpu.memory_space<vmem>>
    %dma_start3A_71 = arith.constant 0 : i32
    %dma_start3A_72 = arith.constant 0 : i32
    %dma_start3A_73 = tpu.memref_slice %arg2[%dma_start3A_71, %dma_start3A_72] : memref<1000192x64xf32, #tpu.memory_space<hbm>> -> memref<1000192x64xf32, #tpu.memory_space<hbm>>
    tpu.enqueue_indirect_dma source(%dma_start3A_73 : memref<1000192x64xf32, #tpu.memory_space<hbm>>) target(%dma_start3A_67 : memref<50x64xf32, #tpu.memory_space<vmem>>) offsets(%dma_start3A_70 : memref<50xi32, #tpu.memory_space<vmem>>) semaphore(%arg8 : memref<!tpu.dma_semaphore, #tpu.memory_space<semaphore_mem>>)
    %dma_start3A_74 = arith.constant 6 : i32
    %dma_start3A_75 = arith.constant 6 : i32
    %dma_start3A_76 = arith.constant 0 : i32
    %dma_start3A_77 = arith.constant 0 : i32
    %dma_start3A_78 = tpu.memref_slice %arg6[%dma_start3A_75, %dma_start3A_76, %dma_start3A_77] : memref<16x50x64xf32, #tpu.memory_space<vmem>> -> memref<1x50x64xf32, #tpu.memory_space<vmem>>
    %dma_start3A_79 = tpu.memref_squeeze %dma_start3A_78 : memref<1x50x64xf32, #tpu.memory_space<vmem>> -> memref<50x64xf32, #tpu.memory_space<vmem>>
    %dma_start3A_80 = arith.constant 0 : i32
    %dma_start3A_81 = tpu.memref_slice %arg5[%dma_start3A_74, %dma_start3A_80] : memref<512x50xi32, #tpu.memory_space<vmem>> -> memref<1x50xi32, #tpu.memory_space<vmem>>
    %dma_start3A_82 = tpu.memref_squeeze %dma_start3A_81 : memref<1x50xi32, #tpu.memory_space<vmem>> -> memref<50xi32, #tpu.memory_space<vmem>>
    %dma_start3A_83 = arith.constant 0 : i32
    %dma_start3A_84 = arith.constant 0 : i32
    %dma_start3A_85 = tpu.memref_slice %arg2[%dma_start3A_83, %dma_start3A_84] : memref<1000192x64xf32, #tpu.memory_space<hbm>> -> memref<1000192x64xf32, #tpu.memory_space<hbm>>
    tpu.enqueue_indirect_dma source(%dma_start3A_85 : memref<1000192x64xf32, #tpu.memory_space<hbm>>) target(%dma_start3A_79 : memref<50x64xf32, #tpu.memory_space<vmem>>) offsets(%dma_start3A_82 : memref<50xi32, #tpu.memory_space<vmem>>) semaphore(%arg8 : memref<!tpu.dma_semaphore, #tpu.memory_space<semaphore_mem>>)
    %dma_start3A_86 = arith.constant 7 : i32
    %dma_start3A_87 = arith.constant 7 : i32
    %dma_start3A_88 = arith.constant 0 : i32
    %dma_start3A_89 = arith.constant 0 : i32
    %dma_start3A_90 = tpu.memref_slice %arg6[%dma_start3A_87, %dma_start3A_88, %dma_start3A_89] : memref<16x50x64xf32, #tpu.memory_space<vmem>> -> memref<1x50x64xf32, #tpu.memory_space<vmem>>
    %dma_start3A_91 = tpu.memref_squeeze %dma_start3A_90 : memref<1x50x64xf32, #tpu.memory_space<vmem>> -> memref<50x64xf32, #tpu.memory_space<vmem>>
    %dma_start3A_92 = arith.constant 0 : i32
    %dma_start3A_93 = tpu.memref_slice %arg5[%dma_start3A_86, %dma_start3A_92] : memref<512x50xi32, #tpu.memory_space<vmem>> -> memref<1x50xi32, #tpu.memory_space<vmem>>
    %dma_start3A_94 = tpu.memref_squeeze %dma_start3A_93 : memref<1x50xi32, #tpu.memory_space<vmem>> -> memref<50xi32, #tpu.memory_space<vmem>>
    %dma_start3A_95 = arith.constant 0 : i32
    %dma_start3A_96 = arith.constant 0 : i32
    %dma_start3A_97 = tpu.memref_slice %arg2[%dma_start3A_95, %dma_start3A_96] : memref<1000192x64xf32, #tpu.memory_space<hbm>> -> memref<1000192x64xf32, #tpu.memory_space<hbm>>
    tpu.enqueue_indirect_dma source(%dma_start3A_97 : memref<1000192x64xf32, #tpu.memory_space<hbm>>) target(%dma_start3A_91 : memref<50x64xf32, #tpu.memory_space<vmem>>) offsets(%dma_start3A_94 : memref<50xi32, #tpu.memory_space<vmem>>) semaphore(%arg8 : memref<!tpu.dma_semaphore, #tpu.memory_space<semaphore_mem>>)
    %dma_start3A_98 = arith.constant 8 : i32
    %dma_start3A_99 = arith.constant 8 : i32
    %dma_start3A_100 = arith.constant 0 : i32
    %dma_start3A_101 = arith.constant 0 : i32
    %dma_start3A_102 = tpu.memref_slice %arg6[%dma_start3A_99, %dma_start3A_100, %dma_start3A_101] : memref<16x50x64xf32, #tpu.memory_space<vmem>> -> memref<1x50x64xf32, #tpu.memory_space<vmem>>
    %dma_start3A_103 = tpu.memref_squeeze %dma_start3A_102 : memref<1x50x64xf32, #tpu.memory_space<vmem>> -> memref<50x64xf32, #tpu.memory_space<vmem>>
    %dma_start3A_104 = arith.constant 0 : i32
    %dma_start3A_105 = tpu.memref_slice %arg5[%dma_start3A_98, %dma_start3A_104] : memref<512x50xi32, #tpu.memory_space<vmem>> -> memref<1x50xi32, #tpu.memory_space<vmem>>
    %dma_start3A_106 = tpu.memref_squeeze %dma_start3A_105 : memref<1x50xi32, #tpu.memory_space<vmem>> -> memref<50xi32, #tpu.memory_space<vmem>>
    %dma_start3A_107 = arith.constant 0 : i32
    %dma_start3A_108 = arith.constant 0 : i32
    %dma_start3A_109 = tpu.memref_slice %arg2[%dma_start3A_107, %dma_start3A_108] : memref<1000192x64xf32, #tpu.memory_space<hbm>> -> memref<1000192x64xf32, #tpu.memory_space<hbm>>
    tpu.enqueue_indirect_dma source(%dma_start3A_109 : memref<1000192x64xf32, #tpu.memory_space<hbm>>) target(%dma_start3A_103 : memref<50x64xf32, #tpu.memory_space<vmem>>) offsets(%dma_start3A_106 : memref<50xi32, #tpu.memory_space<vmem>>) semaphore(%arg8 : memref<!tpu.dma_semaphore, #tpu.memory_space<semaphore_mem>>)
    %dma_start3A_110 = arith.constant 9 : i32
    %dma_start3A_111 = arith.constant 9 : i32
    %dma_start3A_112 = arith.constant 0 : i32
    %dma_start3A_113 = arith.constant 0 : i32
    %dma_start3A_114 = tpu.memref_slice %arg6[%dma_start3A_111, %dma_start3A_112, %dma_start3A_113] : memref<16x50x64xf32, #tpu.memory_space<vmem>> -> memref<1x50x64xf32, #tpu.memory_space<vmem>>
    %dma_start3A_115 = tpu.memref_squeeze %dma_start3A_114 : memref<1x50x64xf32, #tpu.memory_space<vmem>> -> memref<50x64xf32, #tpu.memory_space<vmem>>
    %dma_start3A_116 = arith.constant 0 : i32
    %dma_start3A_117 = tpu.memref_slice %arg5[%dma_start3A_110, %dma_start3A_116] : memref<512x50xi32, #tpu.memory_space<vmem>> -> memref<1x50xi32, #tpu.memory_space<vmem>>
    %dma_start3A_118 = tpu.memref_squeeze %dma_start3A_117 : memref<1x50xi32, #tpu.memory_space<vmem>> -> memref<50xi32, #tpu.memory_space<vmem>>
    %dma_start3A_119 = arith.constant 0 : i32
    %dma_start3A_120 = arith.constant 0 : i32
    %dma_start3A_121 = tpu.memref_slice %arg2[%dma_start3A_119, %dma_start3A_120] : memref<1000192x64xf32, #tpu.memory_space<hbm>> -> memref<1000192x64xf32, #tpu.memory_space<hbm>>
    tpu.enqueue_indirect_dma source(%dma_start3A_121 : memref<1000192x64xf32, #tpu.memory_space<hbm>>) target(%dma_start3A_115 : memref<50x64xf32, #tpu.memory_space<vmem>>) offsets(%dma_start3A_118 : memref<50xi32, #tpu.memory_space<vmem>>) semaphore(%arg8 : memref<!tpu.dma_semaphore, #tpu.memory_space<semaphore_mem>>)
    %dma_start3A_122 = arith.constant 10 : i32
    %dma_start3A_123 = arith.constant 10 : i32
    %dma_start3A_124 = arith.constant 0 : i32
    %dma_start3A_125 = arith.constant 0 : i32
    %dma_start3A_126 = tpu.memref_slice %arg6[%dma_start3A_123, %dma_start3A_124, %dma_start3A_125] : memref<16x50x64xf32, #tpu.memory_space<vmem>> -> memref<1x50x64xf32, #tpu.memory_space<vmem>>
    %dma_start3A_127 = tpu.memref_squeeze %dma_start3A_126 : memref<1x50x64xf32, #tpu.memory_space<vmem>> -> memref<50x64xf32, #tpu.memory_space<vmem>>
    %dma_start3A_128 = arith.constant 0 : i32
    %dma_start3A_129 = tpu.memref_slice %arg5[%dma_start3A_122, %dma_start3A_128] : memref<512x50xi32, #tpu.memory_space<vmem>> -> memref<1x50xi32, #tpu.memory_space<vmem>>
    %dma_start3A_130 = tpu.memref_squeeze %dma_start3A_129 : memref<1x50xi32, #tpu.memory_space<vmem>> -> memref<50xi32, #tpu.memory_space<vmem>>
    %dma_start3A_131 = arith.constant 0 : i32
    %dma_start3A_132 = arith.constant 0 : i32
    %dma_start3A_133 = tpu.memref_slice %arg2[%dma_start3A_131, %dma_start3A_132] : memref<1000192x64xf32, #tpu.memory_space<hbm>> -> memref<1000192x64xf32, #tpu.memory_space<hbm>>
    tpu.enqueue_indirect_dma source(%dma_start3A_133 : memref<1000192x64xf32, #tpu.memory_space<hbm>>) target(%dma_start3A_127 : memref<50x64xf32, #tpu.memory_space<vmem>>) offsets(%dma_start3A_130 : memref<50xi32, #tpu.memory_space<vmem>>) semaphore(%arg8 : memref<!tpu.dma_semaphore, #tpu.memory_space<semaphore_mem>>)
    %dma_start3A_134 = arith.constant 11 : i32
    %dma_start3A_135 = arith.constant 11 : i32
    %dma_start3A_136 = arith.constant 0 : i32
    %dma_start3A_137 = arith.constant 0 : i32
    %dma_start3A_138 = tpu.memref_slice %arg6[%dma_start3A_135, %dma_start3A_136, %dma_start3A_137] : memref<16x50x64xf32, #tpu.memory_space<vmem>> -> memref<1x50x64xf32, #tpu.memory_space<vmem>>
    %dma_start3A_139 = tpu.memref_squeeze %dma_start3A_138 : memref<1x50x64xf32, #tpu.memory_space<vmem>> -> memref<50x64xf32, #tpu.memory_space<vmem>>
    %dma_start3A_140 = arith.constant 0 : i32
    %dma_start3A_141 = tpu.memref_slice %arg5[%dma_start3A_134, %dma_start3A_140] : memref<512x50xi32, #tpu.memory_space<vmem>> -> memref<1x50xi32, #tpu.memory_space<vmem>>
    %dma_start3A_142 = tpu.memref_squeeze %dma_start3A_141 : memref<1x50xi32, #tpu.memory_space<vmem>> -> memref<50xi32, #tpu.memory_space<vmem>>
    %dma_start3A_143 = arith.constant 0 : i32
    %dma_start3A_144 = arith.constant 0 : i32
    %dma_start3A_145 = tpu.memref_slice %arg2[%dma_start3A_143, %dma_start3A_144] : memref<1000192x64xf32, #tpu.memory_space<hbm>> -> memref<1000192x64xf32, #tpu.memory_space<hbm>>
    tpu.enqueue_indirect_dma source(%dma_start3A_145 : memref<1000192x64xf32, #tpu.memory_space<hbm>>) target(%dma_start3A_139 : memref<50x64xf32, #tpu.memory_space<vmem>>) offsets(%dma_start3A_142 : memref<50xi32, #tpu.memory_space<vmem>>) semaphore(%arg8 : memref<!tpu.dma_semaphore, #tpu.memory_space<semaphore_mem>>)
    %dma_start3A_146 = arith.constant 12 : i32
    %dma_start3A_147 = arith.constant 12 : i32
    %dma_start3A_148 = arith.constant 0 : i32
    %dma_start3A_149 = arith.constant 0 : i32
    %dma_start3A_150 = tpu.memref_slice %arg6[%dma_start3A_147, %dma_start3A_148, %dma_start3A_149] : memref<16x50x64xf32, #tpu.memory_space<vmem>> -> memref<1x50x64xf32, #tpu.memory_space<vmem>>
    %dma_start3A_151 = tpu.memref_squeeze %dma_start3A_150 : memref<1x50x64xf32, #tpu.memory_space<vmem>> -> memref<50x64xf32, #tpu.memory_space<vmem>>
    %dma_start3A_152 = arith.constant 0 : i32
    %dma_start3A_153 = tpu.memref_slice %arg5[%dma_start3A_146, %dma_start3A_152] : memref<512x50xi32, #tpu.memory_space<vmem>> -> memref<1x50xi32, #tpu.memory_space<vmem>>
    %dma_start3A_154 = tpu.memref_squeeze %dma_start3A_153 : memref<1x50xi32, #tpu.memory_space<vmem>> -> memref<50xi32, #tpu.memory_space<vmem>>
    %dma_start3A_155 = arith.constant 0 : i32
    %dma_start3A_156 = arith.constant 0 : i32
    %dma_start3A_157 = tpu.memref_slice %arg2[%dma_start3A_155, %dma_start3A_156] : memref<1000192x64xf32, #tpu.memory_space<hbm>> -> memref<1000192x64xf32, #tpu.memory_space<hbm>>
    tpu.enqueue_indirect_dma source(%dma_start3A_157 : memref<1000192x64xf32, #tpu.memory_space<hbm>>) target(%dma_start3A_151 : memref<50x64xf32, #tpu.memory_space<vmem>>) offsets(%dma_start3A_154 : memref<50xi32, #tpu.memory_space<vmem>>) semaphore(%arg8 : memref<!tpu.dma_semaphore, #tpu.memory_space<semaphore_mem>>)
    %dma_start3A_158 = arith.constant 13 : i32
    %dma_start3A_159 = arith.constant 13 : i32
    %dma_start3A_160 = arith.constant 0 : i32
    %dma_start3A_161 = arith.constant 0 : i32
    %dma_start3A_162 = tpu.memref_slice %arg6[%dma_start3A_159, %dma_start3A_160, %dma_start3A_161] : memref<16x50x64xf32, #tpu.memory_space<vmem>> -> memref<1x50x64xf32, #tpu.memory_space<vmem>>
    %dma_start3A_163 = tpu.memref_squeeze %dma_start3A_162 : memref<1x50x64xf32, #tpu.memory_space<vmem>> -> memref<50x64xf32, #tpu.memory_space<vmem>>
    %dma_start3A_164 = arith.constant 0 : i32
    %dma_start3A_165 = tpu.memref_slice %arg5[%dma_start3A_158, %dma_start3A_164] : memref<512x50xi32, #tpu.memory_space<vmem>> -> memref<1x50xi32, #tpu.memory_space<vmem>>
    %dma_start3A_166 = tpu.memref_squeeze %dma_start3A_165 : memref<1x50xi32, #tpu.memory_space<vmem>> -> memref<50xi32, #tpu.memory_space<vmem>>
    %dma_start3A_167 = arith.constant 0 : i32
    %dma_start3A_168 = arith.constant 0 : i32
    %dma_start3A_169 = tpu.memref_slice %arg2[%dma_start3A_167, %dma_start3A_168] : memref<1000192x64xf32, #tpu.memory_space<hbm>> -> memref<1000192x64xf32, #tpu.memory_space<hbm>>
    tpu.enqueue_indirect_dma source(%dma_start3A_169 : memref<1000192x64xf32, #tpu.memory_space<hbm>>) target(%dma_start3A_163 : memref<50x64xf32, #tpu.memory_space<vmem>>) offsets(%dma_start3A_166 : memref<50xi32, #tpu.memory_space<vmem>>) semaphore(%arg8 : memref<!tpu.dma_semaphore, #tpu.memory_space<semaphore_mem>>)
    %dma_start3A_170 = arith.constant 14 : i32
    %dma_start3A_171 = arith.constant 14 : i32
    %dma_start3A_172 = arith.constant 0 : i32
    %dma_start3A_173 = arith.constant 0 : i32
    %dma_start3A_174 = tpu.memref_slice %arg6[%dma_start3A_171, %dma_start3A_172, %dma_start3A_173] : memref<16x50x64xf32, #tpu.memory_space<vmem>> -> memref<1x50x64xf32, #tpu.memory_space<vmem>>
    %dma_start3A_175 = tpu.memref_squeeze %dma_start3A_174 : memref<1x50x64xf32, #tpu.memory_space<vmem>> -> memref<50x64xf32, #tpu.memory_space<vmem>>
    %dma_start3A_176 = arith.constant 0 : i32
    %dma_start3A_177 = tpu.memref_slice %arg5[%dma_start3A_170, %dma_start3A_176] : memref<512x50xi32, #tpu.memory_space<vmem>> -> memref<1x50xi32, #tpu.memory_space<vmem>>
    %dma_start3A_178 = tpu.memref_squeeze %dma_start3A_177 : memref<1x50xi32, #tpu.memory_space<vmem>> -> memref<50xi32, #tpu.memory_space<vmem>>
    %dma_start3A_179 = arith.constant 0 : i32
    %dma_start3A_180 = arith.constant 0 : i32
    %dma_start3A_181 = tpu.memref_slice %arg2[%dma_start3A_179, %dma_start3A_180] : memref<1000192x64xf32, #tpu.memory_space<hbm>> -> memref<1000192x64xf32, #tpu.memory_space<hbm>>
    tpu.enqueue_indirect_dma source(%dma_start3A_181 : memref<1000192x64xf32, #tpu.memory_space<hbm>>) target(%dma_start3A_175 : memref<50x64xf32, #tpu.memory_space<vmem>>) offsets(%dma_start3A_178 : memref<50xi32, #tpu.memory_space<vmem>>) semaphore(%arg8 : memref<!tpu.dma_semaphore, #tpu.memory_space<semaphore_mem>>)
    %dma_start3A_182 = arith.constant 15 : i32
    %dma_start3A_183 = arith.constant 15 : i32
    %dma_start3A_184 = arith.constant 0 : i32
    %dma_start3A_185 = arith.constant 0 : i32
    %dma_start3A_186 = tpu.memref_slice %arg6[%dma_start3A_183, %dma_start3A_184, %dma_start3A_185] : memref<16x50x64xf32, #tpu.memory_space<vmem>> -> memref<1x50x64xf32, #tpu.memory_space<vmem>>
    %dma_start3A_187 = tpu.memref_squeeze %dma_start3A_186 : memref<1x50x64xf32, #tpu.memory_space<vmem>> -> memref<50x64xf32, #tpu.memory_space<vmem>>
    %dma_start3A_188 = arith.constant 0 : i32
    %dma_start3A_189 = tpu.memref_slice %arg5[%dma_start3A_182, %dma_start3A_188] : memref<512x50xi32, #tpu.memory_space<vmem>> -> memref<1x50xi32, #tpu.memory_space<vmem>>
    %dma_start3A_190 = tpu.memref_squeeze %dma_start3A_189 : memref<1x50xi32, #tpu.memory_space<vmem>> -> memref<50xi32, #tpu.memory_space<vmem>>
    %dma_start3A_191 = arith.constant 0 : i32
    %dma_start3A_192 = arith.constant 0 : i32
    %dma_start3A_193 = tpu.memref_slice %arg2[%dma_start3A_191, %dma_start3A_192] : memref<1000192x64xf32, #tpu.memory_space<hbm>> -> memref<1000192x64xf32, #tpu.memory_space<hbm>>
    tpu.enqueue_indirect_dma source(%dma_start3A_193 : memref<1000192x64xf32, #tpu.memory_space<hbm>>) target(%dma_start3A_187 : memref<50x64xf32, #tpu.memory_space<vmem>>) offsets(%dma_start3A_190 : memref<50xi32, #tpu.memory_space<vmem>>) semaphore(%arg8 : memref<!tpu.dma_semaphore, #tpu.memory_space<semaphore_mem>>)
    %dma_start3A_194 = arith.constant 16 : i32
    %dma_start3A_195 = arith.constant 0 : i32
    %dma_start3A_196 = arith.constant 0 : i32
    %dma_start3A_197 = arith.constant 0 : i32
    %dma_start3A_198 = tpu.memref_slice %arg7[%dma_start3A_195, %dma_start3A_196, %dma_start3A_197] : memref<16x50x64xf32, #tpu.memory_space<vmem>> -> memref<1x50x64xf32, #tpu.memory_space<vmem>>
    %dma_start3A_199 = tpu.memref_squeeze %dma_start3A_198 : memref<1x50x64xf32, #tpu.memory_space<vmem>> -> memref<50x64xf32, #tpu.memory_space<vmem>>
    %dma_start3A_200 = arith.constant 0 : i32
    %dma_start3A_201 = tpu.memref_slice %arg5[%dma_start3A_194, %dma_start3A_200] : memref<512x50xi32, #tpu.memory_space<vmem>> -> memref<1x50xi32, #tpu.memory_space<vmem>>
    %dma_start3A_202 = tpu.memref_squeeze %dma_start3A_201 : memref<1x50xi32, #tpu.memory_space<vmem>> -> memref<50xi32, #tpu.memory_space<vmem>>
    %dma_start3A_203 = arith.constant 0 : i32
    %dma_start3A_204 = arith.constant 0 : i32
    %dma_start3A_205 = tpu.memref_slice %arg2[%dma_start3A_203, %dma_start3A_204] : memref<1000192x64xf32, #tpu.memory_space<hbm>> -> memref<1000192x64xf32, #tpu.memory_space<hbm>>
    tpu.enqueue_indirect_dma source(%dma_start3A_205 : memref<1000192x64xf32, #tpu.memory_space<hbm>>) target(%dma_start3A_199 : memref<50x64xf32, #tpu.memory_space<vmem>>) offsets(%dma_start3A_202 : memref<50xi32, #tpu.memory_space<vmem>>) semaphore(%arg9 : memref<!tpu.dma_semaphore, #tpu.memory_space<semaphore_mem>>)
    %dma_start3A_206 = arith.constant 17 : i32
    %dma_start3A_207 = arith.constant 1 : i32
    %dma_start3A_208 = arith.constant 0 : i32
    %dma_start3A_209 = arith.constant 0 : i32
    %dma_start3A_210 = tpu.memref_slice %arg7[%dma_start3A_207, %dma_start3A_208, %dma_start3A_209] : memref<16x50x64xf32, #tpu.memory_space<vmem>> -> memref<1x50x64xf32, #tpu.memory_space<vmem>>
    %dma_start3A_211 = tpu.memref_squeeze %dma_start3A_210 : memref<1x50x64xf32, #tpu.memory_space<vmem>> -> memref<50x64xf32, #tpu.memory_space<vmem>>
    %dma_start3A_212 = arith.constant 0 : i32
    %dma_start3A_213 = tpu.memref_slice %arg5[%dma_start3A_206, %dma_start3A_212] : memref<512x50xi32, #tpu.memory_space<vmem>> -> memref<1x50xi32, #tpu.memory_space<vmem>>
    %dma_start3A_214 = tpu.memref_squeeze %dma_start3A_213 : memref<1x50xi32, #tpu.memory_space<vmem>> -> memref<50xi32, #tpu.memory_space<vmem>>
    %dma_start3A_215 = arith.constant 0 : i32
    %dma_start3A_216 = arith.constant 0 : i32
    %dma_start3A_217 = tpu.memref_slice %arg2[%dma_start3A_215, %dma_start3A_216] : memref<1000192x64xf32, #tpu.memory_space<hbm>> -> memref<1000192x64xf32, #tpu.memory_space<hbm>>
    tpu.enqueue_indirect_dma source(%dma_start3A_217 : memref<1000192x64xf32, #tpu.memory_space<hbm>>) target(%dma_start3A_211 : memref<50x64xf32, #tpu.memory_space<vmem>>) offsets(%dma_start3A_214 : memref<50xi32, #tpu.memory_space<vmem>>) semaphore(%arg9 : memref<!tpu.dma_semaphore, #tpu.memory_space<semaphore_mem>>)
    %dma_start3A_218 = arith.constant 18 : i32
    %dma_start3A_219 = arith.constant 2 : i32
    %dma_start3A_220 = arith.constant 0 : i32
    %dma_start3A_221 = arith.constant 0 : i32
    %dma_start3A_222 = tpu.memref_slice %arg7[%dma_start3A_219, %dma_start3A_220, %dma_start3A_221] : memref<16x50x64xf32, #tpu.memory_space<vmem>> -> memref<1x50x64xf32, #tpu.memory_space<vmem>>
    %dma_start3A_223 = tpu.memref_squeeze %dma_start3A_222 : memref<1x50x64xf32, #tpu.memory_space<vmem>> -> memref<50x64xf32, #tpu.memory_space<vmem>>
    %dma_start3A_224 = arith.constant 0 : i32
    %dma_start3A_225 = tpu.memref_slice %arg5[%dma_start3A_218, %dma_start3A_224] : memref<512x50xi32, #tpu.memory_space<vmem>> -> memref<1x50xi32, #tpu.memory_space<vmem>>
    %dma_start3A_226 = tpu.memref_squeeze %dma_start3A_225 : memref<1x50xi32, #tpu.memory_space<vmem>> -> memref<50xi32, #tpu.memory_space<vmem>>
    %dma_start3A_227 = arith.constant 0 : i32
    %dma_start3A_228 = arith.constant 0 : i32
    %dma_start3A_229 = tpu.memref_slice %arg2[%dma_start3A_227, %dma_start3A_228] : memref<1000192x64xf32, #tpu.memory_space<hbm>> -> memref<1000192x64xf32, #tpu.memory_space<hbm>>
    tpu.enqueue_indirect_dma source(%dma_start3A_229 : memref<1000192x64xf32, #tpu.memory_space<hbm>>) target(%dma_start3A_223 : memref<50x64xf32, #tpu.memory_space<vmem>>) offsets(%dma_start3A_226 : memref<50xi32, #tpu.memory_space<vmem>>) semaphore(%arg9 : memref<!tpu.dma_semaphore, #tpu.memory_space<semaphore_mem>>)
    %dma_start3A_230 = arith.constant 19 : i32
    %dma_start3A_231 = arith.constant 3 : i32
    %dma_start3A_232 = arith.constant 0 : i32
    %dma_start3A_233 = arith.constant 0 : i32
    %dma_start3A_234 = tpu.memref_slice %arg7[%dma_start3A_231, %dma_start3A_232, %dma_start3A_233] : memref<16x50x64xf32, #tpu.memory_space<vmem>> -> memref<1x50x64xf32, #tpu.memory_space<vmem>>
    %dma_start3A_235 = tpu.memref_squeeze %dma_start3A_234 : memref<1x50x64xf32, #tpu.memory_space<vmem>> -> memref<50x64xf32, #tpu.memory_space<vmem>>
    %dma_start3A_236 = arith.constant 0 : i32
    %dma_start3A_237 = tpu.memref_slice %arg5[%dma_start3A_230, %dma_start3A_236] : memref<512x50xi32, #tpu.memory_space<vmem>> -> memref<1x50xi32, #tpu.memory_space<vmem>>
    %dma_start3A_238 = tpu.memref_squeeze %dma_start3A_237 : memref<1x50xi32, #tpu.memory_space<vmem>> -> memref<50xi32, #tpu.memory_space<vmem>>
    %dma_start3A_239 = arith.constant 0 : i32
    %dma_start3A_240 = arith.constant 0 : i32
    %dma_start3A_241 = tpu.memref_slice %arg2[%dma_start3A_239, %dma_start3A_240] : memref<1000192x64xf32, #tpu.memory_space<hbm>> -> memref<1000192x64xf32, #tpu.memory_space<hbm>>
    tpu.enqueue_indirect_dma source(%dma_start3A_241 : memref<1000192x64xf32, #tpu.memory_space<hbm>>) target(%dma_start3A_235 : memref<50x64xf32, #tpu.memory_space<vmem>>) offsets(%dma_start3A_238 : memref<50xi32, #tpu.memory_space<vmem>>) semaphore(%arg9 : memref<!tpu.dma_semaphore, #tpu.memory_space<semaphore_mem>>)
    %dma_start3A_242 = arith.constant 20 : i32
    %dma_start3A_243 = arith.constant 4 : i32
    %dma_start3A_244 = arith.constant 0 : i32
    %dma_start3A_245 = arith.constant 0 : i32
    %dma_start3A_246 = tpu.memref_slice %arg7[%dma_start3A_243, %dma_start3A_244, %dma_start3A_245] : memref<16x50x64xf32, #tpu.memory_space<vmem>> -> memref<1x50x64xf32, #tpu.memory_space<vmem>>
    %dma_start3A_247 = tpu.memref_squeeze %dma_start3A_246 : memref<1x50x64xf32, #tpu.memory_space<vmem>> -> memref<50x64xf32, #tpu.memory_space<vmem>>
    %dma_start3A_248 = arith.constant 0 : i32
    %dma_start3A_249 = tpu.memref_slice %arg5[%dma_start3A_242, %dma_start3A_248] : memref<512x50xi32, #tpu.memory_space<vmem>> -> memref<1x50xi32, #tpu.memory_space<vmem>>
    %dma_start3A_250 = tpu.memref_squeeze %dma_start3A_249 : memref<1x50xi32, #tpu.memory_space<vmem>> -> memref<50xi32, #tpu.memory_space<vmem>>
    %dma_start3A_251 = arith.constant 0 : i32
    %dma_start3A_252 = arith.constant 0 : i32
    %dma_start3A_253 = tpu.memref_slice %arg2[%dma_start3A_251, %dma_start3A_252] : memref<1000192x64xf32, #tpu.memory_space<hbm>> -> memref<1000192x64xf32, #tpu.memory_space<hbm>>
    tpu.enqueue_indirect_dma source(%dma_start3A_253 : memref<1000192x64xf32, #tpu.memory_space<hbm>>) target(%dma_start3A_247 : memref<50x64xf32, #tpu.memory_space<vmem>>) offsets(%dma_start3A_250 : memref<50xi32, #tpu.memory_space<vmem>>) semaphore(%arg9 : memref<!tpu.dma_semaphore, #tpu.memory_space<semaphore_mem>>)
    %dma_start3A_254 = arith.constant 21 : i32
    %dma_start3A_255 = arith.constant 5 : i32
    %dma_start3A_256 = arith.constant 0 : i32
    %dma_start3A_257 = arith.constant 0 : i32
    %dma_start3A_258 = tpu.memref_slice %arg7[%dma_start3A_255, %dma_start3A_256, %dma_start3A_257] : memref<16x50x64xf32, #tpu.memory_space<vmem>> -> memref<1x50x64xf32, #tpu.memory_space<vmem>>
    %dma_start3A_259 = tpu.memref_squeeze %dma_start3A_258 : memref<1x50x64xf32, #tpu.memory_space<vmem>> -> memref<50x64xf32, #tpu.memory_space<vmem>>
    %dma_start3A_260 = arith.constant 0 : i32
    %dma_start3A_261 = tpu.memref_slice %arg5[%dma_start3A_254, %dma_start3A_260] : memref<512x50xi32, #tpu.memory_space<vmem>> -> memref<1x50xi32, #tpu.memory_space<vmem>>
    %dma_start3A_262 = tpu.memref_squeeze %dma_start3A_261 : memref<1x50xi32, #tpu.memory_space<vmem>> -> memref<50xi32, #tpu.memory_space<vmem>>
    %dma_start3A_263 = arith.constant 0 : i32
    %dma_start3A_264 = arith.constant 0 : i32
    %dma_start3A_265 = tpu.memref_slice %arg2[%dma_start3A_263, %dma_start3A_264] : memref<1000192x64xf32, #tpu.memory_space<hbm>> -> memref<1000192x64xf32, #tpu.memory_space<hbm>>
    tpu.enqueue_indirect_dma source(%dma_start3A_265 : memref<1000192x64xf32, #tpu.memory_space<hbm>>) target(%dma_start3A_259 : memref<50x64xf32, #tpu.memory_space<vmem>>) offsets(%dma_start3A_262 : memref<50xi32, #tpu.memory_space<vmem>>) semaphore(%arg9 : memref<!tpu.dma_semaphore, #tpu.memory_space<semaphore_mem>>)
    %dma_start3A_266 = arith.constant 22 : i32
    %dma_start3A_267 = arith.constant 6 : i32
    %dma_start3A_268 = arith.constant 0 : i32
    %dma_start3A_269 = arith.constant 0 : i32
    %dma_start3A_270 = tpu.memref_slice %arg7[%dma_start3A_267, %dma_start3A_268, %dma_start3A_269] : memref<16x50x64xf32, #tpu.memory_space<vmem>> -> memref<1x50x64xf32, #tpu.memory_space<vmem>>
    %dma_start3A_271 = tpu.memref_squeeze %dma_start3A_270 : memref<1x50x64xf32, #tpu.memory_space<vmem>> -> memref<50x64xf32, #tpu.memory_space<vmem>>
    %dma_start3A_272 = arith.constant 0 : i32
    %dma_start3A_273 = tpu.memref_slice %arg5[%dma_start3A_266, %dma_start3A_272] : memref<512x50xi32, #tpu.memory_space<vmem>> -> memref<1x50xi32, #tpu.memory_space<vmem>>
    %dma_start3A_274 = tpu.memref_squeeze %dma_start3A_273 : memref<1x50xi32, #tpu.memory_space<vmem>> -> memref<50xi32, #tpu.memory_space<vmem>>
    %dma_start3A_275 = arith.constant 0 : i32
    %dma_start3A_276 = arith.constant 0 : i32
    %dma_start3A_277 = tpu.memref_slice %arg2[%dma_start3A_275, %dma_start3A_276] : memref<1000192x64xf32, #tpu.memory_space<hbm>> -> memref<1000192x64xf32, #tpu.memory_space<hbm>>
    tpu.enqueue_indirect_dma source(%dma_start3A_277 : memref<1000192x64xf32, #tpu.memory_space<hbm>>) target(%dma_start3A_271 : memref<50x64xf32, #tpu.memory_space<vmem>>) offsets(%dma_start3A_274 : memref<50xi32, #tpu.memory_space<vmem>>) semaphore(%arg9 : memref<!tpu.dma_semaphore, #tpu.memory_space<semaphore_mem>>)
    %dma_start3A_278 = arith.constant 23 : i32
    %dma_start3A_279 = arith.constant 7 : i32
    %dma_start3A_280 = arith.constant 0 : i32
    %dma_start3A_281 = arith.constant 0 : i32
    %dma_start3A_282 = tpu.memref_slice %arg7[%dma_start3A_279, %dma_start3A_280, %dma_start3A_281] : memref<16x50x64xf32, #tpu.memory_space<vmem>> -> memref<1x50x64xf32, #tpu.memory_space<vmem>>
    %dma_start3A_283 = tpu.memref_squeeze %dma_start3A_282 : memref<1x50x64xf32, #tpu.memory_space<vmem>> -> memref<50x64xf32, #tpu.memory_space<vmem>>
    %dma_start3A_284 = arith.constant 0 : i32
    %dma_start3A_285 = tpu.memref_slice %arg5[%dma_start3A_278, %dma_start3A_284] : memref<512x50xi32, #tpu.memory_space<vmem>> -> memref<1x50xi32, #tpu.memory_space<vmem>>
    %dma_start3A_286 = tpu.memref_squeeze %dma_start3A_285 : memref<1x50xi32, #tpu.memory_space<vmem>> -> memref<50xi32, #tpu.memory_space<vmem>>
    %dma_start3A_287 = arith.constant 0 : i32
    %dma_start3A_288 = arith.constant 0 : i32
    %dma_start3A_289 = tpu.memref_slice %arg2[%dma_start3A_287, %dma_start3A_288] : memref<1000192x64xf32, #tpu.memory_space<hbm>> -> memref<1000192x64xf32, #tpu.memory_space<hbm>>
    tpu.enqueue_indirect_dma source(%dma_start3A_289 : memref<1000192x64xf32, #tpu.memory_space<hbm>>) target(%dma_start3A_283 : memref<50x64xf32, #tpu.memory_space<vmem>>) offsets(%dma_start3A_286 : memref<50xi32, #tpu.memory_space<vmem>>) semaphore(%arg9 : memref<!tpu.dma_semaphore, #tpu.memory_space<semaphore_mem>>)
    %dma_start3A_290 = arith.constant 24 : i32
    %dma_start3A_291 = arith.constant 8 : i32
    %dma_start3A_292 = arith.constant 0 : i32
    %dma_start3A_293 = arith.constant 0 : i32
    %dma_start3A_294 = tpu.memref_slice %arg7[%dma_start3A_291, %dma_start3A_292, %dma_start3A_293] : memref<16x50x64xf32, #tpu.memory_space<vmem>> -> memref<1x50x64xf32, #tpu.memory_space<vmem>>
    %dma_start3A_295 = tpu.memref_squeeze %dma_start3A_294 : memref<1x50x64xf32, #tpu.memory_space<vmem>> -> memref<50x64xf32, #tpu.memory_space<vmem>>
    %dma_start3A_296 = arith.constant 0 : i32
    %dma_start3A_297 = tpu.memref_slice %arg5[%dma_start3A_290, %dma_start3A_296] : memref<512x50xi32, #tpu.memory_space<vmem>> -> memref<1x50xi32, #tpu.memory_space<vmem>>
    %dma_start3A_298 = tpu.memref_squeeze %dma_start3A_297 : memref<1x50xi32, #tpu.memory_space<vmem>> -> memref<50xi32, #tpu.memory_space<vmem>>
    %dma_start3A_299 = arith.constant 0 : i32
    %dma_start3A_300 = arith.constant 0 : i32
    %dma_start3A_301 = tpu.memref_slice %arg2[%dma_start3A_299, %dma_start3A_300] : memref<1000192x64xf32, #tpu.memory_space<hbm>> -> memref<1000192x64xf32, #tpu.memory_space<hbm>>
    tpu.enqueue_indirect_dma source(%dma_start3A_301 : memref<1000192x64xf32, #tpu.memory_space<hbm>>) target(%dma_start3A_295 : memref<50x64xf32, #tpu.memory_space<vmem>>) offsets(%dma_start3A_298 : memref<50xi32, #tpu.memory_space<vmem>>) semaphore(%arg9 : memref<!tpu.dma_semaphore, #tpu.memory_space<semaphore_mem>>)
    %dma_start3A_302 = arith.constant 25 : i32
    %dma_start3A_303 = arith.constant 9 : i32
    %dma_start3A_304 = arith.constant 0 : i32
    %dma_start3A_305 = arith.constant 0 : i32
    %dma_start3A_306 = tpu.memref_slice %arg7[%dma_start3A_303, %dma_start3A_304, %dma_start3A_305] : memref<16x50x64xf32, #tpu.memory_space<vmem>> -> memref<1x50x64xf32, #tpu.memory_space<vmem>>
    %dma_start3A_307 = tpu.memref_squeeze %dma_start3A_306 : memref<1x50x64xf32, #tpu.memory_space<vmem>> -> memref<50x64xf32, #tpu.memory_space<vmem>>
    %dma_start3A_308 = arith.constant 0 : i32
    %dma_start3A_309 = tpu.memref_slice %arg5[%dma_start3A_302, %dma_start3A_308] : memref<512x50xi32, #tpu.memory_space<vmem>> -> memref<1x50xi32, #tpu.memory_space<vmem>>
    %dma_start3A_310 = tpu.memref_squeeze %dma_start3A_309 : memref<1x50xi32, #tpu.memory_space<vmem>> -> memref<50xi32, #tpu.memory_space<vmem>>
    %dma_start3A_311 = arith.constant 0 : i32
    %dma_start3A_312 = arith.constant 0 : i32
    %dma_start3A_313 = tpu.memref_slice %arg2[%dma_start3A_311, %dma_start3A_312] : memref<1000192x64xf32, #tpu.memory_space<hbm>> -> memref<1000192x64xf32, #tpu.memory_space<hbm>>
    tpu.enqueue_indirect_dma source(%dma_start3A_313 : memref<1000192x64xf32, #tpu.memory_space<hbm>>) target(%dma_start3A_307 : memref<50x64xf32, #tpu.memory_space<vmem>>) offsets(%dma_start3A_310 : memref<50xi32, #tpu.memory_space<vmem>>) semaphore(%arg9 : memref<!tpu.dma_semaphore, #tpu.memory_space<semaphore_mem>>)
    %dma_start3A_314 = arith.constant 26 : i32
    %dma_start3A_315 = arith.constant 10 : i32
    %dma_start3A_316 = arith.constant 0 : i32
    %dma_start3A_317 = arith.constant 0 : i32
    %dma_start3A_318 = tpu.memref_slice %arg7[%dma_start3A_315, %dma_start3A_316, %dma_start3A_317] : memref<16x50x64xf32, #tpu.memory_space<vmem>> -> memref<1x50x64xf32, #tpu.memory_space<vmem>>
    %dma_start3A_319 = tpu.memref_squeeze %dma_start3A_318 : memref<1x50x64xf32, #tpu.memory_space<vmem>> -> memref<50x64xf32, #tpu.memory_space<vmem>>
    %dma_start3A_320 = arith.constant 0 : i32
    %dma_start3A_321 = tpu.memref_slice %arg5[%dma_start3A_314, %dma_start3A_320] : memref<512x50xi32, #tpu.memory_space<vmem>> -> memref<1x50xi32, #tpu.memory_space<vmem>>
    %dma_start3A_322 = tpu.memref_squeeze %dma_start3A_321 : memref<1x50xi32, #tpu.memory_space<vmem>> -> memref<50xi32, #tpu.memory_space<vmem>>
    %dma_start3A_323 = arith.constant 0 : i32
    %dma_start3A_324 = arith.constant 0 : i32
    %dma_start3A_325 = tpu.memref_slice %arg2[%dma_start3A_323, %dma_start3A_324] : memref<1000192x64xf32, #tpu.memory_space<hbm>> -> memref<1000192x64xf32, #tpu.memory_space<hbm>>
    tpu.enqueue_indirect_dma source(%dma_start3A_325 : memref<1000192x64xf32, #tpu.memory_space<hbm>>) target(%dma_start3A_319 : memref<50x64xf32, #tpu.memory_space<vmem>>) offsets(%dma_start3A_322 : memref<50xi32, #tpu.memory_space<vmem>>) semaphore(%arg9 : memref<!tpu.dma_semaphore, #tpu.memory_space<semaphore_mem>>)
    %dma_start3A_326 = arith.constant 27 : i32
    %dma_start3A_327 = arith.constant 11 : i32
    %dma_start3A_328 = arith.constant 0 : i32
    %dma_start3A_329 = arith.constant 0 : i32
    %dma_start3A_330 = tpu.memref_slice %arg7[%dma_start3A_327, %dma_start3A_328, %dma_start3A_329] : memref<16x50x64xf32, #tpu.memory_space<vmem>> -> memref<1x50x64xf32, #tpu.memory_space<vmem>>
    %dma_start3A_331 = tpu.memref_squeeze %dma_start3A_330 : memref<1x50x64xf32, #tpu.memory_space<vmem>> -> memref<50x64xf32, #tpu.memory_space<vmem>>
    %dma_start3A_332 = arith.constant 0 : i32
    %dma_start3A_333 = tpu.memref_slice %arg5[%dma_start3A_326, %dma_start3A_332] : memref<512x50xi32, #tpu.memory_space<vmem>> -> memref<1x50xi32, #tpu.memory_space<vmem>>
    %dma_start3A_334 = tpu.memref_squeeze %dma_start3A_333 : memref<1x50xi32, #tpu.memory_space<vmem>> -> memref<50xi32, #tpu.memory_space<vmem>>
    %dma_start3A_335 = arith.constant 0 : i32
    %dma_start3A_336 = arith.constant 0 : i32
    %dma_start3A_337 = tpu.memref_slice %arg2[%dma_start3A_335, %dma_start3A_336] : memref<1000192x64xf32, #tpu.memory_space<hbm>> -> memref<1000192x64xf32, #tpu.memory_space<hbm>>
    tpu.enqueue_indirect_dma source(%dma_start3A_337 : memref<1000192x64xf32, #tpu.memory_space<hbm>>) target(%dma_start3A_331 : memref<50x64xf32, #tpu.memory_space<vmem>>) offsets(%dma_start3A_334 : memref<50xi32, #tpu.memory_space<vmem>>) semaphore(%arg9 : memref<!tpu.dma_semaphore, #tpu.memory_space<semaphore_mem>>)
    %dma_start3A_338 = arith.constant 28 : i32
    %dma_start3A_339 = arith.constant 12 : i32
    %dma_start3A_340 = arith.constant 0 : i32
    %dma_start3A_341 = arith.constant 0 : i32
    %dma_start3A_342 = tpu.memref_slice %arg7[%dma_start3A_339, %dma_start3A_340, %dma_start3A_341] : memref<16x50x64xf32, #tpu.memory_space<vmem>> -> memref<1x50x64xf32, #tpu.memory_space<vmem>>
    %dma_start3A_343 = tpu.memref_squeeze %dma_start3A_342 : memref<1x50x64xf32, #tpu.memory_space<vmem>> -> memref<50x64xf32, #tpu.memory_space<vmem>>
    %dma_start3A_344 = arith.constant 0 : i32
    %dma_start3A_345 = tpu.memref_slice %arg5[%dma_start3A_338, %dma_start3A_344] : memref<512x50xi32, #tpu.memory_space<vmem>> -> memref<1x50xi32, #tpu.memory_space<vmem>>
    %dma_start3A_346 = tpu.memref_squeeze %dma_start3A_345 : memref<1x50xi32, #tpu.memory_space<vmem>> -> memref<50xi32, #tpu.memory_space<vmem>>
    %dma_start3A_347 = arith.constant 0 : i32
    %dma_start3A_348 = arith.constant 0 : i32
    %dma_start3A_349 = tpu.memref_slice %arg2[%dma_start3A_347, %dma_start3A_348] : memref<1000192x64xf32, #tpu.memory_space<hbm>> -> memref<1000192x64xf32, #tpu.memory_space<hbm>>
    tpu.enqueue_indirect_dma source(%dma_start3A_349 : memref<1000192x64xf32, #tpu.memory_space<hbm>>) target(%dma_start3A_343 : memref<50x64xf32, #tpu.memory_space<vmem>>) offsets(%dma_start3A_346 : memref<50xi32, #tpu.memory_space<vmem>>) semaphore(%arg9 : memref<!tpu.dma_semaphore, #tpu.memory_space<semaphore_mem>>)
    %dma_start3A_350 = arith.constant 29 : i32
    %dma_start3A_351 = arith.constant 13 : i32
    %dma_start3A_352 = arith.constant 0 : i32
    %dma_start3A_353 = arith.constant 0 : i32
    %dma_start3A_354 = tpu.memref_slice %arg7[%dma_start3A_351, %dma_start3A_352, %dma_start3A_353] : memref<16x50x64xf32, #tpu.memory_space<vmem>> -> memref<1x50x64xf32, #tpu.memory_space<vmem>>
    %dma_start3A_355 = tpu.memref_squeeze %dma_start3A_354 : memref<1x50x64xf32, #tpu.memory_space<vmem>> -> memref<50x64xf32, #tpu.memory_space<vmem>>
    %dma_start3A_356 = arith.constant 0 : i32
    %dma_start3A_357 = tpu.memref_slice %arg5[%dma_start3A_350, %dma_start3A_356] : memref<512x50xi32, #tpu.memory_space<vmem>> -> memref<1x50xi32, #tpu.memory_space<vmem>>
    %dma_start3A_358 = tpu.memref_squeeze %dma_start3A_357 : memref<1x50xi32, #tpu.memory_space<vmem>> -> memref<50xi32, #tpu.memory_space<vmem>>
    %dma_start3A_359 = arith.constant 0 : i32
    %dma_start3A_360 = arith.constant 0 : i32
    %dma_start3A_361 = tpu.memref_slice %arg2[%dma_start3A_359, %dma_start3A_360] : memref<1000192x64xf32, #tpu.memory_space<hbm>> -> memref<1000192x64xf32, #tpu.memory_space<hbm>>
    tpu.enqueue_indirect_dma source(%dma_start3A_361 : memref<1000192x64xf32, #tpu.memory_space<hbm>>) target(%dma_start3A_355 : memref<50x64xf32, #tpu.memory_space<vmem>>) offsets(%dma_start3A_358 : memref<50xi32, #tpu.memory_space<vmem>>) semaphore(%arg9 : memref<!tpu.dma_semaphore, #tpu.memory_space<semaphore_mem>>)
    %dma_start3A_362 = arith.constant 30 : i32
    %dma_start3A_363 = arith.constant 14 : i32
    %dma_start3A_364 = arith.constant 0 : i32
    %dma_start3A_365 = arith.constant 0 : i32
    %dma_start3A_366 = tpu.memref_slice %arg7[%dma_start3A_363, %dma_start3A_364, %dma_start3A_365] : memref<16x50x64xf32, #tpu.memory_space<vmem>> -> memref<1x50x64xf32, #tpu.memory_space<vmem>>
    %dma_start3A_367 = tpu.memref_squeeze %dma_start3A_366 : memref<1x50x64xf32, #tpu.memory_space<vmem>> -> memref<50x64xf32, #tpu.memory_space<vmem>>
    %dma_start3A_368 = arith.constant 0 : i32
    %dma_start3A_369 = tpu.memref_slice %arg5[%dma_start3A_362, %dma_start3A_368] : memref<512x50xi32, #tpu.memory_space<vmem>> -> memref<1x50xi32, #tpu.memory_space<vmem>>
    %dma_start3A_370 = tpu.memref_squeeze %dma_start3A_369 : memref<1x50xi32, #tpu.memory_space<vmem>> -> memref<50xi32, #tpu.memory_space<vmem>>
    %dma_start3A_371 = arith.constant 0 : i32
    %dma_start3A_372 = arith.constant 0 : i32
    %dma_start3A_373 = tpu.memref_slice %arg2[%dma_start3A_371, %dma_start3A_372] : memref<1000192x64xf32, #tpu.memory_space<hbm>> -> memref<1000192x64xf32, #tpu.memory_space<hbm>>
    tpu.enqueue_indirect_dma source(%dma_start3A_373 : memref<1000192x64xf32, #tpu.memory_space<hbm>>) target(%dma_start3A_367 : memref<50x64xf32, #tpu.memory_space<vmem>>) offsets(%dma_start3A_370 : memref<50xi32, #tpu.memory_space<vmem>>) semaphore(%arg9 : memref<!tpu.dma_semaphore, #tpu.memory_space<semaphore_mem>>)
    %dma_start3A_374 = arith.constant 31 : i32
    %dma_start3A_375 = arith.constant 15 : i32
    %dma_start3A_376 = arith.constant 0 : i32
    %dma_start3A_377 = arith.constant 0 : i32
    %dma_start3A_378 = tpu.memref_slice %arg7[%dma_start3A_375, %dma_start3A_376, %dma_start3A_377] : memref<16x50x64xf32, #tpu.memory_space<vmem>> -> memref<1x50x64xf32, #tpu.memory_space<vmem>>
    %dma_start3A_379 = tpu.memref_squeeze %dma_start3A_378 : memref<1x50x64xf32, #tpu.memory_space<vmem>> -> memref<50x64xf32, #tpu.memory_space<vmem>>
    %dma_start3A_380 = arith.constant 0 : i32
    %dma_start3A_381 = tpu.memref_slice %arg5[%dma_start3A_374, %dma_start3A_380] : memref<512x50xi32, #tpu.memory_space<vmem>> -> memref<1x50xi32, #tpu.memory_space<vmem>>
    %dma_start3A_382 = tpu.memref_squeeze %dma_start3A_381 : memref<1x50xi32, #tpu.memory_space<vmem>> -> memref<50xi32, #tpu.memory_space<vmem>>
    %dma_start3A_383 = arith.constant 0 : i32
    %dma_start3A_384 = arith.constant 0 : i32
    %dma_start3A_385 = tpu.memref_slice %arg2[%dma_start3A_383, %dma_start3A_384] : memref<1000192x64xf32, #tpu.memory_space<hbm>> -> memref<1000192x64xf32, #tpu.memory_space<hbm>>
    tpu.enqueue_indirect_dma source(%dma_start3A_385 : memref<1000192x64xf32, #tpu.memory_space<hbm>>) target(%dma_start3A_379 : memref<50x64xf32, #tpu.memory_space<vmem>>) offsets(%dma_start3A_382 : memref<50xi32, #tpu.memory_space<vmem>>) semaphore(%arg9 : memref<!tpu.dma_semaphore, #tpu.memory_space<semaphore_mem>>)
    %dma_wait3A = arith.constant 0 : i32
    %dma_wait3A_386 = arith.constant 0 : i32
    %dma_wait3A_387 = arith.constant 0 : i32
    %dma_wait3A_388 = tpu.memref_slice %arg4[%dma_wait3A, %dma_wait3A_386, %dma_wait3A_387] : memref<16384x56x128xf32, #tpu.memory_space<hbm>> -> memref<16x56x128xf32, #tpu.memory_space<hbm>>
    %dma_wait3A_389 = arith.constant 0 : i32
    %dma_wait3A_390 = arith.constant 0 : i32
    %dma_wait3A_391 = arith.constant 0 : i32
    %dma_wait3A_392 = tpu.memref_slice %arg4[%dma_wait3A_389, %dma_wait3A_390, %dma_wait3A_391] : memref<16384x56x128xf32, #tpu.memory_space<hbm>> -> memref<16x56x128xf32, #tpu.memory_space<hbm>>
    tpu.wait_dma2 semaphore(%arg8 : memref<!tpu.dma_semaphore, #tpu.memory_space<semaphore_mem>>) src(%dma_wait3A_392 : memref<16x56x128xf32, #tpu.memory_space<hbm>>) dst(%arg6 : memref<16x50x64xf32, #tpu.memory_space<vmem>>)
    %add3A_393 = arith.constant 0 : i32
    %add3A_394 = arith.addi %mul3A_2, %add3A_393 : i32
    %dma_start3A_395 = arith.constant 0 : i32
    %dma_start3A_396 = arith.constant 0 : i32
    %dma_start3A_397 = tpu.memref_slice %arg4[%add3A_394, %dma_start3A_395, %dma_start3A_396] : memref<16384x56x128xf32, #tpu.memory_space<hbm>> -> memref<16x50x64xf32, #tpu.memory_space<hbm>>
    %dma_start3A_398 = arith.constant 0 : i32
    %dma_start3A_399 = arith.constant 0 : i32
    %dma_start3A_400 = tpu.memref_slice %arg4[%add3A_394, %dma_start3A_398, %dma_start3A_399] : memref<16384x56x128xf32, #tpu.memory_space<hbm>> -> memref<16x50x64xf32, #tpu.memory_space<hbm>>
    tpu.enqueue_dma source(%arg6 : memref<16x50x64xf32, #tpu.memory_space<vmem>>) target(%dma_start3A_400 : memref<16x50x64xf32, #tpu.memory_space<hbm>>) target_semaphore(%arg10 : memref<!tpu.dma_semaphore, #tpu.memory_space<semaphore_mem>>)
    %scan3A = arith.constant 0 : i32
    %scan3A_401 = arith.constant 0 : i32
    %scan3A_402 = arith.constant 15 : i32
    %scan3A_403 = arith.addi %scan3A_401, %scan3A_402 : i32
    %scan3A_404 = arith.constant 1 : i32
    scf.for %scan3A_434 = %scan3A_401 to %scan3A_403 step %scan3A_404  : i32 {
      %mul3A_435 = arith.constant 2 : i32
      %mul3A_436 = arith.muli %mul3A_435, %scan3A_434 : i32
      %add3A_437 = arith.constant 1 : i32
      %add3A_438 = arith.addi %mul3A_436, %add3A_437 : i32
      %dma_wait3A_439 = arith.constant 0 : i32
      %dma_wait3A_440 = arith.constant 0 : i32
      %dma_wait3A_441 = tpu.memref_slice %arg4[%mul3A_2, %dma_wait3A_439, %dma_wait3A_440] : memref<16384x56x128xf32, #tpu.memory_space<hbm>> -> memref<16x50x64xf32, #tpu.memory_space<hbm>>
      %dma_wait3A_442 = arith.constant 0 : i32
      %dma_wait3A_443 = arith.constant 0 : i32
      %dma_wait3A_444 = tpu.memref_slice %arg4[%mul3A_2, %dma_wait3A_442, %dma_wait3A_443] : memref<16384x56x128xf32, #tpu.memory_space<hbm>> -> memref<16x50x64xf32, #tpu.memory_space<hbm>>
      tpu.wait_dma2 semaphore(%arg10 : memref<!tpu.dma_semaphore, #tpu.memory_space<semaphore_mem>>) src(%arg6 : memref<16x50x64xf32, #tpu.memory_space<vmem>>) dst(%dma_wait3A_444 : memref<16x50x64xf32, #tpu.memory_space<hbm>>)
      %add3A_445 = arith.constant 1 : i32
      %add3A_446 = arith.addi %add3A_438, %add3A_445 : i32
      %mul3A_447 = arith.constant 16 : i32
      %mul3A_448 = arith.muli %add3A_446, %mul3A_447 : i32
      %add3A_449 = arith.constant 0 : i32
      %add3A_450 = arith.addi %mul3A_448, %add3A_449 : i32
      %dma_start3A_451 = arith.constant 0 : i32
      %dma_start3A_452 = arith.constant 0 : i32
      %dma_start3A_453 = arith.constant 0 : i32
      %dma_start3A_454 = tpu.memref_slice %arg6[%dma_start3A_451, %dma_start3A_452, %dma_start3A_453] : memref<16x50x64xf32, #tpu.memory_space<vmem>> -> memref<1x50x64xf32, #tpu.memory_space<vmem>>
      %dma_start3A_455 = tpu.memref_squeeze %dma_start3A_454 : memref<1x50x64xf32, #tpu.memory_space<vmem>> -> memref<50x64xf32, #tpu.memory_space<vmem>>
      %dma_start3A_456 = arith.constant 0 : i32
      %dma_start3A_457 = tpu.memref_slice %arg5[%add3A_450, %dma_start3A_456] : memref<512x50xi32, #tpu.memory_space<vmem>> -> memref<1x50xi32, #tpu.memory_space<vmem>>
      %dma_start3A_458 = tpu.memref_squeeze %dma_start3A_457 : memref<1x50xi32, #tpu.memory_space<vmem>> -> memref<50xi32, #tpu.memory_space<vmem>>
      %dma_start3A_459 = arith.constant 0 : i32
      %dma_start3A_460 = arith.constant 0 : i32
      %dma_start3A_461 = tpu.memref_slice %arg2[%dma_start3A_459, %dma_start3A_460] : memref<1000192x64xf32, #tpu.memory_space<hbm>> -> memref<1000192x64xf32, #tpu.memory_space<hbm>>
      tpu.enqueue_indirect_dma source(%dma_start3A_461 : memref<1000192x64xf32, #tpu.memory_space<hbm>>) target(%dma_start3A_455 : memref<50x64xf32, #tpu.memory_space<vmem>>) offsets(%dma_start3A_458 : memref<50xi32, #tpu.memory_space<vmem>>) semaphore(%arg8 : memref<!tpu.dma_semaphore, #tpu.memory_space<semaphore_mem>>)
      %mul3A_462 = arith.constant 16 : i32
      %mul3A_463 = arith.muli %add3A_446, %mul3A_462 : i32
      %add3A_464 = arith.constant 1 : i32
      %add3A_465 = arith.addi %mul3A_463, %add3A_464 : i32
      %dma_start3A_466 = arith.constant 1 : i32
      %dma_start3A_467 = arith.constant 0 : i32
      %dma_start3A_468 = arith.constant 0 : i32
      %dma_start3A_469 = tpu.memref_slice %arg6[%dma_start3A_466, %dma_start3A_467, %dma_start3A_468] : memref<16x50x64xf32, #tpu.memory_space<vmem>> -> memref<1x50x64xf32, #tpu.memory_space<vmem>>
      %dma_start3A_470 = tpu.memref_squeeze %dma_start3A_469 : memref<1x50x64xf32, #tpu.memory_space<vmem>> -> memref<50x64xf32, #tpu.memory_space<vmem>>
      %dma_start3A_471 = arith.constant 0 : i32
      %dma_start3A_472 = tpu.memref_slice %arg5[%add3A_465, %dma_start3A_471] : memref<512x50xi32, #tpu.memory_space<vmem>> -> memref<1x50xi32, #tpu.memory_space<vmem>>
      %dma_start3A_473 = tpu.memref_squeeze %dma_start3A_472 : memref<1x50xi32, #tpu.memory_space<vmem>> -> memref<50xi32, #tpu.memory_space<vmem>>
      %dma_start3A_474 = arith.constant 0 : i32
      %dma_start3A_475 = arith.constant 0 : i32
      %dma_start3A_476 = tpu.memref_slice %arg2[%dma_start3A_474, %dma_start3A_475] : memref<1000192x64xf32, #tpu.memory_space<hbm>> -> memref<1000192x64xf32, #tpu.memory_space<hbm>>
      tpu.enqueue_indirect_dma source(%dma_start3A_476 : memref<1000192x64xf32, #tpu.memory_space<hbm>>) target(%dma_start3A_470 : memref<50x64xf32, #tpu.memory_space<vmem>>) offsets(%dma_start3A_473 : memref<50xi32, #tpu.memory_space<vmem>>) semaphore(%arg8 : memref<!tpu.dma_semaphore, #tpu.memory_space<semaphore_mem>>)
      %mul3A_477 = arith.constant 16 : i32
      %mul3A_478 = arith.muli %add3A_446, %mul3A_477 : i32
      %add3A_479 = arith.constant 2 : i32
      %add3A_480 = arith.addi %mul3A_478, %add3A_479 : i32
      %dma_start3A_481 = arith.constant 2 : i32
      %dma_start3A_482 = arith.constant 0 : i32
      %dma_start3A_483 = arith.constant 0 : i32
      %dma_start3A_484 = tpu.memref_slice %arg6[%dma_start3A_481, %dma_start3A_482, %dma_start3A_483] : memref<16x50x64xf32, #tpu.memory_space<vmem>> -> memref<1x50x64xf32, #tpu.memory_space<vmem>>
      %dma_start3A_485 = tpu.memref_squeeze %dma_start3A_484 : memref<1x50x64xf32, #tpu.memory_space<vmem>> -> memref<50x64xf32, #tpu.memory_space<vmem>>
      %dma_start3A_486 = arith.constant 0 : i32
      %dma_start3A_487 = tpu.memref_slice %arg5[%add3A_480, %dma_start3A_486] : memref<512x50xi32, #tpu.memory_space<vmem>> -> memref<1x50xi32, #tpu.memory_space<vmem>>
      %dma_start3A_488 = tpu.memref_squeeze %dma_start3A_487 : memref<1x50xi32, #tpu.memory_space<vmem>> -> memref<50xi32, #tpu.memory_space<vmem>>
      %dma_start3A_489 = arith.constant 0 : i32
      %dma_start3A_490 = arith.constant 0 : i32
      %dma_start3A_491 = tpu.memref_slice %arg2[%dma_start3A_489, %dma_start3A_490] : memref<1000192x64xf32, #tpu.memory_space<hbm>> -> memref<1000192x64xf32, #tpu.memory_space<hbm>>
      tpu.enqueue_indirect_dma source(%dma_start3A_491 : memref<1000192x64xf32, #tpu.memory_space<hbm>>) target(%dma_start3A_485 : memref<50x64xf32, #tpu.memory_space<vmem>>) offsets(%dma_start3A_488 : memref<50xi32, #tpu.memory_space<vmem>>) semaphore(%arg8 : memref<!tpu.dma_semaphore, #tpu.memory_space<semaphore_mem>>)
      %mul3A_492 = arith.constant 16 : i32
      %mul3A_493 = arith.muli %add3A_446, %mul3A_492 : i32
      %add3A_494 = arith.constant 3 : i32
      %add3A_495 = arith.addi %mul3A_493, %add3A_494 : i32
      %dma_start3A_496 = arith.constant 3 : i32
      %dma_start3A_497 = arith.constant 0 : i32
      %dma_start3A_498 = arith.constant 0 : i32
      %dma_start3A_499 = tpu.memref_slice %arg6[%dma_start3A_496, %dma_start3A_497, %dma_start3A_498] : memref<16x50x64xf32, #tpu.memory_space<vmem>> -> memref<1x50x64xf32, #tpu.memory_space<vmem>>
      %dma_start3A_500 = tpu.memref_squeeze %dma_start3A_499 : memref<1x50x64xf32, #tpu.memory_space<vmem>> -> memref<50x64xf32, #tpu.memory_space<vmem>>
      %dma_start3A_501 = arith.constant 0 : i32
      %dma_start3A_502 = tpu.memref_slice %arg5[%add3A_495, %dma_start3A_501] : memref<512x50xi32, #tpu.memory_space<vmem>> -> memref<1x50xi32, #tpu.memory_space<vmem>>
      %dma_start3A_503 = tpu.memref_squeeze %dma_start3A_502 : memref<1x50xi32, #tpu.memory_space<vmem>> -> memref<50xi32, #tpu.memory_space<vmem>>
      %dma_start3A_504 = arith.constant 0 : i32
      %dma_start3A_505 = arith.constant 0 : i32
      %dma_start3A_506 = tpu.memref_slice %arg2[%dma_start3A_504, %dma_start3A_505] : memref<1000192x64xf32, #tpu.memory_space<hbm>> -> memref<1000192x64xf32, #tpu.memory_space<hbm>>
      tpu.enqueue_indirect_dma source(%dma_start3A_506 : memref<1000192x64xf32, #tpu.memory_space<hbm>>) target(%dma_start3A_500 : memref<50x64xf32, #tpu.memory_space<vmem>>) offsets(%dma_start3A_503 : memref<50xi32, #tpu.memory_space<vmem>>) semaphore(%arg8 : memref<!tpu.dma_semaphore, #tpu.memory_space<semaphore_mem>>)
      %mul3A_507 = arith.constant 16 : i32
      %mul3A_508 = arith.muli %add3A_446, %mul3A_507 : i32
      %add3A_509 = arith.constant 4 : i32
      %add3A_510 = arith.addi %mul3A_508, %add3A_509 : i32
      %dma_start3A_511 = arith.constant 4 : i32
      %dma_start3A_512 = arith.constant 0 : i32
      %dma_start3A_513 = arith.constant 0 : i32
      %dma_start3A_514 = tpu.memref_slice %arg6[%dma_start3A_511, %dma_start3A_512, %dma_start3A_513] : memref<16x50x64xf32, #tpu.memory_space<vmem>> -> memref<1x50x64xf32, #tpu.memory_space<vmem>>
      %dma_start3A_515 = tpu.memref_squeeze %dma_start3A_514 : memref<1x50x64xf32, #tpu.memory_space<vmem>> -> memref<50x64xf32, #tpu.memory_space<vmem>>
      %dma_start3A_516 = arith.constant 0 : i32
      %dma_start3A_517 = tpu.memref_slice %arg5[%add3A_510, %dma_start3A_516] : memref<512x50xi32, #tpu.memory_space<vmem>> -> memref<1x50xi32, #tpu.memory_space<vmem>>
      %dma_start3A_518 = tpu.memref_squeeze %dma_start3A_517 : memref<1x50xi32, #tpu.memory_space<vmem>> -> memref<50xi32, #tpu.memory_space<vmem>>
      %dma_start3A_519 = arith.constant 0 : i32
      %dma_start3A_520 = arith.constant 0 : i32
      %dma_start3A_521 = tpu.memref_slice %arg2[%dma_start3A_519, %dma_start3A_520] : memref<1000192x64xf32, #tpu.memory_space<hbm>> -> memref<1000192x64xf32, #tpu.memory_space<hbm>>
      tpu.enqueue_indirect_dma source(%dma_start3A_521 : memref<1000192x64xf32, #tpu.memory_space<hbm>>) target(%dma_start3A_515 : memref<50x64xf32, #tpu.memory_space<vmem>>) offsets(%dma_start3A_518 : memref<50xi32, #tpu.memory_space<vmem>>) semaphore(%arg8 : memref<!tpu.dma_semaphore, #tpu.memory_space<semaphore_mem>>)
      %mul3A_522 = arith.constant 16 : i32
      %mul3A_523 = arith.muli %add3A_446, %mul3A_522 : i32
      %add3A_524 = arith.constant 5 : i32
      %add3A_525 = arith.addi %mul3A_523, %add3A_524 : i32
      %dma_start3A_526 = arith.constant 5 : i32
      %dma_start3A_527 = arith.constant 0 : i32
      %dma_start3A_528 = arith.constant 0 : i32
      %dma_start3A_529 = tpu.memref_slice %arg6[%dma_start3A_526, %dma_start3A_527, %dma_start3A_528] : memref<16x50x64xf32, #tpu.memory_space<vmem>> -> memref<1x50x64xf32, #tpu.memory_space<vmem>>
      %dma_start3A_530 = tpu.memref_squeeze %dma_start3A_529 : memref<1x50x64xf32, #tpu.memory_space<vmem>> -> memref<50x64xf32, #tpu.memory_space<vmem>>
      %dma_start3A_531 = arith.constant 0 : i32
      %dma_start3A_532 = tpu.memref_slice %arg5[%add3A_525, %dma_start3A_531] : memref<512x50xi32, #tpu.memory_space<vmem>> -> memref<1x50xi32, #tpu.memory_space<vmem>>
      %dma_start3A_533 = tpu.memref_squeeze %dma_start3A_532 : memref<1x50xi32, #tpu.memory_space<vmem>> -> memref<50xi32, #tpu.memory_space<vmem>>
      %dma_start3A_534 = arith.constant 0 : i32
      %dma_start3A_535 = arith.constant 0 : i32
      %dma_start3A_536 = tpu.memref_slice %arg2[%dma_start3A_534, %dma_start3A_535] : memref<1000192x64xf32, #tpu.memory_space<hbm>> -> memref<1000192x64xf32, #tpu.memory_space<hbm>>
      tpu.enqueue_indirect_dma source(%dma_start3A_536 : memref<1000192x64xf32, #tpu.memory_space<hbm>>) target(%dma_start3A_530 : memref<50x64xf32, #tpu.memory_space<vmem>>) offsets(%dma_start3A_533 : memref<50xi32, #tpu.memory_space<vmem>>) semaphore(%arg8 : memref<!tpu.dma_semaphore, #tpu.memory_space<semaphore_mem>>)
      %mul3A_537 = arith.constant 16 : i32
      %mul3A_538 = arith.muli %add3A_446, %mul3A_537 : i32
      %add3A_539 = arith.constant 6 : i32
      %add3A_540 = arith.addi %mul3A_538, %add3A_539 : i32
      %dma_start3A_541 = arith.constant 6 : i32
      %dma_start3A_542 = arith.constant 0 : i32
      %dma_start3A_543 = arith.constant 0 : i32
      %dma_start3A_544 = tpu.memref_slice %arg6[%dma_start3A_541, %dma_start3A_542, %dma_start3A_543] : memref<16x50x64xf32, #tpu.memory_space<vmem>> -> memref<1x50x64xf32, #tpu.memory_space<vmem>>
      %dma_start3A_545 = tpu.memref_squeeze %dma_start3A_544 : memref<1x50x64xf32, #tpu.memory_space<vmem>> -> memref<50x64xf32, #tpu.memory_space<vmem>>
      %dma_start3A_546 = arith.constant 0 : i32
      %dma_start3A_547 = tpu.memref_slice %arg5[%add3A_540, %dma_start3A_546] : memref<512x50xi32, #tpu.memory_space<vmem>> -> memref<1x50xi32, #tpu.memory_space<vmem>>
      %dma_start3A_548 = tpu.memref_squeeze %dma_start3A_547 : memref<1x50xi32, #tpu.memory_space<vmem>> -> memref<50xi32, #tpu.memory_space<vmem>>
      %dma_start3A_549 = arith.constant 0 : i32
      %dma_start3A_550 = arith.constant 0 : i32
      %dma_start3A_551 = tpu.memref_slice %arg2[%dma_start3A_549, %dma_start3A_550] : memref<1000192x64xf32, #tpu.memory_space<hbm>> -> memref<1000192x64xf32, #tpu.memory_space<hbm>>
      tpu.enqueue_indirect_dma source(%dma_start3A_551 : memref<1000192x64xf32, #tpu.memory_space<hbm>>) target(%dma_start3A_545 : memref<50x64xf32, #tpu.memory_space<vmem>>) offsets(%dma_start3A_548 : memref<50xi32, #tpu.memory_space<vmem>>) semaphore(%arg8 : memref<!tpu.dma_semaphore, #tpu.memory_space<semaphore_mem>>)
      %mul3A_552 = arith.constant 16 : i32
      %mul3A_553 = arith.muli %add3A_446, %mul3A_552 : i32
      %add3A_554 = arith.constant 7 : i32
      %add3A_555 = arith.addi %mul3A_553, %add3A_554 : i32
      %dma_start3A_556 = arith.constant 7 : i32
      %dma_start3A_557 = arith.constant 0 : i32
      %dma_start3A_558 = arith.constant 0 : i32
      %dma_start3A_559 = tpu.memref_slice %arg6[%dma_start3A_556, %dma_start3A_557, %dma_start3A_558] : memref<16x50x64xf32, #tpu.memory_space<vmem>> -> memref<1x50x64xf32, #tpu.memory_space<vmem>>
      %dma_start3A_560 = tpu.memref_squeeze %dma_start3A_559 : memref<1x50x64xf32, #tpu.memory_space<vmem>> -> memref<50x64xf32, #tpu.memory_space<vmem>>
      %dma_start3A_561 = arith.constant 0 : i32
      %dma_start3A_562 = tpu.memref_slice %arg5[%add3A_555, %dma_start3A_561] : memref<512x50xi32, #tpu.memory_space<vmem>> -> memref<1x50xi32, #tpu.memory_space<vmem>>
      %dma_start3A_563 = tpu.memref_squeeze %dma_start3A_562 : memref<1x50xi32, #tpu.memory_space<vmem>> -> memref<50xi32, #tpu.memory_space<vmem>>
      %dma_start3A_564 = arith.constant 0 : i32
      %dma_start3A_565 = arith.constant 0 : i32
      %dma_start3A_566 = tpu.memref_slice %arg2[%dma_start3A_564, %dma_start3A_565] : memref<1000192x64xf32, #tpu.memory_space<hbm>> -> memref<1000192x64xf32, #tpu.memory_space<hbm>>
      tpu.enqueue_indirect_dma source(%dma_start3A_566 : memref<1000192x64xf32, #tpu.memory_space<hbm>>) target(%dma_start3A_560 : memref<50x64xf32, #tpu.memory_space<vmem>>) offsets(%dma_start3A_563 : memref<50xi32, #tpu.memory_space<vmem>>) semaphore(%arg8 : memref<!tpu.dma_semaphore, #tpu.memory_space<semaphore_mem>>)
      %mul3A_567 = arith.constant 16 : i32
      %mul3A_568 = arith.muli %add3A_446, %mul3A_567 : i32
      %add3A_569 = arith.constant 8 : i32
      %add3A_570 = arith.addi %mul3A_568, %add3A_569 : i32
      %dma_start3A_571 = arith.constant 8 : i32
      %dma_start3A_572 = arith.constant 0 : i32
      %dma_start3A_573 = arith.constant 0 : i32
      %dma_start3A_574 = tpu.memref_slice %arg6[%dma_start3A_571, %dma_start3A_572, %dma_start3A_573] : memref<16x50x64xf32, #tpu.memory_space<vmem>> -> memref<1x50x64xf32, #tpu.memory_space<vmem>>
      %dma_start3A_575 = tpu.memref_squeeze %dma_start3A_574 : memref<1x50x64xf32, #tpu.memory_space<vmem>> -> memref<50x64xf32, #tpu.memory_space<vmem>>
      %dma_start3A_576 = arith.constant 0 : i32
      %dma_start3A_577 = tpu.memref_slice %arg5[%add3A_570, %dma_start3A_576] : memref<512x50xi32, #tpu.memory_space<vmem>> -> memref<1x50xi32, #tpu.memory_space<vmem>>
      %dma_start3A_578 = tpu.memref_squeeze %dma_start3A_577 : memref<1x50xi32, #tpu.memory_space<vmem>> -> memref<50xi32, #tpu.memory_space<vmem>>
      %dma_start3A_579 = arith.constant 0 : i32
      %dma_start3A_580 = arith.constant 0 : i32
      %dma_start3A_581 = tpu.memref_slice %arg2[%dma_start3A_579, %dma_start3A_580] : memref<1000192x64xf32, #tpu.memory_space<hbm>> -> memref<1000192x64xf32, #tpu.memory_space<hbm>>
      tpu.enqueue_indirect_dma source(%dma_start3A_581 : memref<1000192x64xf32, #tpu.memory_space<hbm>>) target(%dma_start3A_575 : memref<50x64xf32, #tpu.memory_space<vmem>>) offsets(%dma_start3A_578 : memref<50xi32, #tpu.memory_space<vmem>>) semaphore(%arg8 : memref<!tpu.dma_semaphore, #tpu.memory_space<semaphore_mem>>)
      %mul3A_582 = arith.constant 16 : i32
      %mul3A_583 = arith.muli %add3A_446, %mul3A_582 : i32
      %add3A_584 = arith.constant 9 : i32
      %add3A_585 = arith.addi %mul3A_583, %add3A_584 : i32
      %dma_start3A_586 = arith.constant 9 : i32
      %dma_start3A_587 = arith.constant 0 : i32
      %dma_start3A_588 = arith.constant 0 : i32
      %dma_start3A_589 = tpu.memref_slice %arg6[%dma_start3A_586, %dma_start3A_587, %dma_start3A_588] : memref<16x50x64xf32, #tpu.memory_space<vmem>> -> memref<1x50x64xf32, #tpu.memory_space<vmem>>
      %dma_start3A_590 = tpu.memref_squeeze %dma_start3A_589 : memref<1x50x64xf32, #tpu.memory_space<vmem>> -> memref<50x64xf32, #tpu.memory_space<vmem>>
      %dma_start3A_591 = arith.constant 0 : i32
      %dma_start3A_592 = tpu.memref_slice %arg5[%add3A_585, %dma_start3A_591] : memref<512x50xi32, #tpu.memory_space<vmem>> -> memref<1x50xi32, #tpu.memory_space<vmem>>
      %dma_start3A_593 = tpu.memref_squeeze %dma_start3A_592 : memref<1x50xi32, #tpu.memory_space<vmem>> -> memref<50xi32, #tpu.memory_space<vmem>>
      %dma_start3A_594 = arith.constant 0 : i32
      %dma_start3A_595 = arith.constant 0 : i32
      %dma_start3A_596 = tpu.memref_slice %arg2[%dma_start3A_594, %dma_start3A_595] : memref<1000192x64xf32, #tpu.memory_space<hbm>> -> memref<1000192x64xf32, #tpu.memory_space<hbm>>
      tpu.enqueue_indirect_dma source(%dma_start3A_596 : memref<1000192x64xf32, #tpu.memory_space<hbm>>) target(%dma_start3A_590 : memref<50x64xf32, #tpu.memory_space<vmem>>) offsets(%dma_start3A_593 : memref<50xi32, #tpu.memory_space<vmem>>) semaphore(%arg8 : memref<!tpu.dma_semaphore, #tpu.memory_space<semaphore_mem>>)
      %mul3A_597 = arith.constant 16 : i32
      %mul3A_598 = arith.muli %add3A_446, %mul3A_597 : i32
      %add3A_599 = arith.constant 10 : i32
      %add3A_600 = arith.addi %mul3A_598, %add3A_599 : i32
      %dma_start3A_601 = arith.constant 10 : i32
      %dma_start3A_602 = arith.constant 0 : i32
      %dma_start3A_603 = arith.constant 0 : i32
      %dma_start3A_604 = tpu.memref_slice %arg6[%dma_start3A_601, %dma_start3A_602, %dma_start3A_603] : memref<16x50x64xf32, #tpu.memory_space<vmem>> -> memref<1x50x64xf32, #tpu.memory_space<vmem>>
      %dma_start3A_605 = tpu.memref_squeeze %dma_start3A_604 : memref<1x50x64xf32, #tpu.memory_space<vmem>> -> memref<50x64xf32, #tpu.memory_space<vmem>>
      %dma_start3A_606 = arith.constant 0 : i32
      %dma_start3A_607 = tpu.memref_slice %arg5[%add3A_600, %dma_start3A_606] : memref<512x50xi32, #tpu.memory_space<vmem>> -> memref<1x50xi32, #tpu.memory_space<vmem>>
      %dma_start3A_608 = tpu.memref_squeeze %dma_start3A_607 : memref<1x50xi32, #tpu.memory_space<vmem>> -> memref<50xi32, #tpu.memory_space<vmem>>
      %dma_start3A_609 = arith.constant 0 : i32
      %dma_start3A_610 = arith.constant 0 : i32
      %dma_start3A_611 = tpu.memref_slice %arg2[%dma_start3A_609, %dma_start3A_610] : memref<1000192x64xf32, #tpu.memory_space<hbm>> -> memref<1000192x64xf32, #tpu.memory_space<hbm>>
      tpu.enqueue_indirect_dma source(%dma_start3A_611 : memref<1000192x64xf32, #tpu.memory_space<hbm>>) target(%dma_start3A_605 : memref<50x64xf32, #tpu.memory_space<vmem>>) offsets(%dma_start3A_608 : memref<50xi32, #tpu.memory_space<vmem>>) semaphore(%arg8 : memref<!tpu.dma_semaphore, #tpu.memory_space<semaphore_mem>>)
      %mul3A_612 = arith.constant 16 : i32
      %mul3A_613 = arith.muli %add3A_446, %mul3A_612 : i32
      %add3A_614 = arith.constant 11 : i32
      %add3A_615 = arith.addi %mul3A_613, %add3A_614 : i32
      %dma_start3A_616 = arith.constant 11 : i32
      %dma_start3A_617 = arith.constant 0 : i32
      %dma_start3A_618 = arith.constant 0 : i32
      %dma_start3A_619 = tpu.memref_slice %arg6[%dma_start3A_616, %dma_start3A_617, %dma_start3A_618] : memref<16x50x64xf32, #tpu.memory_space<vmem>> -> memref<1x50x64xf32, #tpu.memory_space<vmem>>
      %dma_start3A_620 = tpu.memref_squeeze %dma_start3A_619 : memref<1x50x64xf32, #tpu.memory_space<vmem>> -> memref<50x64xf32, #tpu.memory_space<vmem>>
      %dma_start3A_621 = arith.constant 0 : i32
      %dma_start3A_622 = tpu.memref_slice %arg5[%add3A_615, %dma_start3A_621] : memref<512x50xi32, #tpu.memory_space<vmem>> -> memref<1x50xi32, #tpu.memory_space<vmem>>
      %dma_start3A_623 = tpu.memref_squeeze %dma_start3A_622 : memref<1x50xi32, #tpu.memory_space<vmem>> -> memref<50xi32, #tpu.memory_space<vmem>>
      %dma_start3A_624 = arith.constant 0 : i32
      %dma_start3A_625 = arith.constant 0 : i32
      %dma_start3A_626 = tpu.memref_slice %arg2[%dma_start3A_624, %dma_start3A_625] : memref<1000192x64xf32, #tpu.memory_space<hbm>> -> memref<1000192x64xf32, #tpu.memory_space<hbm>>
      tpu.enqueue_indirect_dma source(%dma_start3A_626 : memref<1000192x64xf32, #tpu.memory_space<hbm>>) target(%dma_start3A_620 : memref<50x64xf32, #tpu.memory_space<vmem>>) offsets(%dma_start3A_623 : memref<50xi32, #tpu.memory_space<vmem>>) semaphore(%arg8 : memref<!tpu.dma_semaphore, #tpu.memory_space<semaphore_mem>>)
      %mul3A_627 = arith.constant 16 : i32
      %mul3A_628 = arith.muli %add3A_446, %mul3A_627 : i32
      %add3A_629 = arith.constant 12 : i32
      %add3A_630 = arith.addi %mul3A_628, %add3A_629 : i32
      %dma_start3A_631 = arith.constant 12 : i32
      %dma_start3A_632 = arith.constant 0 : i32
      %dma_start3A_633 = arith.constant 0 : i32
      %dma_start3A_634 = tpu.memref_slice %arg6[%dma_start3A_631, %dma_start3A_632, %dma_start3A_633] : memref<16x50x64xf32, #tpu.memory_space<vmem>> -> memref<1x50x64xf32, #tpu.memory_space<vmem>>
      %dma_start3A_635 = tpu.memref_squeeze %dma_start3A_634 : memref<1x50x64xf32, #tpu.memory_space<vmem>> -> memref<50x64xf32, #tpu.memory_space<vmem>>
      %dma_start3A_636 = arith.constant 0 : i32
      %dma_start3A_637 = tpu.memref_slice %arg5[%add3A_630, %dma_start3A_636] : memref<512x50xi32, #tpu.memory_space<vmem>> -> memref<1x50xi32, #tpu.memory_space<vmem>>
      %dma_start3A_638 = tpu.memref_squeeze %dma_start3A_637 : memref<1x50xi32, #tpu.memory_space<vmem>> -> memref<50xi32, #tpu.memory_space<vmem>>
      %dma_start3A_639 = arith.constant 0 : i32
      %dma_start3A_640 = arith.constant 0 : i32
      %dma_start3A_641 = tpu.memref_slice %arg2[%dma_start3A_639, %dma_start3A_640] : memref<1000192x64xf32, #tpu.memory_space<hbm>> -> memref<1000192x64xf32, #tpu.memory_space<hbm>>
      tpu.enqueue_indirect_dma source(%dma_start3A_641 : memref<1000192x64xf32, #tpu.memory_space<hbm>>) target(%dma_start3A_635 : memref<50x64xf32, #tpu.memory_space<vmem>>) offsets(%dma_start3A_638 : memref<50xi32, #tpu.memory_space<vmem>>) semaphore(%arg8 : memref<!tpu.dma_semaphore, #tpu.memory_space<semaphore_mem>>)
      %mul3A_642 = arith.constant 16 : i32
      %mul3A_643 = arith.muli %add3A_446, %mul3A_642 : i32
      %add3A_644 = arith.constant 13 : i32
      %add3A_645 = arith.addi %mul3A_643, %add3A_644 : i32
      %dma_start3A_646 = arith.constant 13 : i32
      %dma_start3A_647 = arith.constant 0 : i32
      %dma_start3A_648 = arith.constant 0 : i32
      %dma_start3A_649 = tpu.memref_slice %arg6[%dma_start3A_646, %dma_start3A_647, %dma_start3A_648] : memref<16x50x64xf32, #tpu.memory_space<vmem>> -> memref<1x50x64xf32, #tpu.memory_space<vmem>>
      %dma_start3A_650 = tpu.memref_squeeze %dma_start3A_649 : memref<1x50x64xf32, #tpu.memory_space<vmem>> -> memref<50x64xf32, #tpu.memory_space<vmem>>
      %dma_start3A_651 = arith.constant 0 : i32
      %dma_start3A_652 = tpu.memref_slice %arg5[%add3A_645, %dma_start3A_651] : memref<512x50xi32, #tpu.memory_space<vmem>> -> memref<1x50xi32, #tpu.memory_space<vmem>>
      %dma_start3A_653 = tpu.memref_squeeze %dma_start3A_652 : memref<1x50xi32, #tpu.memory_space<vmem>> -> memref<50xi32, #tpu.memory_space<vmem>>
      %dma_start3A_654 = arith.constant 0 : i32
      %dma_start3A_655 = arith.constant 0 : i32
      %dma_start3A_656 = tpu.memref_slice %arg2[%dma_start3A_654, %dma_start3A_655] : memref<1000192x64xf32, #tpu.memory_space<hbm>> -> memref<1000192x64xf32, #tpu.memory_space<hbm>>
      tpu.enqueue_indirect_dma source(%dma_start3A_656 : memref<1000192x64xf32, #tpu.memory_space<hbm>>) target(%dma_start3A_650 : memref<50x64xf32, #tpu.memory_space<vmem>>) offsets(%dma_start3A_653 : memref<50xi32, #tpu.memory_space<vmem>>) semaphore(%arg8 : memref<!tpu.dma_semaphore, #tpu.memory_space<semaphore_mem>>)
      %mul3A_657 = arith.constant 16 : i32
      %mul3A_658 = arith.muli %add3A_446, %mul3A_657 : i32
      %add3A_659 = arith.constant 14 : i32
      %add3A_660 = arith.addi %mul3A_658, %add3A_659 : i32
      %dma_start3A_661 = arith.constant 14 : i32
      %dma_start3A_662 = arith.constant 0 : i32
      %dma_start3A_663 = arith.constant 0 : i32
      %dma_start3A_664 = tpu.memref_slice %arg6[%dma_start3A_661, %dma_start3A_662, %dma_start3A_663] : memref<16x50x64xf32, #tpu.memory_space<vmem>> -> memref<1x50x64xf32, #tpu.memory_space<vmem>>
      %dma_start3A_665 = tpu.memref_squeeze %dma_start3A_664 : memref<1x50x64xf32, #tpu.memory_space<vmem>> -> memref<50x64xf32, #tpu.memory_space<vmem>>
      %dma_start3A_666 = arith.constant 0 : i32
      %dma_start3A_667 = tpu.memref_slice %arg5[%add3A_660, %dma_start3A_666] : memref<512x50xi32, #tpu.memory_space<vmem>> -> memref<1x50xi32, #tpu.memory_space<vmem>>
      %dma_start3A_668 = tpu.memref_squeeze %dma_start3A_667 : memref<1x50xi32, #tpu.memory_space<vmem>> -> memref<50xi32, #tpu.memory_space<vmem>>
      %dma_start3A_669 = arith.constant 0 : i32
      %dma_start3A_670 = arith.constant 0 : i32
      %dma_start3A_671 = tpu.memref_slice %arg2[%dma_start3A_669, %dma_start3A_670] : memref<1000192x64xf32, #tpu.memory_space<hbm>> -> memref<1000192x64xf32, #tpu.memory_space<hbm>>
      tpu.enqueue_indirect_dma source(%dma_start3A_671 : memref<1000192x64xf32, #tpu.memory_space<hbm>>) target(%dma_start3A_665 : memref<50x64xf32, #tpu.memory_space<vmem>>) offsets(%dma_start3A_668 : memref<50xi32, #tpu.memory_space<vmem>>) semaphore(%arg8 : memref<!tpu.dma_semaphore, #tpu.memory_space<semaphore_mem>>)
      %mul3A_672 = arith.constant 16 : i32
      %mul3A_673 = arith.muli %add3A_446, %mul3A_672 : i32
      %add3A_674 = arith.constant 15 : i32
      %add3A_675 = arith.addi %mul3A_673, %add3A_674 : i32
      %dma_start3A_676 = arith.constant 15 : i32
      %dma_start3A_677 = arith.constant 0 : i32
      %dma_start3A_678 = arith.constant 0 : i32
      %dma_start3A_679 = tpu.memref_slice %arg6[%dma_start3A_676, %dma_start3A_677, %dma_start3A_678] : memref<16x50x64xf32, #tpu.memory_space<vmem>> -> memref<1x50x64xf32, #tpu.memory_space<vmem>>
      %dma_start3A_680 = tpu.memref_squeeze %dma_start3A_679 : memref<1x50x64xf32, #tpu.memory_space<vmem>> -> memref<50x64xf32, #tpu.memory_space<vmem>>
      %dma_start3A_681 = arith.constant 0 : i32
      %dma_start3A_682 = tpu.memref_slice %arg5[%add3A_675, %dma_start3A_681] : memref<512x50xi32, #tpu.memory_space<vmem>> -> memref<1x50xi32, #tpu.memory_space<vmem>>
      %dma_start3A_683 = tpu.memref_squeeze %dma_start3A_682 : memref<1x50xi32, #tpu.memory_space<vmem>> -> memref<50xi32, #tpu.memory_space<vmem>>
      %dma_start3A_684 = arith.constant 0 : i32
      %dma_start3A_685 = arith.constant 0 : i32
      %dma_start3A_686 = tpu.memref_slice %arg2[%dma_start3A_684, %dma_start3A_685] : memref<1000192x64xf32, #tpu.memory_space<hbm>> -> memref<1000192x64xf32, #tpu.memory_space<hbm>>
      tpu.enqueue_indirect_dma source(%dma_start3A_686 : memref<1000192x64xf32, #tpu.memory_space<hbm>>) target(%dma_start3A_680 : memref<50x64xf32, #tpu.memory_space<vmem>>) offsets(%dma_start3A_683 : memref<50xi32, #tpu.memory_space<vmem>>) semaphore(%arg8 : memref<!tpu.dma_semaphore, #tpu.memory_space<semaphore_mem>>)
      %dma_wait3A_687 = arith.constant 0 : i32
      %dma_wait3A_688 = arith.constant 0 : i32
      %dma_wait3A_689 = arith.constant 0 : i32
      %dma_wait3A_690 = tpu.memref_slice %arg4[%dma_wait3A_687, %dma_wait3A_688, %dma_wait3A_689] : memref<16384x56x128xf32, #tpu.memory_space<hbm>> -> memref<16x56x128xf32, #tpu.memory_space<hbm>>
      %dma_wait3A_691 = arith.constant 0 : i32
      %dma_wait3A_692 = arith.constant 0 : i32
      %dma_wait3A_693 = arith.constant 0 : i32
      %dma_wait3A_694 = tpu.memref_slice %arg4[%dma_wait3A_691, %dma_wait3A_692, %dma_wait3A_693] : memref<16384x56x128xf32, #tpu.memory_space<hbm>> -> memref<16x56x128xf32, #tpu.memory_space<hbm>>
      tpu.wait_dma2 semaphore(%arg9 : memref<!tpu.dma_semaphore, #tpu.memory_space<semaphore_mem>>) src(%dma_wait3A_694 : memref<16x56x128xf32, #tpu.memory_space<hbm>>) dst(%arg7 : memref<16x50x64xf32, #tpu.memory_space<vmem>>)
      %mul3A_695 = arith.constant 16 : i32
      %mul3A_696 = arith.muli %add3A_438, %mul3A_695 : i32
      %add3A_697 = arith.addi %mul3A_2, %mul3A_696 : i32
      %dma_start3A_698 = arith.constant 0 : i32
      %dma_start3A_699 = arith.constant 0 : i32
      %dma_start3A_700 = tpu.memref_slice %arg4[%add3A_697, %dma_start3A_698, %dma_start3A_699] : memref<16384x56x128xf32, #tpu.memory_space<hbm>> -> memref<16x50x64xf32, #tpu.memory_space<hbm>>
      %dma_start3A_701 = arith.constant 0 : i32
      %dma_start3A_702 = arith.constant 0 : i32
      %dma_start3A_703 = tpu.memref_slice %arg4[%add3A_697, %dma_start3A_701, %dma_start3A_702] : memref<16384x56x128xf32, #tpu.memory_space<hbm>> -> memref<16x50x64xf32, #tpu.memory_space<hbm>>
      tpu.enqueue_dma source(%arg7 : memref<16x50x64xf32, #tpu.memory_space<vmem>>) target(%dma_start3A_703 : memref<16x50x64xf32, #tpu.memory_space<hbm>>) target_semaphore(%arg11 : memref<!tpu.dma_semaphore, #tpu.memory_space<semaphore_mem>>)
      %mul3A_704 = arith.constant 2 : i32
      %mul3A_705 = arith.muli %mul3A_704, %scan3A_434 : i32
      %add3A_706 = arith.constant 2 : i32
      %add3A_707 = arith.addi %mul3A_705, %add3A_706 : i32
      %dma_wait3A_708 = arith.constant 0 : i32
      %dma_wait3A_709 = arith.constant 0 : i32
      %dma_wait3A_710 = tpu.memref_slice %arg4[%mul3A_2, %dma_wait3A_708, %dma_wait3A_709] : memref<16384x56x128xf32, #tpu.memory_space<hbm>> -> memref<16x50x64xf32, #tpu.memory_space<hbm>>
      %dma_wait3A_711 = arith.constant 0 : i32
      %dma_wait3A_712 = arith.constant 0 : i32
      %dma_wait3A_713 = tpu.memref_slice %arg4[%mul3A_2, %dma_wait3A_711, %dma_wait3A_712] : memref<16384x56x128xf32, #tpu.memory_space<hbm>> -> memref<16x50x64xf32, #tpu.memory_space<hbm>>
      tpu.wait_dma2 semaphore(%arg11 : memref<!tpu.dma_semaphore, #tpu.memory_space<semaphore_mem>>) src(%arg7 : memref<16x50x64xf32, #tpu.memory_space<vmem>>) dst(%dma_wait3A_713 : memref<16x50x64xf32, #tpu.memory_space<hbm>>)
      %add3A_714 = arith.constant 1 : i32
      %add3A_715 = arith.addi %add3A_707, %add3A_714 : i32
      %mul3A_716 = arith.constant 16 : i32
      %mul3A_717 = arith.muli %add3A_715, %mul3A_716 : i32
      %add3A_718 = arith.constant 0 : i32
      %add3A_719 = arith.addi %mul3A_717, %add3A_718 : i32
      %dma_start3A_720 = arith.constant 0 : i32
      %dma_start3A_721 = arith.constant 0 : i32
      %dma_start3A_722 = arith.constant 0 : i32
      %dma_start3A_723 = tpu.memref_slice %arg7[%dma_start3A_720, %dma_start3A_721, %dma_start3A_722] : memref<16x50x64xf32, #tpu.memory_space<vmem>> -> memref<1x50x64xf32, #tpu.memory_space<vmem>>
      %dma_start3A_724 = tpu.memref_squeeze %dma_start3A_723 : memref<1x50x64xf32, #tpu.memory_space<vmem>> -> memref<50x64xf32, #tpu.memory_space<vmem>>
      %dma_start3A_725 = arith.constant 0 : i32
      %dma_start3A_726 = tpu.memref_slice %arg5[%add3A_719, %dma_start3A_725] : memref<512x50xi32, #tpu.memory_space<vmem>> -> memref<1x50xi32, #tpu.memory_space<vmem>>
      %dma_start3A_727 = tpu.memref_squeeze %dma_start3A_726 : memref<1x50xi32, #tpu.memory_space<vmem>> -> memref<50xi32, #tpu.memory_space<vmem>>
      %dma_start3A_728 = arith.constant 0 : i32
      %dma_start3A_729 = arith.constant 0 : i32
      %dma_start3A_730 = tpu.memref_slice %arg2[%dma_start3A_728, %dma_start3A_729] : memref<1000192x64xf32, #tpu.memory_space<hbm>> -> memref<1000192x64xf32, #tpu.memory_space<hbm>>
      tpu.enqueue_indirect_dma source(%dma_start3A_730 : memref<1000192x64xf32, #tpu.memory_space<hbm>>) target(%dma_start3A_724 : memref<50x64xf32, #tpu.memory_space<vmem>>) offsets(%dma_start3A_727 : memref<50xi32, #tpu.memory_space<vmem>>) semaphore(%arg9 : memref<!tpu.dma_semaphore, #tpu.memory_space<semaphore_mem>>)
      %mul3A_731 = arith.constant 16 : i32
      %mul3A_732 = arith.muli %add3A_715, %mul3A_731 : i32
      %add3A_733 = arith.constant 1 : i32
      %add3A_734 = arith.addi %mul3A_732, %add3A_733 : i32
      %dma_start3A_735 = arith.constant 1 : i32
      %dma_start3A_736 = arith.constant 0 : i32
      %dma_start3A_737 = arith.constant 0 : i32
      %dma_start3A_738 = tpu.memref_slice %arg7[%dma_start3A_735, %dma_start3A_736, %dma_start3A_737] : memref<16x50x64xf32, #tpu.memory_space<vmem>> -> memref<1x50x64xf32, #tpu.memory_space<vmem>>
      %dma_start3A_739 = tpu.memref_squeeze %dma_start3A_738 : memref<1x50x64xf32, #tpu.memory_space<vmem>> -> memref<50x64xf32, #tpu.memory_space<vmem>>
      %dma_start3A_740 = arith.constant 0 : i32
      %dma_start3A_741 = tpu.memref_slice %arg5[%add3A_734, %dma_start3A_740] : memref<512x50xi32, #tpu.memory_space<vmem>> -> memref<1x50xi32, #tpu.memory_space<vmem>>
      %dma_start3A_742 = tpu.memref_squeeze %dma_start3A_741 : memref<1x50xi32, #tpu.memory_space<vmem>> -> memref<50xi32, #tpu.memory_space<vmem>>
      %dma_start3A_743 = arith.constant 0 : i32
      %dma_start3A_744 = arith.constant 0 : i32
      %dma_start3A_745 = tpu.memref_slice %arg2[%dma_start3A_743, %dma_start3A_744] : memref<1000192x64xf32, #tpu.memory_space<hbm>> -> memref<1000192x64xf32, #tpu.memory_space<hbm>>
      tpu.enqueue_indirect_dma source(%dma_start3A_745 : memref<1000192x64xf32, #tpu.memory_space<hbm>>) target(%dma_start3A_739 : memref<50x64xf32, #tpu.memory_space<vmem>>) offsets(%dma_start3A_742 : memref<50xi32, #tpu.memory_space<vmem>>) semaphore(%arg9 : memref<!tpu.dma_semaphore, #tpu.memory_space<semaphore_mem>>)
      %mul3A_746 = arith.constant 16 : i32
      %mul3A_747 = arith.muli %add3A_715, %mul3A_746 : i32
      %add3A_748 = arith.constant 2 : i32
      %add3A_749 = arith.addi %mul3A_747, %add3A_748 : i32
      %dma_start3A_750 = arith.constant 2 : i32
      %dma_start3A_751 = arith.constant 0 : i32
      %dma_start3A_752 = arith.constant 0 : i32
      %dma_start3A_753 = tpu.memref_slice %arg7[%dma_start3A_750, %dma_start3A_751, %dma_start3A_752] : memref<16x50x64xf32, #tpu.memory_space<vmem>> -> memref<1x50x64xf32, #tpu.memory_space<vmem>>
      %dma_start3A_754 = tpu.memref_squeeze %dma_start3A_753 : memref<1x50x64xf32, #tpu.memory_space<vmem>> -> memref<50x64xf32, #tpu.memory_space<vmem>>
      %dma_start3A_755 = arith.constant 0 : i32
      %dma_start3A_756 = tpu.memref_slice %arg5[%add3A_749, %dma_start3A_755] : memref<512x50xi32, #tpu.memory_space<vmem>> -> memref<1x50xi32, #tpu.memory_space<vmem>>
      %dma_start3A_757 = tpu.memref_squeeze %dma_start3A_756 : memref<1x50xi32, #tpu.memory_space<vmem>> -> memref<50xi32, #tpu.memory_space<vmem>>
      %dma_start3A_758 = arith.constant 0 : i32
      %dma_start3A_759 = arith.constant 0 : i32
      %dma_start3A_760 = tpu.memref_slice %arg2[%dma_start3A_758, %dma_start3A_759] : memref<1000192x64xf32, #tpu.memory_space<hbm>> -> memref<1000192x64xf32, #tpu.memory_space<hbm>>
      tpu.enqueue_indirect_dma source(%dma_start3A_760 : memref<1000192x64xf32, #tpu.memory_space<hbm>>) target(%dma_start3A_754 : memref<50x64xf32, #tpu.memory_space<vmem>>) offsets(%dma_start3A_757 : memref<50xi32, #tpu.memory_space<vmem>>) semaphore(%arg9 : memref<!tpu.dma_semaphore, #tpu.memory_space<semaphore_mem>>)
      %mul3A_761 = arith.constant 16 : i32
      %mul3A_762 = arith.muli %add3A_715, %mul3A_761 : i32
      %add3A_763 = arith.constant 3 : i32
      %add3A_764 = arith.addi %mul3A_762, %add3A_763 : i32
      %dma_start3A_765 = arith.constant 3 : i32
      %dma_start3A_766 = arith.constant 0 : i32
      %dma_start3A_767 = arith.constant 0 : i32
      %dma_start3A_768 = tpu.memref_slice %arg7[%dma_start3A_765, %dma_start3A_766, %dma_start3A_767] : memref<16x50x64xf32, #tpu.memory_space<vmem>> -> memref<1x50x64xf32, #tpu.memory_space<vmem>>
      %dma_start3A_769 = tpu.memref_squeeze %dma_start3A_768 : memref<1x50x64xf32, #tpu.memory_space<vmem>> -> memref<50x64xf32, #tpu.memory_space<vmem>>
      %dma_start3A_770 = arith.constant 0 : i32
      %dma_start3A_771 = tpu.memref_slice %arg5[%add3A_764, %dma_start3A_770] : memref<512x50xi32, #tpu.memory_space<vmem>> -> memref<1x50xi32, #tpu.memory_space<vmem>>
      %dma_start3A_772 = tpu.memref_squeeze %dma_start3A_771 : memref<1x50xi32, #tpu.memory_space<vmem>> -> memref<50xi32, #tpu.memory_space<vmem>>
      %dma_start3A_773 = arith.constant 0 : i32
      %dma_start3A_774 = arith.constant 0 : i32
      %dma_start3A_775 = tpu.memref_slice %arg2[%dma_start3A_773, %dma_start3A_774] : memref<1000192x64xf32, #tpu.memory_space<hbm>> -> memref<1000192x64xf32, #tpu.memory_space<hbm>>
      tpu.enqueue_indirect_dma source(%dma_start3A_775 : memref<1000192x64xf32, #tpu.memory_space<hbm>>) target(%dma_start3A_769 : memref<50x64xf32, #tpu.memory_space<vmem>>) offsets(%dma_start3A_772 : memref<50xi32, #tpu.memory_space<vmem>>) semaphore(%arg9 : memref<!tpu.dma_semaphore, #tpu.memory_space<semaphore_mem>>)
      %mul3A_776 = arith.constant 16 : i32
      %mul3A_777 = arith.muli %add3A_715, %mul3A_776 : i32
      %add3A_778 = arith.constant 4 : i32
      %add3A_779 = arith.addi %mul3A_777, %add3A_778 : i32
      %dma_start3A_780 = arith.constant 4 : i32
      %dma_start3A_781 = arith.constant 0 : i32
      %dma_start3A_782 = arith.constant 0 : i32
      %dma_start3A_783 = tpu.memref_slice %arg7[%dma_start3A_780, %dma_start3A_781, %dma_start3A_782] : memref<16x50x64xf32, #tpu.memory_space<vmem>> -> memref<1x50x64xf32, #tpu.memory_space<vmem>>
      %dma_start3A_784 = tpu.memref_squeeze %dma_start3A_783 : memref<1x50x64xf32, #tpu.memory_space<vmem>> -> memref<50x64xf32, #tpu.memory_space<vmem>>
      %dma_start3A_785 = arith.constant 0 : i32
      %dma_start3A_786 = tpu.memref_slice %arg5[%add3A_779, %dma_start3A_785] : memref<512x50xi32, #tpu.memory_space<vmem>> -> memref<1x50xi32, #tpu.memory_space<vmem>>
      %dma_start3A_787 = tpu.memref_squeeze %dma_start3A_786 : memref<1x50xi32, #tpu.memory_space<vmem>> -> memref<50xi32, #tpu.memory_space<vmem>>
      %dma_start3A_788 = arith.constant 0 : i32
      %dma_start3A_789 = arith.constant 0 : i32
      %dma_start3A_790 = tpu.memref_slice %arg2[%dma_start3A_788, %dma_start3A_789] : memref<1000192x64xf32, #tpu.memory_space<hbm>> -> memref<1000192x64xf32, #tpu.memory_space<hbm>>
      tpu.enqueue_indirect_dma source(%dma_start3A_790 : memref<1000192x64xf32, #tpu.memory_space<hbm>>) target(%dma_start3A_784 : memref<50x64xf32, #tpu.memory_space<vmem>>) offsets(%dma_start3A_787 : memref<50xi32, #tpu.memory_space<vmem>>) semaphore(%arg9 : memref<!tpu.dma_semaphore, #tpu.memory_space<semaphore_mem>>)
      %mul3A_791 = arith.constant 16 : i32
      %mul3A_792 = arith.muli %add3A_715, %mul3A_791 : i32
      %add3A_793 = arith.constant 5 : i32
      %add3A_794 = arith.addi %mul3A_792, %add3A_793 : i32
      %dma_start3A_795 = arith.constant 5 : i32
      %dma_start3A_796 = arith.constant 0 : i32
      %dma_start3A_797 = arith.constant 0 : i32
      %dma_start3A_798 = tpu.memref_slice %arg7[%dma_start3A_795, %dma_start3A_796, %dma_start3A_797] : memref<16x50x64xf32, #tpu.memory_space<vmem>> -> memref<1x50x64xf32, #tpu.memory_space<vmem>>
      %dma_start3A_799 = tpu.memref_squeeze %dma_start3A_798 : memref<1x50x64xf32, #tpu.memory_space<vmem>> -> memref<50x64xf32, #tpu.memory_space<vmem>>
      %dma_start3A_800 = arith.constant 0 : i32
      %dma_start3A_801 = tpu.memref_slice %arg5[%add3A_794, %dma_start3A_800] : memref<512x50xi32, #tpu.memory_space<vmem>> -> memref<1x50xi32, #tpu.memory_space<vmem>>
      %dma_start3A_802 = tpu.memref_squeeze %dma_start3A_801 : memref<1x50xi32, #tpu.memory_space<vmem>> -> memref<50xi32, #tpu.memory_space<vmem>>
      %dma_start3A_803 = arith.constant 0 : i32
      %dma_start3A_804 = arith.constant 0 : i32
      %dma_start3A_805 = tpu.memref_slice %arg2[%dma_start3A_803, %dma_start3A_804] : memref<1000192x64xf32, #tpu.memory_space<hbm>> -> memref<1000192x64xf32, #tpu.memory_space<hbm>>
      tpu.enqueue_indirect_dma source(%dma_start3A_805 : memref<1000192x64xf32, #tpu.memory_space<hbm>>) target(%dma_start3A_799 : memref<50x64xf32, #tpu.memory_space<vmem>>) offsets(%dma_start3A_802 : memref<50xi32, #tpu.memory_space<vmem>>) semaphore(%arg9 : memref<!tpu.dma_semaphore, #tpu.memory_space<semaphore_mem>>)
      %mul3A_806 = arith.constant 16 : i32
      %mul3A_807 = arith.muli %add3A_715, %mul3A_806 : i32
      %add3A_808 = arith.constant 6 : i32
      %add3A_809 = arith.addi %mul3A_807, %add3A_808 : i32
      %dma_start3A_810 = arith.constant 6 : i32
      %dma_start3A_811 = arith.constant 0 : i32
      %dma_start3A_812 = arith.constant 0 : i32
      %dma_start3A_813 = tpu.memref_slice %arg7[%dma_start3A_810, %dma_start3A_811, %dma_start3A_812] : memref<16x50x64xf32, #tpu.memory_space<vmem>> -> memref<1x50x64xf32, #tpu.memory_space<vmem>>
      %dma_start3A_814 = tpu.memref_squeeze %dma_start3A_813 : memref<1x50x64xf32, #tpu.memory_space<vmem>> -> memref<50x64xf32, #tpu.memory_space<vmem>>
      %dma_start3A_815 = arith.constant 0 : i32
      %dma_start3A_816 = tpu.memref_slice %arg5[%add3A_809, %dma_start3A_815] : memref<512x50xi32, #tpu.memory_space<vmem>> -> memref<1x50xi32, #tpu.memory_space<vmem>>
      %dma_start3A_817 = tpu.memref_squeeze %dma_start3A_816 : memref<1x50xi32, #tpu.memory_space<vmem>> -> memref<50xi32, #tpu.memory_space<vmem>>
      %dma_start3A_818 = arith.constant 0 : i32
      %dma_start3A_819 = arith.constant 0 : i32
      %dma_start3A_820 = tpu.memref_slice %arg2[%dma_start3A_818, %dma_start3A_819] : memref<1000192x64xf32, #tpu.memory_space<hbm>> -> memref<1000192x64xf32, #tpu.memory_space<hbm>>
      tpu.enqueue_indirect_dma source(%dma_start3A_820 : memref<1000192x64xf32, #tpu.memory_space<hbm>>) target(%dma_start3A_814 : memref<50x64xf32, #tpu.memory_space<vmem>>) offsets(%dma_start3A_817 : memref<50xi32, #tpu.memory_space<vmem>>) semaphore(%arg9 : memref<!tpu.dma_semaphore, #tpu.memory_space<semaphore_mem>>)
      %mul3A_821 = arith.constant 16 : i32
      %mul3A_822 = arith.muli %add3A_715, %mul3A_821 : i32
      %add3A_823 = arith.constant 7 : i32
      %add3A_824 = arith.addi %mul3A_822, %add3A_823 : i32
      %dma_start3A_825 = arith.constant 7 : i32
      %dma_start3A_826 = arith.constant 0 : i32
      %dma_start3A_827 = arith.constant 0 : i32
      %dma_start3A_828 = tpu.memref_slice %arg7[%dma_start3A_825, %dma_start3A_826, %dma_start3A_827] : memref<16x50x64xf32, #tpu.memory_space<vmem>> -> memref<1x50x64xf32, #tpu.memory_space<vmem>>
      %dma_start3A_829 = tpu.memref_squeeze %dma_start3A_828 : memref<1x50x64xf32, #tpu.memory_space<vmem>> -> memref<50x64xf32, #tpu.memory_space<vmem>>
      %dma_start3A_830 = arith.constant 0 : i32
      %dma_start3A_831 = tpu.memref_slice %arg5[%add3A_824, %dma_start3A_830] : memref<512x50xi32, #tpu.memory_space<vmem>> -> memref<1x50xi32, #tpu.memory_space<vmem>>
      %dma_start3A_832 = tpu.memref_squeeze %dma_start3A_831 : memref<1x50xi32, #tpu.memory_space<vmem>> -> memref<50xi32, #tpu.memory_space<vmem>>
      %dma_start3A_833 = arith.constant 0 : i32
      %dma_start3A_834 = arith.constant 0 : i32
      %dma_start3A_835 = tpu.memref_slice %arg2[%dma_start3A_833, %dma_start3A_834] : memref<1000192x64xf32, #tpu.memory_space<hbm>> -> memref<1000192x64xf32, #tpu.memory_space<hbm>>
      tpu.enqueue_indirect_dma source(%dma_start3A_835 : memref<1000192x64xf32, #tpu.memory_space<hbm>>) target(%dma_start3A_829 : memref<50x64xf32, #tpu.memory_space<vmem>>) offsets(%dma_start3A_832 : memref<50xi32, #tpu.memory_space<vmem>>) semaphore(%arg9 : memref<!tpu.dma_semaphore, #tpu.memory_space<semaphore_mem>>)
      %mul3A_836 = arith.constant 16 : i32
      %mul3A_837 = arith.muli %add3A_715, %mul3A_836 : i32
      %add3A_838 = arith.constant 8 : i32
      %add3A_839 = arith.addi %mul3A_837, %add3A_838 : i32
      %dma_start3A_840 = arith.constant 8 : i32
      %dma_start3A_841 = arith.constant 0 : i32
      %dma_start3A_842 = arith.constant 0 : i32
      %dma_start3A_843 = tpu.memref_slice %arg7[%dma_start3A_840, %dma_start3A_841, %dma_start3A_842] : memref<16x50x64xf32, #tpu.memory_space<vmem>> -> memref<1x50x64xf32, #tpu.memory_space<vmem>>
      %dma_start3A_844 = tpu.memref_squeeze %dma_start3A_843 : memref<1x50x64xf32, #tpu.memory_space<vmem>> -> memref<50x64xf32, #tpu.memory_space<vmem>>
      %dma_start3A_845 = arith.constant 0 : i32
      %dma_start3A_846 = tpu.memref_slice %arg5[%add3A_839, %dma_start3A_845] : memref<512x50xi32, #tpu.memory_space<vmem>> -> memref<1x50xi32, #tpu.memory_space<vmem>>
      %dma_start3A_847 = tpu.memref_squeeze %dma_start3A_846 : memref<1x50xi32, #tpu.memory_space<vmem>> -> memref<50xi32, #tpu.memory_space<vmem>>
      %dma_start3A_848 = arith.constant 0 : i32
      %dma_start3A_849 = arith.constant 0 : i32
      %dma_start3A_850 = tpu.memref_slice %arg2[%dma_start3A_848, %dma_start3A_849] : memref<1000192x64xf32, #tpu.memory_space<hbm>> -> memref<1000192x64xf32, #tpu.memory_space<hbm>>
      tpu.enqueue_indirect_dma source(%dma_start3A_850 : memref<1000192x64xf32, #tpu.memory_space<hbm>>) target(%dma_start3A_844 : memref<50x64xf32, #tpu.memory_space<vmem>>) offsets(%dma_start3A_847 : memref<50xi32, #tpu.memory_space<vmem>>) semaphore(%arg9 : memref<!tpu.dma_semaphore, #tpu.memory_space<semaphore_mem>>)
      %mul3A_851 = arith.constant 16 : i32
      %mul3A_852 = arith.muli %add3A_715, %mul3A_851 : i32
      %add3A_853 = arith.constant 9 : i32
      %add3A_854 = arith.addi %mul3A_852, %add3A_853 : i32
      %dma_start3A_855 = arith.constant 9 : i32
      %dma_start3A_856 = arith.constant 0 : i32
      %dma_start3A_857 = arith.constant 0 : i32
      %dma_start3A_858 = tpu.memref_slice %arg7[%dma_start3A_855, %dma_start3A_856, %dma_start3A_857] : memref<16x50x64xf32, #tpu.memory_space<vmem>> -> memref<1x50x64xf32, #tpu.memory_space<vmem>>
      %dma_start3A_859 = tpu.memref_squeeze %dma_start3A_858 : memref<1x50x64xf32, #tpu.memory_space<vmem>> -> memref<50x64xf32, #tpu.memory_space<vmem>>
      %dma_start3A_860 = arith.constant 0 : i32
      %dma_start3A_861 = tpu.memref_slice %arg5[%add3A_854, %dma_start3A_860] : memref<512x50xi32, #tpu.memory_space<vmem>> -> memref<1x50xi32, #tpu.memory_space<vmem>>
      %dma_start3A_862 = tpu.memref_squeeze %dma_start3A_861 : memref<1x50xi32, #tpu.memory_space<vmem>> -> memref<50xi32, #tpu.memory_space<vmem>>
      %dma_start3A_863 = arith.constant 0 : i32
      %dma_start3A_864 = arith.constant 0 : i32
      %dma_start3A_865 = tpu.memref_slice %arg2[%dma_start3A_863, %dma_start3A_864] : memref<1000192x64xf32, #tpu.memory_space<hbm>> -> memref<1000192x64xf32, #tpu.memory_space<hbm>>
      tpu.enqueue_indirect_dma source(%dma_start3A_865 : memref<1000192x64xf32, #tpu.memory_space<hbm>>) target(%dma_start3A_859 : memref<50x64xf32, #tpu.memory_space<vmem>>) offsets(%dma_start3A_862 : memref<50xi32, #tpu.memory_space<vmem>>) semaphore(%arg9 : memref<!tpu.dma_semaphore, #tpu.memory_space<semaphore_mem>>)
      %mul3A_866 = arith.constant 16 : i32
      %mul3A_867 = arith.muli %add3A_715, %mul3A_866 : i32
      %add3A_868 = arith.constant 10 : i32
      %add3A_869 = arith.addi %mul3A_867, %add3A_868 : i32
      %dma_start3A_870 = arith.constant 10 : i32
      %dma_start3A_871 = arith.constant 0 : i32
      %dma_start3A_872 = arith.constant 0 : i32
      %dma_start3A_873 = tpu.memref_slice %arg7[%dma_start3A_870, %dma_start3A_871, %dma_start3A_872] : memref<16x50x64xf32, #tpu.memory_space<vmem>> -> memref<1x50x64xf32, #tpu.memory_space<vmem>>
      %dma_start3A_874 = tpu.memref_squeeze %dma_start3A_873 : memref<1x50x64xf32, #tpu.memory_space<vmem>> -> memref<50x64xf32, #tpu.memory_space<vmem>>
      %dma_start3A_875 = arith.constant 0 : i32
      %dma_start3A_876 = tpu.memref_slice %arg5[%add3A_869, %dma_start3A_875] : memref<512x50xi32, #tpu.memory_space<vmem>> -> memref<1x50xi32, #tpu.memory_space<vmem>>
      %dma_start3A_877 = tpu.memref_squeeze %dma_start3A_876 : memref<1x50xi32, #tpu.memory_space<vmem>> -> memref<50xi32, #tpu.memory_space<vmem>>
      %dma_start3A_878 = arith.constant 0 : i32
      %dma_start3A_879 = arith.constant 0 : i32
      %dma_start3A_880 = tpu.memref_slice %arg2[%dma_start3A_878, %dma_start3A_879] : memref<1000192x64xf32, #tpu.memory_space<hbm>> -> memref<1000192x64xf32, #tpu.memory_space<hbm>>
      tpu.enqueue_indirect_dma source(%dma_start3A_880 : memref<1000192x64xf32, #tpu.memory_space<hbm>>) target(%dma_start3A_874 : memref<50x64xf32, #tpu.memory_space<vmem>>) offsets(%dma_start3A_877 : memref<50xi32, #tpu.memory_space<vmem>>) semaphore(%arg9 : memref<!tpu.dma_semaphore, #tpu.memory_space<semaphore_mem>>)
      %mul3A_881 = arith.constant 16 : i32
      %mul3A_882 = arith.muli %add3A_715, %mul3A_881 : i32
      %add3A_883 = arith.constant 11 : i32
      %add3A_884 = arith.addi %mul3A_882, %add3A_883 : i32
      %dma_start3A_885 = arith.constant 11 : i32
      %dma_start3A_886 = arith.constant 0 : i32
      %dma_start3A_887 = arith.constant 0 : i32
      %dma_start3A_888 = tpu.memref_slice %arg7[%dma_start3A_885, %dma_start3A_886, %dma_start3A_887] : memref<16x50x64xf32, #tpu.memory_space<vmem>> -> memref<1x50x64xf32, #tpu.memory_space<vmem>>
      %dma_start3A_889 = tpu.memref_squeeze %dma_start3A_888 : memref<1x50x64xf32, #tpu.memory_space<vmem>> -> memref<50x64xf32, #tpu.memory_space<vmem>>
      %dma_start3A_890 = arith.constant 0 : i32
      %dma_start3A_891 = tpu.memref_slice %arg5[%add3A_884, %dma_start3A_890] : memref<512x50xi32, #tpu.memory_space<vmem>> -> memref<1x50xi32, #tpu.memory_space<vmem>>
      %dma_start3A_892 = tpu.memref_squeeze %dma_start3A_891 : memref<1x50xi32, #tpu.memory_space<vmem>> -> memref<50xi32, #tpu.memory_space<vmem>>
      %dma_start3A_893 = arith.constant 0 : i32
      %dma_start3A_894 = arith.constant 0 : i32
      %dma_start3A_895 = tpu.memref_slice %arg2[%dma_start3A_893, %dma_start3A_894] : memref<1000192x64xf32, #tpu.memory_space<hbm>> -> memref<1000192x64xf32, #tpu.memory_space<hbm>>
      tpu.enqueue_indirect_dma source(%dma_start3A_895 : memref<1000192x64xf32, #tpu.memory_space<hbm>>) target(%dma_start3A_889 : memref<50x64xf32, #tpu.memory_space<vmem>>) offsets(%dma_start3A_892 : memref<50xi32, #tpu.memory_space<vmem>>) semaphore(%arg9 : memref<!tpu.dma_semaphore, #tpu.memory_space<semaphore_mem>>)
      %mul3A_896 = arith.constant 16 : i32
      %mul3A_897 = arith.muli %add3A_715, %mul3A_896 : i32
      %add3A_898 = arith.constant 12 : i32
      %add3A_899 = arith.addi %mul3A_897, %add3A_898 : i32
      %dma_start3A_900 = arith.constant 12 : i32
      %dma_start3A_901 = arith.constant 0 : i32
      %dma_start3A_902 = arith.constant 0 : i32
      %dma_start3A_903 = tpu.memref_slice %arg7[%dma_start3A_900, %dma_start3A_901, %dma_start3A_902] : memref<16x50x64xf32, #tpu.memory_space<vmem>> -> memref<1x50x64xf32, #tpu.memory_space<vmem>>
      %dma_start3A_904 = tpu.memref_squeeze %dma_start3A_903 : memref<1x50x64xf32, #tpu.memory_space<vmem>> -> memref<50x64xf32, #tpu.memory_space<vmem>>
      %dma_start3A_905 = arith.constant 0 : i32
      %dma_start3A_906 = tpu.memref_slice %arg5[%add3A_899, %dma_start3A_905] : memref<512x50xi32, #tpu.memory_space<vmem>> -> memref<1x50xi32, #tpu.memory_space<vmem>>
      %dma_start3A_907 = tpu.memref_squeeze %dma_start3A_906 : memref<1x50xi32, #tpu.memory_space<vmem>> -> memref<50xi32, #tpu.memory_space<vmem>>
      %dma_start3A_908 = arith.constant 0 : i32
      %dma_start3A_909 = arith.constant 0 : i32
      %dma_start3A_910 = tpu.memref_slice %arg2[%dma_start3A_908, %dma_start3A_909] : memref<1000192x64xf32, #tpu.memory_space<hbm>> -> memref<1000192x64xf32, #tpu.memory_space<hbm>>
      tpu.enqueue_indirect_dma source(%dma_start3A_910 : memref<1000192x64xf32, #tpu.memory_space<hbm>>) target(%dma_start3A_904 : memref<50x64xf32, #tpu.memory_space<vmem>>) offsets(%dma_start3A_907 : memref<50xi32, #tpu.memory_space<vmem>>) semaphore(%arg9 : memref<!tpu.dma_semaphore, #tpu.memory_space<semaphore_mem>>)
      %mul3A_911 = arith.constant 16 : i32
      %mul3A_912 = arith.muli %add3A_715, %mul3A_911 : i32
      %add3A_913 = arith.constant 13 : i32
      %add3A_914 = arith.addi %mul3A_912, %add3A_913 : i32
      %dma_start3A_915 = arith.constant 13 : i32
      %dma_start3A_916 = arith.constant 0 : i32
      %dma_start3A_917 = arith.constant 0 : i32
      %dma_start3A_918 = tpu.memref_slice %arg7[%dma_start3A_915, %dma_start3A_916, %dma_start3A_917] : memref<16x50x64xf32, #tpu.memory_space<vmem>> -> memref<1x50x64xf32, #tpu.memory_space<vmem>>
      %dma_start3A_919 = tpu.memref_squeeze %dma_start3A_918 : memref<1x50x64xf32, #tpu.memory_space<vmem>> -> memref<50x64xf32, #tpu.memory_space<vmem>>
      %dma_start3A_920 = arith.constant 0 : i32
      %dma_start3A_921 = tpu.memref_slice %arg5[%add3A_914, %dma_start3A_920] : memref<512x50xi32, #tpu.memory_space<vmem>> -> memref<1x50xi32, #tpu.memory_space<vmem>>
      %dma_start3A_922 = tpu.memref_squeeze %dma_start3A_921 : memref<1x50xi32, #tpu.memory_space<vmem>> -> memref<50xi32, #tpu.memory_space<vmem>>
      %dma_start3A_923 = arith.constant 0 : i32
      %dma_start3A_924 = arith.constant 0 : i32
      %dma_start3A_925 = tpu.memref_slice %arg2[%dma_start3A_923, %dma_start3A_924] : memref<1000192x64xf32, #tpu.memory_space<hbm>> -> memref<1000192x64xf32, #tpu.memory_space<hbm>>
      tpu.enqueue_indirect_dma source(%dma_start3A_925 : memref<1000192x64xf32, #tpu.memory_space<hbm>>) target(%dma_start3A_919 : memref<50x64xf32, #tpu.memory_space<vmem>>) offsets(%dma_start3A_922 : memref<50xi32, #tpu.memory_space<vmem>>) semaphore(%arg9 : memref<!tpu.dma_semaphore, #tpu.memory_space<semaphore_mem>>)
      %mul3A_926 = arith.constant 16 : i32
      %mul3A_927 = arith.muli %add3A_715, %mul3A_926 : i32
      %add3A_928 = arith.constant 14 : i32
      %add3A_929 = arith.addi %mul3A_927, %add3A_928 : i32
      %dma_start3A_930 = arith.constant 14 : i32
      %dma_start3A_931 = arith.constant 0 : i32
      %dma_start3A_932 = arith.constant 0 : i32
      %dma_start3A_933 = tpu.memref_slice %arg7[%dma_start3A_930, %dma_start3A_931, %dma_start3A_932] : memref<16x50x64xf32, #tpu.memory_space<vmem>> -> memref<1x50x64xf32, #tpu.memory_space<vmem>>
      %dma_start3A_934 = tpu.memref_squeeze %dma_start3A_933 : memref<1x50x64xf32, #tpu.memory_space<vmem>> -> memref<50x64xf32, #tpu.memory_space<vmem>>
      %dma_start3A_935 = arith.constant 0 : i32
      %dma_start3A_936 = tpu.memref_slice %arg5[%add3A_929, %dma_start3A_935] : memref<512x50xi32, #tpu.memory_space<vmem>> -> memref<1x50xi32, #tpu.memory_space<vmem>>
      %dma_start3A_937 = tpu.memref_squeeze %dma_start3A_936 : memref<1x50xi32, #tpu.memory_space<vmem>> -> memref<50xi32, #tpu.memory_space<vmem>>
      %dma_start3A_938 = arith.constant 0 : i32
      %dma_start3A_939 = arith.constant 0 : i32
      %dma_start3A_940 = tpu.memref_slice %arg2[%dma_start3A_938, %dma_start3A_939] : memref<1000192x64xf32, #tpu.memory_space<hbm>> -> memref<1000192x64xf32, #tpu.memory_space<hbm>>
      tpu.enqueue_indirect_dma source(%dma_start3A_940 : memref<1000192x64xf32, #tpu.memory_space<hbm>>) target(%dma_start3A_934 : memref<50x64xf32, #tpu.memory_space<vmem>>) offsets(%dma_start3A_937 : memref<50xi32, #tpu.memory_space<vmem>>) semaphore(%arg9 : memref<!tpu.dma_semaphore, #tpu.memory_space<semaphore_mem>>)
      %mul3A_941 = arith.constant 16 : i32
      %mul3A_942 = arith.muli %add3A_715, %mul3A_941 : i32
      %add3A_943 = arith.constant 15 : i32
      %add3A_944 = arith.addi %mul3A_942, %add3A_943 : i32
      %dma_start3A_945 = arith.constant 15 : i32
      %dma_start3A_946 = arith.constant 0 : i32
      %dma_start3A_947 = arith.constant 0 : i32
      %dma_start3A_948 = tpu.memref_slice %arg7[%dma_start3A_945, %dma_start3A_946, %dma_start3A_947] : memref<16x50x64xf32, #tpu.memory_space<vmem>> -> memref<1x50x64xf32, #tpu.memory_space<vmem>>
      %dma_start3A_949 = tpu.memref_squeeze %dma_start3A_948 : memref<1x50x64xf32, #tpu.memory_space<vmem>> -> memref<50x64xf32, #tpu.memory_space<vmem>>
      %dma_start3A_950 = arith.constant 0 : i32
      %dma_start3A_951 = tpu.memref_slice %arg5[%add3A_944, %dma_start3A_950] : memref<512x50xi32, #tpu.memory_space<vmem>> -> memref<1x50xi32, #tpu.memory_space<vmem>>
      %dma_start3A_952 = tpu.memref_squeeze %dma_start3A_951 : memref<1x50xi32, #tpu.memory_space<vmem>> -> memref<50xi32, #tpu.memory_space<vmem>>
      %dma_start3A_953 = arith.constant 0 : i32
      %dma_start3A_954 = arith.constant 0 : i32
      %dma_start3A_955 = tpu.memref_slice %arg2[%dma_start3A_953, %dma_start3A_954] : memref<1000192x64xf32, #tpu.memory_space<hbm>> -> memref<1000192x64xf32, #tpu.memory_space<hbm>>
      tpu.enqueue_indirect_dma source(%dma_start3A_955 : memref<1000192x64xf32, #tpu.memory_space<hbm>>) target(%dma_start3A_949 : memref<50x64xf32, #tpu.memory_space<vmem>>) offsets(%dma_start3A_952 : memref<50xi32, #tpu.memory_space<vmem>>) semaphore(%arg9 : memref<!tpu.dma_semaphore, #tpu.memory_space<semaphore_mem>>)
      %dma_wait3A_956 = arith.constant 0 : i32
      %dma_wait3A_957 = arith.constant 0 : i32
      %dma_wait3A_958 = arith.constant 0 : i32
      %dma_wait3A_959 = tpu.memref_slice %arg4[%dma_wait3A_956, %dma_wait3A_957, %dma_wait3A_958] : memref<16384x56x128xf32, #tpu.memory_space<hbm>> -> memref<16x56x128xf32, #tpu.memory_space<hbm>>
      %dma_wait3A_960 = arith.constant 0 : i32
      %dma_wait3A_961 = arith.constant 0 : i32
      %dma_wait3A_962 = arith.constant 0 : i32
      %dma_wait3A_963 = tpu.memref_slice %arg4[%dma_wait3A_960, %dma_wait3A_961, %dma_wait3A_962] : memref<16384x56x128xf32, #tpu.memory_space<hbm>> -> memref<16x56x128xf32, #tpu.memory_space<hbm>>
      tpu.wait_dma2 semaphore(%arg8 : memref<!tpu.dma_semaphore, #tpu.memory_space<semaphore_mem>>) src(%dma_wait3A_963 : memref<16x56x128xf32, #tpu.memory_space<hbm>>) dst(%arg6 : memref<16x50x64xf32, #tpu.memory_space<vmem>>)
      %mul3A_964 = arith.constant 16 : i32
      %mul3A_965 = arith.muli %add3A_707, %mul3A_964 : i32
      %add3A_966 = arith.addi %mul3A_2, %mul3A_965 : i32
      %dma_start3A_967 = arith.constant 0 : i32
      %dma_start3A_968 = arith.constant 0 : i32
      %dma_start3A_969 = tpu.memref_slice %arg4[%add3A_966, %dma_start3A_967, %dma_start3A_968] : memref<16384x56x128xf32, #tpu.memory_space<hbm>> -> memref<16x50x64xf32, #tpu.memory_space<hbm>>
      %dma_start3A_970 = arith.constant 0 : i32
      %dma_start3A_971 = arith.constant 0 : i32
      %dma_start3A_972 = tpu.memref_slice %arg4[%add3A_966, %dma_start3A_970, %dma_start3A_971] : memref<16384x56x128xf32, #tpu.memory_space<hbm>> -> memref<16x50x64xf32, #tpu.memory_space<hbm>>
      tpu.enqueue_dma source(%arg6 : memref<16x50x64xf32, #tpu.memory_space<vmem>>) target(%dma_start3A_972 : memref<16x50x64xf32, #tpu.memory_space<hbm>>) target_semaphore(%arg10 : memref<!tpu.dma_semaphore, #tpu.memory_space<semaphore_mem>>)
    }
    %scan3A_405 = arith.constant 15 : i32
    %dma_wait3A_406 = arith.constant 0 : i32
    %dma_wait3A_407 = arith.constant 0 : i32
    %dma_wait3A_408 = arith.constant 0 : i32
    %dma_wait3A_409 = tpu.memref_slice %arg4[%dma_wait3A_406, %dma_wait3A_407, %dma_wait3A_408] : memref<16384x56x128xf32, #tpu.memory_space<hbm>> -> memref<16x56x128xf32, #tpu.memory_space<hbm>>
    %dma_wait3A_410 = arith.constant 0 : i32
    %dma_wait3A_411 = arith.constant 0 : i32
    %dma_wait3A_412 = arith.constant 0 : i32
    %dma_wait3A_413 = tpu.memref_slice %arg4[%dma_wait3A_410, %dma_wait3A_411, %dma_wait3A_412] : memref<16384x56x128xf32, #tpu.memory_space<hbm>> -> memref<16x56x128xf32, #tpu.memory_space<hbm>>
    tpu.wait_dma2 semaphore(%arg9 : memref<!tpu.dma_semaphore, #tpu.memory_space<semaphore_mem>>) src(%dma_wait3A_413 : memref<16x56x128xf32, #tpu.memory_space<hbm>>) dst(%arg7 : memref<16x50x64xf32, #tpu.memory_space<vmem>>)
    %add3A_414 = arith.constant 496 : i32
    %add3A_415 = arith.addi %mul3A_2, %add3A_414 : i32
    %dma_start3A_416 = arith.constant 0 : i32
    %dma_start3A_417 = arith.constant 0 : i32
    %dma_start3A_418 = tpu.memref_slice %arg4[%add3A_415, %dma_start3A_416, %dma_start3A_417] : memref<16384x56x128xf32, #tpu.memory_space<hbm>> -> memref<16x50x64xf32, #tpu.memory_space<hbm>>
    %dma_start3A_419 = arith.constant 0 : i32
    %dma_start3A_420 = arith.constant 0 : i32
    %dma_start3A_421 = tpu.memref_slice %arg4[%add3A_415, %dma_start3A_419, %dma_start3A_420] : memref<16384x56x128xf32, #tpu.memory_space<hbm>> -> memref<16x50x64xf32, #tpu.memory_space<hbm>>
    tpu.enqueue_dma source(%arg7 : memref<16x50x64xf32, #tpu.memory_space<vmem>>) target(%dma_start3A_421 : memref<16x50x64xf32, #tpu.memory_space<hbm>>) target_semaphore(%arg11 : memref<!tpu.dma_semaphore, #tpu.memory_space<semaphore_mem>>)
    %dma_wait3A_422 = arith.constant 0 : i32
    %dma_wait3A_423 = arith.constant 0 : i32
    %dma_wait3A_424 = tpu.memref_slice %arg4[%mul3A_2, %dma_wait3A_422, %dma_wait3A_423] : memref<16384x56x128xf32, #tpu.memory_space<hbm>> -> memref<16x50x64xf32, #tpu.memory_space<hbm>>
    %dma_wait3A_425 = arith.constant 0 : i32
    %dma_wait3A_426 = arith.constant 0 : i32
    %dma_wait3A_427 = tpu.memref_slice %arg4[%mul3A_2, %dma_wait3A_425, %dma_wait3A_426] : memref<16384x56x128xf32, #tpu.memory_space<hbm>> -> memref<16x50x64xf32, #tpu.memory_space<hbm>>
    tpu.wait_dma2 semaphore(%arg10 : memref<!tpu.dma_semaphore, #tpu.memory_space<semaphore_mem>>) src(%arg6 : memref<16x50x64xf32, #tpu.memory_space<vmem>>) dst(%dma_wait3A_427 : memref<16x50x64xf32, #tpu.memory_space<hbm>>)
    %dma_wait3A_428 = arith.constant 0 : i32
    %dma_wait3A_429 = arith.constant 0 : i32
    %dma_wait3A_430 = tpu.memref_slice %arg4[%mul3A_2, %dma_wait3A_428, %dma_wait3A_429] : memref<16384x56x128xf32, #tpu.memory_space<hbm>> -> memref<16x50x64xf32, #tpu.memory_space<hbm>>
    %dma_wait3A_431 = arith.constant 0 : i32
    %dma_wait3A_432 = arith.constant 0 : i32
    %dma_wait3A_433 = tpu.memref_slice %arg4[%mul3A_2, %dma_wait3A_431, %dma_wait3A_432] : memref<16384x56x128xf32, #tpu.memory_space<hbm>> -> memref<16x50x64xf32, #tpu.memory_space<hbm>>
    tpu.wait_dma2 semaphore(%arg11 : memref<!tpu.dma_semaphore, #tpu.memory_space<semaphore_mem>>) src(%arg7 : memref<16x50x64xf32, #tpu.memory_space<vmem>>) dst(%dma_wait3A_433 : memref<16x50x64xf32, #tpu.memory_space<hbm>>)
    return
  }
}

module attributes {stable_mosaic.version = 14 : i64} {
  func.func @_pack_body(%arg0: i32, %arg1: memref<64x32768xf32, #tpu.memory_space<vmem>>, %arg2: memref<16384x128xf32, #tpu.memory_space<vmem>>) attributes {dimension_semantics = [#tpu.dimension_semantics<arbitrary>], iteration_bounds = array<i64: 31>, scalar_prefetch = 0 : i64, scratch_operands = 0 : i64, tpu.core_type = #tpu.core_type<tc>, window_params = [{transform_indices = @transform_0, window_bounds = array<i64: 64, 32768>}, {transform_indices = @transform_1, window_bounds = array<i64: 16384, 128>}]} {
    %get3A = arith.constant 0 : index
    %get3A_0 = arith.constant 0 : index
    %get3A_1 = vector.load %arg1[%get3A, %get3A_0] : memref<64x32768xf32, #tpu.memory_space<vmem>>, vector<64x32768xf32>
    %slice3A = vector.extract_strided_slice %get3A_1 {offsets = [0, 0], sizes = [64, 128], strides = [1, 1]} : vector<64x32768xf32> to vector<64x128xf32>
    %slice3A_2 = vector.extract_strided_slice %get3A_1 {offsets = [0, 256], sizes = [64, 128], strides = [1, 1]} : vector<64x32768xf32> to vector<64x128xf32>
    %slice3A_3 = vector.extract_strided_slice %get3A_1 {offsets = [0, 512], sizes = [64, 128], strides = [1, 1]} : vector<64x32768xf32> to vector<64x128xf32>
    %slice3A_4 = vector.extract_strided_slice %get3A_1 {offsets = [0, 768], sizes = [64, 128], strides = [1, 1]} : vector<64x32768xf32> to vector<64x128xf32>
    %slice3A_5 = vector.extract_strided_slice %get3A_1 {offsets = [0, 1024], sizes = [64, 128], strides = [1, 1]} : vector<64x32768xf32> to vector<64x128xf32>
    %slice3A_6 = vector.extract_strided_slice %get3A_1 {offsets = [0, 1280], sizes = [64, 128], strides = [1, 1]} : vector<64x32768xf32> to vector<64x128xf32>
    %slice3A_7 = vector.extract_strided_slice %get3A_1 {offsets = [0, 1536], sizes = [64, 128], strides = [1, 1]} : vector<64x32768xf32> to vector<64x128xf32>
    %slice3A_8 = vector.extract_strided_slice %get3A_1 {offsets = [0, 1792], sizes = [64, 128], strides = [1, 1]} : vector<64x32768xf32> to vector<64x128xf32>
    %slice3A_9 = vector.extract_strided_slice %get3A_1 {offsets = [0, 2048], sizes = [64, 128], strides = [1, 1]} : vector<64x32768xf32> to vector<64x128xf32>
    %slice3A_10 = vector.extract_strided_slice %get3A_1 {offsets = [0, 2304], sizes = [64, 128], strides = [1, 1]} : vector<64x32768xf32> to vector<64x128xf32>
    %slice3A_11 = vector.extract_strided_slice %get3A_1 {offsets = [0, 2560], sizes = [64, 128], strides = [1, 1]} : vector<64x32768xf32> to vector<64x128xf32>
    %slice3A_12 = vector.extract_strided_slice %get3A_1 {offsets = [0, 2816], sizes = [64, 128], strides = [1, 1]} : vector<64x32768xf32> to vector<64x128xf32>
    %slice3A_13 = vector.extract_strided_slice %get3A_1 {offsets = [0, 3072], sizes = [64, 128], strides = [1, 1]} : vector<64x32768xf32> to vector<64x128xf32>
    %slice3A_14 = vector.extract_strided_slice %get3A_1 {offsets = [0, 3328], sizes = [64, 128], strides = [1, 1]} : vector<64x32768xf32> to vector<64x128xf32>
    %slice3A_15 = vector.extract_strided_slice %get3A_1 {offsets = [0, 3584], sizes = [64, 128], strides = [1, 1]} : vector<64x32768xf32> to vector<64x128xf32>
    %slice3A_16 = vector.extract_strided_slice %get3A_1 {offsets = [0, 3840], sizes = [64, 128], strides = [1, 1]} : vector<64x32768xf32> to vector<64x128xf32>
    %slice3A_17 = vector.extract_strided_slice %get3A_1 {offsets = [0, 4096], sizes = [64, 128], strides = [1, 1]} : vector<64x32768xf32> to vector<64x128xf32>
    %slice3A_18 = vector.extract_strided_slice %get3A_1 {offsets = [0, 4352], sizes = [64, 128], strides = [1, 1]} : vector<64x32768xf32> to vector<64x128xf32>
    %slice3A_19 = vector.extract_strided_slice %get3A_1 {offsets = [0, 4608], sizes = [64, 128], strides = [1, 1]} : vector<64x32768xf32> to vector<64x128xf32>
    %slice3A_20 = vector.extract_strided_slice %get3A_1 {offsets = [0, 4864], sizes = [64, 128], strides = [1, 1]} : vector<64x32768xf32> to vector<64x128xf32>
    %slice3A_21 = vector.extract_strided_slice %get3A_1 {offsets = [0, 5120], sizes = [64, 128], strides = [1, 1]} : vector<64x32768xf32> to vector<64x128xf32>
    %slice3A_22 = vector.extract_strided_slice %get3A_1 {offsets = [0, 5376], sizes = [64, 128], strides = [1, 1]} : vector<64x32768xf32> to vector<64x128xf32>
    %slice3A_23 = vector.extract_strided_slice %get3A_1 {offsets = [0, 5632], sizes = [64, 128], strides = [1, 1]} : vector<64x32768xf32> to vector<64x128xf32>
    %slice3A_24 = vector.extract_strided_slice %get3A_1 {offsets = [0, 5888], sizes = [64, 128], strides = [1, 1]} : vector<64x32768xf32> to vector<64x128xf32>
    %slice3A_25 = vector.extract_strided_slice %get3A_1 {offsets = [0, 6144], sizes = [64, 128], strides = [1, 1]} : vector<64x32768xf32> to vector<64x128xf32>
    %slice3A_26 = vector.extract_strided_slice %get3A_1 {offsets = [0, 6400], sizes = [64, 128], strides = [1, 1]} : vector<64x32768xf32> to vector<64x128xf32>
    %slice3A_27 = vector.extract_strided_slice %get3A_1 {offsets = [0, 6656], sizes = [64, 128], strides = [1, 1]} : vector<64x32768xf32> to vector<64x128xf32>
    %slice3A_28 = vector.extract_strided_slice %get3A_1 {offsets = [0, 6912], sizes = [64, 128], strides = [1, 1]} : vector<64x32768xf32> to vector<64x128xf32>
    %slice3A_29 = vector.extract_strided_slice %get3A_1 {offsets = [0, 7168], sizes = [64, 128], strides = [1, 1]} : vector<64x32768xf32> to vector<64x128xf32>
    %slice3A_30 = vector.extract_strided_slice %get3A_1 {offsets = [0, 7424], sizes = [64, 128], strides = [1, 1]} : vector<64x32768xf32> to vector<64x128xf32>
    %slice3A_31 = vector.extract_strided_slice %get3A_1 {offsets = [0, 7680], sizes = [64, 128], strides = [1, 1]} : vector<64x32768xf32> to vector<64x128xf32>
    %slice3A_32 = vector.extract_strided_slice %get3A_1 {offsets = [0, 7936], sizes = [64, 128], strides = [1, 1]} : vector<64x32768xf32> to vector<64x128xf32>
    %slice3A_33 = vector.extract_strided_slice %get3A_1 {offsets = [0, 8192], sizes = [64, 128], strides = [1, 1]} : vector<64x32768xf32> to vector<64x128xf32>
    %slice3A_34 = vector.extract_strided_slice %get3A_1 {offsets = [0, 8448], sizes = [64, 128], strides = [1, 1]} : vector<64x32768xf32> to vector<64x128xf32>
    %slice3A_35 = vector.extract_strided_slice %get3A_1 {offsets = [0, 8704], sizes = [64, 128], strides = [1, 1]} : vector<64x32768xf32> to vector<64x128xf32>
    %slice3A_36 = vector.extract_strided_slice %get3A_1 {offsets = [0, 8960], sizes = [64, 128], strides = [1, 1]} : vector<64x32768xf32> to vector<64x128xf32>
    %slice3A_37 = vector.extract_strided_slice %get3A_1 {offsets = [0, 9216], sizes = [64, 128], strides = [1, 1]} : vector<64x32768xf32> to vector<64x128xf32>
    %slice3A_38 = vector.extract_strided_slice %get3A_1 {offsets = [0, 9472], sizes = [64, 128], strides = [1, 1]} : vector<64x32768xf32> to vector<64x128xf32>
    %slice3A_39 = vector.extract_strided_slice %get3A_1 {offsets = [0, 9728], sizes = [64, 128], strides = [1, 1]} : vector<64x32768xf32> to vector<64x128xf32>
    %slice3A_40 = vector.extract_strided_slice %get3A_1 {offsets = [0, 9984], sizes = [64, 128], strides = [1, 1]} : vector<64x32768xf32> to vector<64x128xf32>
    %slice3A_41 = vector.extract_strided_slice %get3A_1 {offsets = [0, 10240], sizes = [64, 128], strides = [1, 1]} : vector<64x32768xf32> to vector<64x128xf32>
    %slice3A_42 = vector.extract_strided_slice %get3A_1 {offsets = [0, 10496], sizes = [64, 128], strides = [1, 1]} : vector<64x32768xf32> to vector<64x128xf32>
    %slice3A_43 = vector.extract_strided_slice %get3A_1 {offsets = [0, 10752], sizes = [64, 128], strides = [1, 1]} : vector<64x32768xf32> to vector<64x128xf32>
    %slice3A_44 = vector.extract_strided_slice %get3A_1 {offsets = [0, 11008], sizes = [64, 128], strides = [1, 1]} : vector<64x32768xf32> to vector<64x128xf32>
    %slice3A_45 = vector.extract_strided_slice %get3A_1 {offsets = [0, 11264], sizes = [64, 128], strides = [1, 1]} : vector<64x32768xf32> to vector<64x128xf32>
    %slice3A_46 = vector.extract_strided_slice %get3A_1 {offsets = [0, 11520], sizes = [64, 128], strides = [1, 1]} : vector<64x32768xf32> to vector<64x128xf32>
    %slice3A_47 = vector.extract_strided_slice %get3A_1 {offsets = [0, 11776], sizes = [64, 128], strides = [1, 1]} : vector<64x32768xf32> to vector<64x128xf32>
    %slice3A_48 = vector.extract_strided_slice %get3A_1 {offsets = [0, 12032], sizes = [64, 128], strides = [1, 1]} : vector<64x32768xf32> to vector<64x128xf32>
    %slice3A_49 = vector.extract_strided_slice %get3A_1 {offsets = [0, 12288], sizes = [64, 128], strides = [1, 1]} : vector<64x32768xf32> to vector<64x128xf32>
    %slice3A_50 = vector.extract_strided_slice %get3A_1 {offsets = [0, 12544], sizes = [64, 128], strides = [1, 1]} : vector<64x32768xf32> to vector<64x128xf32>
    %slice3A_51 = vector.extract_strided_slice %get3A_1 {offsets = [0, 12800], sizes = [64, 128], strides = [1, 1]} : vector<64x32768xf32> to vector<64x128xf32>
    %slice3A_52 = vector.extract_strided_slice %get3A_1 {offsets = [0, 13056], sizes = [64, 128], strides = [1, 1]} : vector<64x32768xf32> to vector<64x128xf32>
    %slice3A_53 = vector.extract_strided_slice %get3A_1 {offsets = [0, 13312], sizes = [64, 128], strides = [1, 1]} : vector<64x32768xf32> to vector<64x128xf32>
    %slice3A_54 = vector.extract_strided_slice %get3A_1 {offsets = [0, 13568], sizes = [64, 128], strides = [1, 1]} : vector<64x32768xf32> to vector<64x128xf32>
    %slice3A_55 = vector.extract_strided_slice %get3A_1 {offsets = [0, 13824], sizes = [64, 128], strides = [1, 1]} : vector<64x32768xf32> to vector<64x128xf32>
    %slice3A_56 = vector.extract_strided_slice %get3A_1 {offsets = [0, 14080], sizes = [64, 128], strides = [1, 1]} : vector<64x32768xf32> to vector<64x128xf32>
    %slice3A_57 = vector.extract_strided_slice %get3A_1 {offsets = [0, 14336], sizes = [64, 128], strides = [1, 1]} : vector<64x32768xf32> to vector<64x128xf32>
    %slice3A_58 = vector.extract_strided_slice %get3A_1 {offsets = [0, 14592], sizes = [64, 128], strides = [1, 1]} : vector<64x32768xf32> to vector<64x128xf32>
    %slice3A_59 = vector.extract_strided_slice %get3A_1 {offsets = [0, 14848], sizes = [64, 128], strides = [1, 1]} : vector<64x32768xf32> to vector<64x128xf32>
    %slice3A_60 = vector.extract_strided_slice %get3A_1 {offsets = [0, 15104], sizes = [64, 128], strides = [1, 1]} : vector<64x32768xf32> to vector<64x128xf32>
    %slice3A_61 = vector.extract_strided_slice %get3A_1 {offsets = [0, 15360], sizes = [64, 128], strides = [1, 1]} : vector<64x32768xf32> to vector<64x128xf32>
    %slice3A_62 = vector.extract_strided_slice %get3A_1 {offsets = [0, 15616], sizes = [64, 128], strides = [1, 1]} : vector<64x32768xf32> to vector<64x128xf32>
    %slice3A_63 = vector.extract_strided_slice %get3A_1 {offsets = [0, 15872], sizes = [64, 128], strides = [1, 1]} : vector<64x32768xf32> to vector<64x128xf32>
    %slice3A_64 = vector.extract_strided_slice %get3A_1 {offsets = [0, 16128], sizes = [64, 128], strides = [1, 1]} : vector<64x32768xf32> to vector<64x128xf32>
    %slice3A_65 = vector.extract_strided_slice %get3A_1 {offsets = [0, 16384], sizes = [64, 128], strides = [1, 1]} : vector<64x32768xf32> to vector<64x128xf32>
    %slice3A_66 = vector.extract_strided_slice %get3A_1 {offsets = [0, 16640], sizes = [64, 128], strides = [1, 1]} : vector<64x32768xf32> to vector<64x128xf32>
    %slice3A_67 = vector.extract_strided_slice %get3A_1 {offsets = [0, 16896], sizes = [64, 128], strides = [1, 1]} : vector<64x32768xf32> to vector<64x128xf32>
    %slice3A_68 = vector.extract_strided_slice %get3A_1 {offsets = [0, 17152], sizes = [64, 128], strides = [1, 1]} : vector<64x32768xf32> to vector<64x128xf32>
    %slice3A_69 = vector.extract_strided_slice %get3A_1 {offsets = [0, 17408], sizes = [64, 128], strides = [1, 1]} : vector<64x32768xf32> to vector<64x128xf32>
    %slice3A_70 = vector.extract_strided_slice %get3A_1 {offsets = [0, 17664], sizes = [64, 128], strides = [1, 1]} : vector<64x32768xf32> to vector<64x128xf32>
    %slice3A_71 = vector.extract_strided_slice %get3A_1 {offsets = [0, 17920], sizes = [64, 128], strides = [1, 1]} : vector<64x32768xf32> to vector<64x128xf32>
    %slice3A_72 = vector.extract_strided_slice %get3A_1 {offsets = [0, 18176], sizes = [64, 128], strides = [1, 1]} : vector<64x32768xf32> to vector<64x128xf32>
    %slice3A_73 = vector.extract_strided_slice %get3A_1 {offsets = [0, 18432], sizes = [64, 128], strides = [1, 1]} : vector<64x32768xf32> to vector<64x128xf32>
    %slice3A_74 = vector.extract_strided_slice %get3A_1 {offsets = [0, 18688], sizes = [64, 128], strides = [1, 1]} : vector<64x32768xf32> to vector<64x128xf32>
    %slice3A_75 = vector.extract_strided_slice %get3A_1 {offsets = [0, 18944], sizes = [64, 128], strides = [1, 1]} : vector<64x32768xf32> to vector<64x128xf32>
    %slice3A_76 = vector.extract_strided_slice %get3A_1 {offsets = [0, 19200], sizes = [64, 128], strides = [1, 1]} : vector<64x32768xf32> to vector<64x128xf32>
    %slice3A_77 = vector.extract_strided_slice %get3A_1 {offsets = [0, 19456], sizes = [64, 128], strides = [1, 1]} : vector<64x32768xf32> to vector<64x128xf32>
    %slice3A_78 = vector.extract_strided_slice %get3A_1 {offsets = [0, 19712], sizes = [64, 128], strides = [1, 1]} : vector<64x32768xf32> to vector<64x128xf32>
    %slice3A_79 = vector.extract_strided_slice %get3A_1 {offsets = [0, 19968], sizes = [64, 128], strides = [1, 1]} : vector<64x32768xf32> to vector<64x128xf32>
    %slice3A_80 = vector.extract_strided_slice %get3A_1 {offsets = [0, 20224], sizes = [64, 128], strides = [1, 1]} : vector<64x32768xf32> to vector<64x128xf32>
    %slice3A_81 = vector.extract_strided_slice %get3A_1 {offsets = [0, 20480], sizes = [64, 128], strides = [1, 1]} : vector<64x32768xf32> to vector<64x128xf32>
    %slice3A_82 = vector.extract_strided_slice %get3A_1 {offsets = [0, 20736], sizes = [64, 128], strides = [1, 1]} : vector<64x32768xf32> to vector<64x128xf32>
    %slice3A_83 = vector.extract_strided_slice %get3A_1 {offsets = [0, 20992], sizes = [64, 128], strides = [1, 1]} : vector<64x32768xf32> to vector<64x128xf32>
    %slice3A_84 = vector.extract_strided_slice %get3A_1 {offsets = [0, 21248], sizes = [64, 128], strides = [1, 1]} : vector<64x32768xf32> to vector<64x128xf32>
    %slice3A_85 = vector.extract_strided_slice %get3A_1 {offsets = [0, 21504], sizes = [64, 128], strides = [1, 1]} : vector<64x32768xf32> to vector<64x128xf32>
    %slice3A_86 = vector.extract_strided_slice %get3A_1 {offsets = [0, 21760], sizes = [64, 128], strides = [1, 1]} : vector<64x32768xf32> to vector<64x128xf32>
    %slice3A_87 = vector.extract_strided_slice %get3A_1 {offsets = [0, 22016], sizes = [64, 128], strides = [1, 1]} : vector<64x32768xf32> to vector<64x128xf32>
    %slice3A_88 = vector.extract_strided_slice %get3A_1 {offsets = [0, 22272], sizes = [64, 128], strides = [1, 1]} : vector<64x32768xf32> to vector<64x128xf32>
    %slice3A_89 = vector.extract_strided_slice %get3A_1 {offsets = [0, 22528], sizes = [64, 128], strides = [1, 1]} : vector<64x32768xf32> to vector<64x128xf32>
    %slice3A_90 = vector.extract_strided_slice %get3A_1 {offsets = [0, 22784], sizes = [64, 128], strides = [1, 1]} : vector<64x32768xf32> to vector<64x128xf32>
    %slice3A_91 = vector.extract_strided_slice %get3A_1 {offsets = [0, 23040], sizes = [64, 128], strides = [1, 1]} : vector<64x32768xf32> to vector<64x128xf32>
    %slice3A_92 = vector.extract_strided_slice %get3A_1 {offsets = [0, 23296], sizes = [64, 128], strides = [1, 1]} : vector<64x32768xf32> to vector<64x128xf32>
    %slice3A_93 = vector.extract_strided_slice %get3A_1 {offsets = [0, 23552], sizes = [64, 128], strides = [1, 1]} : vector<64x32768xf32> to vector<64x128xf32>
    %slice3A_94 = vector.extract_strided_slice %get3A_1 {offsets = [0, 23808], sizes = [64, 128], strides = [1, 1]} : vector<64x32768xf32> to vector<64x128xf32>
    %slice3A_95 = vector.extract_strided_slice %get3A_1 {offsets = [0, 24064], sizes = [64, 128], strides = [1, 1]} : vector<64x32768xf32> to vector<64x128xf32>
    %slice3A_96 = vector.extract_strided_slice %get3A_1 {offsets = [0, 24320], sizes = [64, 128], strides = [1, 1]} : vector<64x32768xf32> to vector<64x128xf32>
    %slice3A_97 = vector.extract_strided_slice %get3A_1 {offsets = [0, 24576], sizes = [64, 128], strides = [1, 1]} : vector<64x32768xf32> to vector<64x128xf32>
    %slice3A_98 = vector.extract_strided_slice %get3A_1 {offsets = [0, 24832], sizes = [64, 128], strides = [1, 1]} : vector<64x32768xf32> to vector<64x128xf32>
    %slice3A_99 = vector.extract_strided_slice %get3A_1 {offsets = [0, 25088], sizes = [64, 128], strides = [1, 1]} : vector<64x32768xf32> to vector<64x128xf32>
    %slice3A_100 = vector.extract_strided_slice %get3A_1 {offsets = [0, 25344], sizes = [64, 128], strides = [1, 1]} : vector<64x32768xf32> to vector<64x128xf32>
    %slice3A_101 = vector.extract_strided_slice %get3A_1 {offsets = [0, 25600], sizes = [64, 128], strides = [1, 1]} : vector<64x32768xf32> to vector<64x128xf32>
    %slice3A_102 = vector.extract_strided_slice %get3A_1 {offsets = [0, 25856], sizes = [64, 128], strides = [1, 1]} : vector<64x32768xf32> to vector<64x128xf32>
    %slice3A_103 = vector.extract_strided_slice %get3A_1 {offsets = [0, 26112], sizes = [64, 128], strides = [1, 1]} : vector<64x32768xf32> to vector<64x128xf32>
    %slice3A_104 = vector.extract_strided_slice %get3A_1 {offsets = [0, 26368], sizes = [64, 128], strides = [1, 1]} : vector<64x32768xf32> to vector<64x128xf32>
    %slice3A_105 = vector.extract_strided_slice %get3A_1 {offsets = [0, 26624], sizes = [64, 128], strides = [1, 1]} : vector<64x32768xf32> to vector<64x128xf32>
    %slice3A_106 = vector.extract_strided_slice %get3A_1 {offsets = [0, 26880], sizes = [64, 128], strides = [1, 1]} : vector<64x32768xf32> to vector<64x128xf32>
    %slice3A_107 = vector.extract_strided_slice %get3A_1 {offsets = [0, 27136], sizes = [64, 128], strides = [1, 1]} : vector<64x32768xf32> to vector<64x128xf32>
    %slice3A_108 = vector.extract_strided_slice %get3A_1 {offsets = [0, 27392], sizes = [64, 128], strides = [1, 1]} : vector<64x32768xf32> to vector<64x128xf32>
    %slice3A_109 = vector.extract_strided_slice %get3A_1 {offsets = [0, 27648], sizes = [64, 128], strides = [1, 1]} : vector<64x32768xf32> to vector<64x128xf32>
    %slice3A_110 = vector.extract_strided_slice %get3A_1 {offsets = [0, 27904], sizes = [64, 128], strides = [1, 1]} : vector<64x32768xf32> to vector<64x128xf32>
    %slice3A_111 = vector.extract_strided_slice %get3A_1 {offsets = [0, 28160], sizes = [64, 128], strides = [1, 1]} : vector<64x32768xf32> to vector<64x128xf32>
    %slice3A_112 = vector.extract_strided_slice %get3A_1 {offsets = [0, 28416], sizes = [64, 128], strides = [1, 1]} : vector<64x32768xf32> to vector<64x128xf32>
    %slice3A_113 = vector.extract_strided_slice %get3A_1 {offsets = [0, 28672], sizes = [64, 128], strides = [1, 1]} : vector<64x32768xf32> to vector<64x128xf32>
    %slice3A_114 = vector.extract_strided_slice %get3A_1 {offsets = [0, 28928], sizes = [64, 128], strides = [1, 1]} : vector<64x32768xf32> to vector<64x128xf32>
    %slice3A_115 = vector.extract_strided_slice %get3A_1 {offsets = [0, 29184], sizes = [64, 128], strides = [1, 1]} : vector<64x32768xf32> to vector<64x128xf32>
    %slice3A_116 = vector.extract_strided_slice %get3A_1 {offsets = [0, 29440], sizes = [64, 128], strides = [1, 1]} : vector<64x32768xf32> to vector<64x128xf32>
    %slice3A_117 = vector.extract_strided_slice %get3A_1 {offsets = [0, 29696], sizes = [64, 128], strides = [1, 1]} : vector<64x32768xf32> to vector<64x128xf32>
    %slice3A_118 = vector.extract_strided_slice %get3A_1 {offsets = [0, 29952], sizes = [64, 128], strides = [1, 1]} : vector<64x32768xf32> to vector<64x128xf32>
    %slice3A_119 = vector.extract_strided_slice %get3A_1 {offsets = [0, 30208], sizes = [64, 128], strides = [1, 1]} : vector<64x32768xf32> to vector<64x128xf32>
    %slice3A_120 = vector.extract_strided_slice %get3A_1 {offsets = [0, 30464], sizes = [64, 128], strides = [1, 1]} : vector<64x32768xf32> to vector<64x128xf32>
    %slice3A_121 = vector.extract_strided_slice %get3A_1 {offsets = [0, 30720], sizes = [64, 128], strides = [1, 1]} : vector<64x32768xf32> to vector<64x128xf32>
    %slice3A_122 = vector.extract_strided_slice %get3A_1 {offsets = [0, 30976], sizes = [64, 128], strides = [1, 1]} : vector<64x32768xf32> to vector<64x128xf32>
    %slice3A_123 = vector.extract_strided_slice %get3A_1 {offsets = [0, 31232], sizes = [64, 128], strides = [1, 1]} : vector<64x32768xf32> to vector<64x128xf32>
    %slice3A_124 = vector.extract_strided_slice %get3A_1 {offsets = [0, 31488], sizes = [64, 128], strides = [1, 1]} : vector<64x32768xf32> to vector<64x128xf32>
    %slice3A_125 = vector.extract_strided_slice %get3A_1 {offsets = [0, 31744], sizes = [64, 128], strides = [1, 1]} : vector<64x32768xf32> to vector<64x128xf32>
    %slice3A_126 = vector.extract_strided_slice %get3A_1 {offsets = [0, 32000], sizes = [64, 128], strides = [1, 1]} : vector<64x32768xf32> to vector<64x128xf32>
    %slice3A_127 = vector.extract_strided_slice %get3A_1 {offsets = [0, 32256], sizes = [64, 128], strides = [1, 1]} : vector<64x32768xf32> to vector<64x128xf32>
    %slice3A_128 = vector.extract_strided_slice %get3A_1 {offsets = [0, 32512], sizes = [64, 128], strides = [1, 1]} : vector<64x32768xf32> to vector<64x128xf32>
    %slice3A_129 = vector.extract_strided_slice %get3A_1 {offsets = [0, 128], sizes = [64, 128], strides = [1, 1]} : vector<64x32768xf32> to vector<64x128xf32>
    %slice3A_130 = vector.extract_strided_slice %get3A_1 {offsets = [0, 384], sizes = [64, 128], strides = [1, 1]} : vector<64x32768xf32> to vector<64x128xf32>
    %slice3A_131 = vector.extract_strided_slice %get3A_1 {offsets = [0, 640], sizes = [64, 128], strides = [1, 1]} : vector<64x32768xf32> to vector<64x128xf32>
    %slice3A_132 = vector.extract_strided_slice %get3A_1 {offsets = [0, 896], sizes = [64, 128], strides = [1, 1]} : vector<64x32768xf32> to vector<64x128xf32>
    %slice3A_133 = vector.extract_strided_slice %get3A_1 {offsets = [0, 1152], sizes = [64, 128], strides = [1, 1]} : vector<64x32768xf32> to vector<64x128xf32>
    %slice3A_134 = vector.extract_strided_slice %get3A_1 {offsets = [0, 1408], sizes = [64, 128], strides = [1, 1]} : vector<64x32768xf32> to vector<64x128xf32>
    %slice3A_135 = vector.extract_strided_slice %get3A_1 {offsets = [0, 1664], sizes = [64, 128], strides = [1, 1]} : vector<64x32768xf32> to vector<64x128xf32>
    %slice3A_136 = vector.extract_strided_slice %get3A_1 {offsets = [0, 1920], sizes = [64, 128], strides = [1, 1]} : vector<64x32768xf32> to vector<64x128xf32>
    %slice3A_137 = vector.extract_strided_slice %get3A_1 {offsets = [0, 2176], sizes = [64, 128], strides = [1, 1]} : vector<64x32768xf32> to vector<64x128xf32>
    %slice3A_138 = vector.extract_strided_slice %get3A_1 {offsets = [0, 2432], sizes = [64, 128], strides = [1, 1]} : vector<64x32768xf32> to vector<64x128xf32>
    %slice3A_139 = vector.extract_strided_slice %get3A_1 {offsets = [0, 2688], sizes = [64, 128], strides = [1, 1]} : vector<64x32768xf32> to vector<64x128xf32>
    %slice3A_140 = vector.extract_strided_slice %get3A_1 {offsets = [0, 2944], sizes = [64, 128], strides = [1, 1]} : vector<64x32768xf32> to vector<64x128xf32>
    %slice3A_141 = vector.extract_strided_slice %get3A_1 {offsets = [0, 3200], sizes = [64, 128], strides = [1, 1]} : vector<64x32768xf32> to vector<64x128xf32>
    %slice3A_142 = vector.extract_strided_slice %get3A_1 {offsets = [0, 3456], sizes = [64, 128], strides = [1, 1]} : vector<64x32768xf32> to vector<64x128xf32>
    %slice3A_143 = vector.extract_strided_slice %get3A_1 {offsets = [0, 3712], sizes = [64, 128], strides = [1, 1]} : vector<64x32768xf32> to vector<64x128xf32>
    %slice3A_144 = vector.extract_strided_slice %get3A_1 {offsets = [0, 3968], sizes = [64, 128], strides = [1, 1]} : vector<64x32768xf32> to vector<64x128xf32>
    %slice3A_145 = vector.extract_strided_slice %get3A_1 {offsets = [0, 4224], sizes = [64, 128], strides = [1, 1]} : vector<64x32768xf32> to vector<64x128xf32>
    %slice3A_146 = vector.extract_strided_slice %get3A_1 {offsets = [0, 4480], sizes = [64, 128], strides = [1, 1]} : vector<64x32768xf32> to vector<64x128xf32>
    %slice3A_147 = vector.extract_strided_slice %get3A_1 {offsets = [0, 4736], sizes = [64, 128], strides = [1, 1]} : vector<64x32768xf32> to vector<64x128xf32>
    %slice3A_148 = vector.extract_strided_slice %get3A_1 {offsets = [0, 4992], sizes = [64, 128], strides = [1, 1]} : vector<64x32768xf32> to vector<64x128xf32>
    %slice3A_149 = vector.extract_strided_slice %get3A_1 {offsets = [0, 5248], sizes = [64, 128], strides = [1, 1]} : vector<64x32768xf32> to vector<64x128xf32>
    %slice3A_150 = vector.extract_strided_slice %get3A_1 {offsets = [0, 5504], sizes = [64, 128], strides = [1, 1]} : vector<64x32768xf32> to vector<64x128xf32>
    %slice3A_151 = vector.extract_strided_slice %get3A_1 {offsets = [0, 5760], sizes = [64, 128], strides = [1, 1]} : vector<64x32768xf32> to vector<64x128xf32>
    %slice3A_152 = vector.extract_strided_slice %get3A_1 {offsets = [0, 6016], sizes = [64, 128], strides = [1, 1]} : vector<64x32768xf32> to vector<64x128xf32>
    %slice3A_153 = vector.extract_strided_slice %get3A_1 {offsets = [0, 6272], sizes = [64, 128], strides = [1, 1]} : vector<64x32768xf32> to vector<64x128xf32>
    %slice3A_154 = vector.extract_strided_slice %get3A_1 {offsets = [0, 6528], sizes = [64, 128], strides = [1, 1]} : vector<64x32768xf32> to vector<64x128xf32>
    %slice3A_155 = vector.extract_strided_slice %get3A_1 {offsets = [0, 6784], sizes = [64, 128], strides = [1, 1]} : vector<64x32768xf32> to vector<64x128xf32>
    %slice3A_156 = vector.extract_strided_slice %get3A_1 {offsets = [0, 7040], sizes = [64, 128], strides = [1, 1]} : vector<64x32768xf32> to vector<64x128xf32>
    %slice3A_157 = vector.extract_strided_slice %get3A_1 {offsets = [0, 7296], sizes = [64, 128], strides = [1, 1]} : vector<64x32768xf32> to vector<64x128xf32>
    %slice3A_158 = vector.extract_strided_slice %get3A_1 {offsets = [0, 7552], sizes = [64, 128], strides = [1, 1]} : vector<64x32768xf32> to vector<64x128xf32>
    %slice3A_159 = vector.extract_strided_slice %get3A_1 {offsets = [0, 7808], sizes = [64, 128], strides = [1, 1]} : vector<64x32768xf32> to vector<64x128xf32>
    %slice3A_160 = vector.extract_strided_slice %get3A_1 {offsets = [0, 8064], sizes = [64, 128], strides = [1, 1]} : vector<64x32768xf32> to vector<64x128xf32>
    %slice3A_161 = vector.extract_strided_slice %get3A_1 {offsets = [0, 8320], sizes = [64, 128], strides = [1, 1]} : vector<64x32768xf32> to vector<64x128xf32>
    %slice3A_162 = vector.extract_strided_slice %get3A_1 {offsets = [0, 8576], sizes = [64, 128], strides = [1, 1]} : vector<64x32768xf32> to vector<64x128xf32>
    %slice3A_163 = vector.extract_strided_slice %get3A_1 {offsets = [0, 8832], sizes = [64, 128], strides = [1, 1]} : vector<64x32768xf32> to vector<64x128xf32>
    %slice3A_164 = vector.extract_strided_slice %get3A_1 {offsets = [0, 9088], sizes = [64, 128], strides = [1, 1]} : vector<64x32768xf32> to vector<64x128xf32>
    %slice3A_165 = vector.extract_strided_slice %get3A_1 {offsets = [0, 9344], sizes = [64, 128], strides = [1, 1]} : vector<64x32768xf32> to vector<64x128xf32>
    %slice3A_166 = vector.extract_strided_slice %get3A_1 {offsets = [0, 9600], sizes = [64, 128], strides = [1, 1]} : vector<64x32768xf32> to vector<64x128xf32>
    %slice3A_167 = vector.extract_strided_slice %get3A_1 {offsets = [0, 9856], sizes = [64, 128], strides = [1, 1]} : vector<64x32768xf32> to vector<64x128xf32>
    %slice3A_168 = vector.extract_strided_slice %get3A_1 {offsets = [0, 10112], sizes = [64, 128], strides = [1, 1]} : vector<64x32768xf32> to vector<64x128xf32>
    %slice3A_169 = vector.extract_strided_slice %get3A_1 {offsets = [0, 10368], sizes = [64, 128], strides = [1, 1]} : vector<64x32768xf32> to vector<64x128xf32>
    %slice3A_170 = vector.extract_strided_slice %get3A_1 {offsets = [0, 10624], sizes = [64, 128], strides = [1, 1]} : vector<64x32768xf32> to vector<64x128xf32>
    %slice3A_171 = vector.extract_strided_slice %get3A_1 {offsets = [0, 10880], sizes = [64, 128], strides = [1, 1]} : vector<64x32768xf32> to vector<64x128xf32>
    %slice3A_172 = vector.extract_strided_slice %get3A_1 {offsets = [0, 11136], sizes = [64, 128], strides = [1, 1]} : vector<64x32768xf32> to vector<64x128xf32>
    %slice3A_173 = vector.extract_strided_slice %get3A_1 {offsets = [0, 11392], sizes = [64, 128], strides = [1, 1]} : vector<64x32768xf32> to vector<64x128xf32>
    %slice3A_174 = vector.extract_strided_slice %get3A_1 {offsets = [0, 11648], sizes = [64, 128], strides = [1, 1]} : vector<64x32768xf32> to vector<64x128xf32>
    %slice3A_175 = vector.extract_strided_slice %get3A_1 {offsets = [0, 11904], sizes = [64, 128], strides = [1, 1]} : vector<64x32768xf32> to vector<64x128xf32>
    %slice3A_176 = vector.extract_strided_slice %get3A_1 {offsets = [0, 12160], sizes = [64, 128], strides = [1, 1]} : vector<64x32768xf32> to vector<64x128xf32>
    %slice3A_177 = vector.extract_strided_slice %get3A_1 {offsets = [0, 12416], sizes = [64, 128], strides = [1, 1]} : vector<64x32768xf32> to vector<64x128xf32>
    %slice3A_178 = vector.extract_strided_slice %get3A_1 {offsets = [0, 12672], sizes = [64, 128], strides = [1, 1]} : vector<64x32768xf32> to vector<64x128xf32>
    %slice3A_179 = vector.extract_strided_slice %get3A_1 {offsets = [0, 12928], sizes = [64, 128], strides = [1, 1]} : vector<64x32768xf32> to vector<64x128xf32>
    %slice3A_180 = vector.extract_strided_slice %get3A_1 {offsets = [0, 13184], sizes = [64, 128], strides = [1, 1]} : vector<64x32768xf32> to vector<64x128xf32>
    %slice3A_181 = vector.extract_strided_slice %get3A_1 {offsets = [0, 13440], sizes = [64, 128], strides = [1, 1]} : vector<64x32768xf32> to vector<64x128xf32>
    %slice3A_182 = vector.extract_strided_slice %get3A_1 {offsets = [0, 13696], sizes = [64, 128], strides = [1, 1]} : vector<64x32768xf32> to vector<64x128xf32>
    %slice3A_183 = vector.extract_strided_slice %get3A_1 {offsets = [0, 13952], sizes = [64, 128], strides = [1, 1]} : vector<64x32768xf32> to vector<64x128xf32>
    %slice3A_184 = vector.extract_strided_slice %get3A_1 {offsets = [0, 14208], sizes = [64, 128], strides = [1, 1]} : vector<64x32768xf32> to vector<64x128xf32>
    %slice3A_185 = vector.extract_strided_slice %get3A_1 {offsets = [0, 14464], sizes = [64, 128], strides = [1, 1]} : vector<64x32768xf32> to vector<64x128xf32>
    %slice3A_186 = vector.extract_strided_slice %get3A_1 {offsets = [0, 14720], sizes = [64, 128], strides = [1, 1]} : vector<64x32768xf32> to vector<64x128xf32>
    %slice3A_187 = vector.extract_strided_slice %get3A_1 {offsets = [0, 14976], sizes = [64, 128], strides = [1, 1]} : vector<64x32768xf32> to vector<64x128xf32>
    %slice3A_188 = vector.extract_strided_slice %get3A_1 {offsets = [0, 15232], sizes = [64, 128], strides = [1, 1]} : vector<64x32768xf32> to vector<64x128xf32>
    %slice3A_189 = vector.extract_strided_slice %get3A_1 {offsets = [0, 15488], sizes = [64, 128], strides = [1, 1]} : vector<64x32768xf32> to vector<64x128xf32>
    %slice3A_190 = vector.extract_strided_slice %get3A_1 {offsets = [0, 15744], sizes = [64, 128], strides = [1, 1]} : vector<64x32768xf32> to vector<64x128xf32>
    %slice3A_191 = vector.extract_strided_slice %get3A_1 {offsets = [0, 16000], sizes = [64, 128], strides = [1, 1]} : vector<64x32768xf32> to vector<64x128xf32>
    %slice3A_192 = vector.extract_strided_slice %get3A_1 {offsets = [0, 16256], sizes = [64, 128], strides = [1, 1]} : vector<64x32768xf32> to vector<64x128xf32>
    %slice3A_193 = vector.extract_strided_slice %get3A_1 {offsets = [0, 16512], sizes = [64, 128], strides = [1, 1]} : vector<64x32768xf32> to vector<64x128xf32>
    %slice3A_194 = vector.extract_strided_slice %get3A_1 {offsets = [0, 16768], sizes = [64, 128], strides = [1, 1]} : vector<64x32768xf32> to vector<64x128xf32>
    %slice3A_195 = vector.extract_strided_slice %get3A_1 {offsets = [0, 17024], sizes = [64, 128], strides = [1, 1]} : vector<64x32768xf32> to vector<64x128xf32>
    %slice3A_196 = vector.extract_strided_slice %get3A_1 {offsets = [0, 17280], sizes = [64, 128], strides = [1, 1]} : vector<64x32768xf32> to vector<64x128xf32>
    %slice3A_197 = vector.extract_strided_slice %get3A_1 {offsets = [0, 17536], sizes = [64, 128], strides = [1, 1]} : vector<64x32768xf32> to vector<64x128xf32>
    %slice3A_198 = vector.extract_strided_slice %get3A_1 {offsets = [0, 17792], sizes = [64, 128], strides = [1, 1]} : vector<64x32768xf32> to vector<64x128xf32>
    %slice3A_199 = vector.extract_strided_slice %get3A_1 {offsets = [0, 18048], sizes = [64, 128], strides = [1, 1]} : vector<64x32768xf32> to vector<64x128xf32>
    %slice3A_200 = vector.extract_strided_slice %get3A_1 {offsets = [0, 18304], sizes = [64, 128], strides = [1, 1]} : vector<64x32768xf32> to vector<64x128xf32>
    %slice3A_201 = vector.extract_strided_slice %get3A_1 {offsets = [0, 18560], sizes = [64, 128], strides = [1, 1]} : vector<64x32768xf32> to vector<64x128xf32>
    %slice3A_202 = vector.extract_strided_slice %get3A_1 {offsets = [0, 18816], sizes = [64, 128], strides = [1, 1]} : vector<64x32768xf32> to vector<64x128xf32>
    %slice3A_203 = vector.extract_strided_slice %get3A_1 {offsets = [0, 19072], sizes = [64, 128], strides = [1, 1]} : vector<64x32768xf32> to vector<64x128xf32>
    %slice3A_204 = vector.extract_strided_slice %get3A_1 {offsets = [0, 19328], sizes = [64, 128], strides = [1, 1]} : vector<64x32768xf32> to vector<64x128xf32>
    %slice3A_205 = vector.extract_strided_slice %get3A_1 {offsets = [0, 19584], sizes = [64, 128], strides = [1, 1]} : vector<64x32768xf32> to vector<64x128xf32>
    %slice3A_206 = vector.extract_strided_slice %get3A_1 {offsets = [0, 19840], sizes = [64, 128], strides = [1, 1]} : vector<64x32768xf32> to vector<64x128xf32>
    %slice3A_207 = vector.extract_strided_slice %get3A_1 {offsets = [0, 20096], sizes = [64, 128], strides = [1, 1]} : vector<64x32768xf32> to vector<64x128xf32>
    %slice3A_208 = vector.extract_strided_slice %get3A_1 {offsets = [0, 20352], sizes = [64, 128], strides = [1, 1]} : vector<64x32768xf32> to vector<64x128xf32>
    %slice3A_209 = vector.extract_strided_slice %get3A_1 {offsets = [0, 20608], sizes = [64, 128], strides = [1, 1]} : vector<64x32768xf32> to vector<64x128xf32>
    %slice3A_210 = vector.extract_strided_slice %get3A_1 {offsets = [0, 20864], sizes = [64, 128], strides = [1, 1]} : vector<64x32768xf32> to vector<64x128xf32>
    %slice3A_211 = vector.extract_strided_slice %get3A_1 {offsets = [0, 21120], sizes = [64, 128], strides = [1, 1]} : vector<64x32768xf32> to vector<64x128xf32>
    %slice3A_212 = vector.extract_strided_slice %get3A_1 {offsets = [0, 21376], sizes = [64, 128], strides = [1, 1]} : vector<64x32768xf32> to vector<64x128xf32>
    %slice3A_213 = vector.extract_strided_slice %get3A_1 {offsets = [0, 21632], sizes = [64, 128], strides = [1, 1]} : vector<64x32768xf32> to vector<64x128xf32>
    %slice3A_214 = vector.extract_strided_slice %get3A_1 {offsets = [0, 21888], sizes = [64, 128], strides = [1, 1]} : vector<64x32768xf32> to vector<64x128xf32>
    %slice3A_215 = vector.extract_strided_slice %get3A_1 {offsets = [0, 22144], sizes = [64, 128], strides = [1, 1]} : vector<64x32768xf32> to vector<64x128xf32>
    %slice3A_216 = vector.extract_strided_slice %get3A_1 {offsets = [0, 22400], sizes = [64, 128], strides = [1, 1]} : vector<64x32768xf32> to vector<64x128xf32>
    %slice3A_217 = vector.extract_strided_slice %get3A_1 {offsets = [0, 22656], sizes = [64, 128], strides = [1, 1]} : vector<64x32768xf32> to vector<64x128xf32>
    %slice3A_218 = vector.extract_strided_slice %get3A_1 {offsets = [0, 22912], sizes = [64, 128], strides = [1, 1]} : vector<64x32768xf32> to vector<64x128xf32>
    %slice3A_219 = vector.extract_strided_slice %get3A_1 {offsets = [0, 23168], sizes = [64, 128], strides = [1, 1]} : vector<64x32768xf32> to vector<64x128xf32>
    %slice3A_220 = vector.extract_strided_slice %get3A_1 {offsets = [0, 23424], sizes = [64, 128], strides = [1, 1]} : vector<64x32768xf32> to vector<64x128xf32>
    %slice3A_221 = vector.extract_strided_slice %get3A_1 {offsets = [0, 23680], sizes = [64, 128], strides = [1, 1]} : vector<64x32768xf32> to vector<64x128xf32>
    %slice3A_222 = vector.extract_strided_slice %get3A_1 {offsets = [0, 23936], sizes = [64, 128], strides = [1, 1]} : vector<64x32768xf32> to vector<64x128xf32>
    %slice3A_223 = vector.extract_strided_slice %get3A_1 {offsets = [0, 24192], sizes = [64, 128], strides = [1, 1]} : vector<64x32768xf32> to vector<64x128xf32>
    %slice3A_224 = vector.extract_strided_slice %get3A_1 {offsets = [0, 24448], sizes = [64, 128], strides = [1, 1]} : vector<64x32768xf32> to vector<64x128xf32>
    %slice3A_225 = vector.extract_strided_slice %get3A_1 {offsets = [0, 24704], sizes = [64, 128], strides = [1, 1]} : vector<64x32768xf32> to vector<64x128xf32>
    %slice3A_226 = vector.extract_strided_slice %get3A_1 {offsets = [0, 24960], sizes = [64, 128], strides = [1, 1]} : vector<64x32768xf32> to vector<64x128xf32>
    %slice3A_227 = vector.extract_strided_slice %get3A_1 {offsets = [0, 25216], sizes = [64, 128], strides = [1, 1]} : vector<64x32768xf32> to vector<64x128xf32>
    %slice3A_228 = vector.extract_strided_slice %get3A_1 {offsets = [0, 25472], sizes = [64, 128], strides = [1, 1]} : vector<64x32768xf32> to vector<64x128xf32>
    %slice3A_229 = vector.extract_strided_slice %get3A_1 {offsets = [0, 25728], sizes = [64, 128], strides = [1, 1]} : vector<64x32768xf32> to vector<64x128xf32>
    %slice3A_230 = vector.extract_strided_slice %get3A_1 {offsets = [0, 25984], sizes = [64, 128], strides = [1, 1]} : vector<64x32768xf32> to vector<64x128xf32>
    %slice3A_231 = vector.extract_strided_slice %get3A_1 {offsets = [0, 26240], sizes = [64, 128], strides = [1, 1]} : vector<64x32768xf32> to vector<64x128xf32>
    %slice3A_232 = vector.extract_strided_slice %get3A_1 {offsets = [0, 26496], sizes = [64, 128], strides = [1, 1]} : vector<64x32768xf32> to vector<64x128xf32>
    %slice3A_233 = vector.extract_strided_slice %get3A_1 {offsets = [0, 26752], sizes = [64, 128], strides = [1, 1]} : vector<64x32768xf32> to vector<64x128xf32>
    %slice3A_234 = vector.extract_strided_slice %get3A_1 {offsets = [0, 27008], sizes = [64, 128], strides = [1, 1]} : vector<64x32768xf32> to vector<64x128xf32>
    %slice3A_235 = vector.extract_strided_slice %get3A_1 {offsets = [0, 27264], sizes = [64, 128], strides = [1, 1]} : vector<64x32768xf32> to vector<64x128xf32>
    %slice3A_236 = vector.extract_strided_slice %get3A_1 {offsets = [0, 27520], sizes = [64, 128], strides = [1, 1]} : vector<64x32768xf32> to vector<64x128xf32>
    %slice3A_237 = vector.extract_strided_slice %get3A_1 {offsets = [0, 27776], sizes = [64, 128], strides = [1, 1]} : vector<64x32768xf32> to vector<64x128xf32>
    %slice3A_238 = vector.extract_strided_slice %get3A_1 {offsets = [0, 28032], sizes = [64, 128], strides = [1, 1]} : vector<64x32768xf32> to vector<64x128xf32>
    %slice3A_239 = vector.extract_strided_slice %get3A_1 {offsets = [0, 28288], sizes = [64, 128], strides = [1, 1]} : vector<64x32768xf32> to vector<64x128xf32>
    %slice3A_240 = vector.extract_strided_slice %get3A_1 {offsets = [0, 28544], sizes = [64, 128], strides = [1, 1]} : vector<64x32768xf32> to vector<64x128xf32>
    %slice3A_241 = vector.extract_strided_slice %get3A_1 {offsets = [0, 28800], sizes = [64, 128], strides = [1, 1]} : vector<64x32768xf32> to vector<64x128xf32>
    %slice3A_242 = vector.extract_strided_slice %get3A_1 {offsets = [0, 29056], sizes = [64, 128], strides = [1, 1]} : vector<64x32768xf32> to vector<64x128xf32>
    %slice3A_243 = vector.extract_strided_slice %get3A_1 {offsets = [0, 29312], sizes = [64, 128], strides = [1, 1]} : vector<64x32768xf32> to vector<64x128xf32>
    %slice3A_244 = vector.extract_strided_slice %get3A_1 {offsets = [0, 29568], sizes = [64, 128], strides = [1, 1]} : vector<64x32768xf32> to vector<64x128xf32>
    %slice3A_245 = vector.extract_strided_slice %get3A_1 {offsets = [0, 29824], sizes = [64, 128], strides = [1, 1]} : vector<64x32768xf32> to vector<64x128xf32>
    %slice3A_246 = vector.extract_strided_slice %get3A_1 {offsets = [0, 30080], sizes = [64, 128], strides = [1, 1]} : vector<64x32768xf32> to vector<64x128xf32>
    %slice3A_247 = vector.extract_strided_slice %get3A_1 {offsets = [0, 30336], sizes = [64, 128], strides = [1, 1]} : vector<64x32768xf32> to vector<64x128xf32>
    %slice3A_248 = vector.extract_strided_slice %get3A_1 {offsets = [0, 30592], sizes = [64, 128], strides = [1, 1]} : vector<64x32768xf32> to vector<64x128xf32>
    %slice3A_249 = vector.extract_strided_slice %get3A_1 {offsets = [0, 30848], sizes = [64, 128], strides = [1, 1]} : vector<64x32768xf32> to vector<64x128xf32>
    %slice3A_250 = vector.extract_strided_slice %get3A_1 {offsets = [0, 31104], sizes = [64, 128], strides = [1, 1]} : vector<64x32768xf32> to vector<64x128xf32>
    %slice3A_251 = vector.extract_strided_slice %get3A_1 {offsets = [0, 31360], sizes = [64, 128], strides = [1, 1]} : vector<64x32768xf32> to vector<64x128xf32>
    %slice3A_252 = vector.extract_strided_slice %get3A_1 {offsets = [0, 31616], sizes = [64, 128], strides = [1, 1]} : vector<64x32768xf32> to vector<64x128xf32>
    %slice3A_253 = vector.extract_strided_slice %get3A_1 {offsets = [0, 31872], sizes = [64, 128], strides = [1, 1]} : vector<64x32768xf32> to vector<64x128xf32>
    %slice3A_254 = vector.extract_strided_slice %get3A_1 {offsets = [0, 32128], sizes = [64, 128], strides = [1, 1]} : vector<64x32768xf32> to vector<64x128xf32>
    %slice3A_255 = vector.extract_strided_slice %get3A_1 {offsets = [0, 32384], sizes = [64, 128], strides = [1, 1]} : vector<64x32768xf32> to vector<64x128xf32>
    %slice3A_256 = vector.extract_strided_slice %get3A_1 {offsets = [0, 32640], sizes = [64, 128], strides = [1, 1]} : vector<64x32768xf32> to vector<64x128xf32>
    %concatenate3A = tpu.concatenate %slice3A, %slice3A_2, %slice3A_3, %slice3A_4, %slice3A_5, %slice3A_6, %slice3A_7, %slice3A_8, %slice3A_9, %slice3A_10, %slice3A_11, %slice3A_12, %slice3A_13, %slice3A_14, %slice3A_15, %slice3A_16, %slice3A_17, %slice3A_18, %slice3A_19, %slice3A_20, %slice3A_21, %slice3A_22, %slice3A_23, %slice3A_24, %slice3A_25, %slice3A_26, %slice3A_27, %slice3A_28, %slice3A_29, %slice3A_30, %slice3A_31, %slice3A_32, %slice3A_33, %slice3A_34, %slice3A_35, %slice3A_36, %slice3A_37, %slice3A_38, %slice3A_39, %slice3A_40, %slice3A_41, %slice3A_42, %slice3A_43, %slice3A_44, %slice3A_45, %slice3A_46, %slice3A_47, %slice3A_48, %slice3A_49, %slice3A_50, %slice3A_51, %slice3A_52, %slice3A_53, %slice3A_54, %slice3A_55, %slice3A_56, %slice3A_57, %slice3A_58, %slice3A_59, %slice3A_60, %slice3A_61, %slice3A_62, %slice3A_63, %slice3A_64, %slice3A_65, %slice3A_66, %slice3A_67, %slice3A_68, %slice3A_69, %slice3A_70, %slice3A_71, %slice3A_72, %slice3A_73, %slice3A_74, %slice3A_75, %slice3A_76, %slice3A_77, %slice3A_78, %slice3A_79, %slice3A_80, %slice3A_81, %slice3A_82, %slice3A_83, %slice3A_84, %slice3A_85, %slice3A_86, %slice3A_87, %slice3A_88, %slice3A_89, %slice3A_90, %slice3A_91, %slice3A_92, %slice3A_93, %slice3A_94, %slice3A_95, %slice3A_96, %slice3A_97, %slice3A_98, %slice3A_99, %slice3A_100, %slice3A_101, %slice3A_102, %slice3A_103, %slice3A_104, %slice3A_105, %slice3A_106, %slice3A_107, %slice3A_108, %slice3A_109, %slice3A_110, %slice3A_111, %slice3A_112, %slice3A_113, %slice3A_114, %slice3A_115, %slice3A_116, %slice3A_117, %slice3A_118, %slice3A_119, %slice3A_120, %slice3A_121, %slice3A_122, %slice3A_123, %slice3A_124, %slice3A_125, %slice3A_126, %slice3A_127, %slice3A_128 in 1 : vector<64x128xf32>, vector<64x128xf32>, vector<64x128xf32>, vector<64x128xf32>, vector<64x128xf32>, vector<64x128xf32>, vector<64x128xf32>, vector<64x128xf32>, vector<64x128xf32>, vector<64x128xf32>, vector<64x128xf32>, vector<64x128xf32>, vector<64x128xf32>, vector<64x128xf32>, vector<64x128xf32>, vector<64x128xf32>, vector<64x128xf32>, vector<64x128xf32>, vector<64x128xf32>, vector<64x128xf32>, vector<64x128xf32>, vector<64x128xf32>, vector<64x128xf32>, vector<64x128xf32>, vector<64x128xf32>, vector<64x128xf32>, vector<64x128xf32>, vector<64x128xf32>, vector<64x128xf32>, vector<64x128xf32>, vector<64x128xf32>, vector<64x128xf32>, vector<64x128xf32>, vector<64x128xf32>, vector<64x128xf32>, vector<64x128xf32>, vector<64x128xf32>, vector<64x128xf32>, vector<64x128xf32>, vector<64x128xf32>, vector<64x128xf32>, vector<64x128xf32>, vector<64x128xf32>, vector<64x128xf32>, vector<64x128xf32>, vector<64x128xf32>, vector<64x128xf32>, vector<64x128xf32>, vector<64x128xf32>, vector<64x128xf32>, vector<64x128xf32>, vector<64x128xf32>, vector<64x128xf32>, vector<64x128xf32>, vector<64x128xf32>, vector<64x128xf32>, vector<64x128xf32>, vector<64x128xf32>, vector<64x128xf32>, vector<64x128xf32>, vector<64x128xf32>, vector<64x128xf32>, vector<64x128xf32>, vector<64x128xf32>, vector<64x128xf32>, vector<64x128xf32>, vector<64x128xf32>, vector<64x128xf32>, vector<64x128xf32>, vector<64x128xf32>, vector<64x128xf32>, vector<64x128xf32>, vector<64x128xf32>, vector<64x128xf32>, vector<64x128xf32>, vector<64x128xf32>, vector<64x128xf32>, vector<64x128xf32>, vector<64x128xf32>, vector<64x128xf32>, vector<64x128xf32>, vector<64x128xf32>, vector<64x128xf32>, vector<64x128xf32>, vector<64x128xf32>, vector<64x128xf32>, vector<64x128xf32>, vector<64x128xf32>, vector<64x128xf32>, vector<64x128xf32>, vector<64x128xf32>, vector<64x128xf32>, vector<64x128xf32>, vector<64x128xf32>, vector<64x128xf32>, vector<64x128xf32>, vector<64x128xf32>, vector<64x128xf32>, vector<64x128xf32>, vector<64x128xf32>, vector<64x128xf32>, vector<64x128xf32>, vector<64x128xf32>, vector<64x128xf32>, vector<64x128xf32>, vector<64x128xf32>, vector<64x128xf32>, vector<64x128xf32>, vector<64x128xf32>, vector<64x128xf32>, vector<64x128xf32>, vector<64x128xf32>, vector<64x128xf32>, vector<64x128xf32>, vector<64x128xf32>, vector<64x128xf32>, vector<64x128xf32>, vector<64x128xf32>, vector<64x128xf32>, vector<64x128xf32>, vector<64x128xf32>, vector<64x128xf32>, vector<64x128xf32>, vector<64x128xf32>, vector<64x128xf32>, vector<64x128xf32>, vector<64x128xf32>, vector<64x128xf32> -> vector<64x16384xf32>
    %concatenate3A_257 = tpu.concatenate %slice3A_129, %slice3A_130, %slice3A_131, %slice3A_132, %slice3A_133, %slice3A_134, %slice3A_135, %slice3A_136, %slice3A_137, %slice3A_138, %slice3A_139, %slice3A_140, %slice3A_141, %slice3A_142, %slice3A_143, %slice3A_144, %slice3A_145, %slice3A_146, %slice3A_147, %slice3A_148, %slice3A_149, %slice3A_150, %slice3A_151, %slice3A_152, %slice3A_153, %slice3A_154, %slice3A_155, %slice3A_156, %slice3A_157, %slice3A_158, %slice3A_159, %slice3A_160, %slice3A_161, %slice3A_162, %slice3A_163, %slice3A_164, %slice3A_165, %slice3A_166, %slice3A_167, %slice3A_168, %slice3A_169, %slice3A_170, %slice3A_171, %slice3A_172, %slice3A_173, %slice3A_174, %slice3A_175, %slice3A_176, %slice3A_177, %slice3A_178, %slice3A_179, %slice3A_180, %slice3A_181, %slice3A_182, %slice3A_183, %slice3A_184, %slice3A_185, %slice3A_186, %slice3A_187, %slice3A_188, %slice3A_189, %slice3A_190, %slice3A_191, %slice3A_192, %slice3A_193, %slice3A_194, %slice3A_195, %slice3A_196, %slice3A_197, %slice3A_198, %slice3A_199, %slice3A_200, %slice3A_201, %slice3A_202, %slice3A_203, %slice3A_204, %slice3A_205, %slice3A_206, %slice3A_207, %slice3A_208, %slice3A_209, %slice3A_210, %slice3A_211, %slice3A_212, %slice3A_213, %slice3A_214, %slice3A_215, %slice3A_216, %slice3A_217, %slice3A_218, %slice3A_219, %slice3A_220, %slice3A_221, %slice3A_222, %slice3A_223, %slice3A_224, %slice3A_225, %slice3A_226, %slice3A_227, %slice3A_228, %slice3A_229, %slice3A_230, %slice3A_231, %slice3A_232, %slice3A_233, %slice3A_234, %slice3A_235, %slice3A_236, %slice3A_237, %slice3A_238, %slice3A_239, %slice3A_240, %slice3A_241, %slice3A_242, %slice3A_243, %slice3A_244, %slice3A_245, %slice3A_246, %slice3A_247, %slice3A_248, %slice3A_249, %slice3A_250, %slice3A_251, %slice3A_252, %slice3A_253, %slice3A_254, %slice3A_255, %slice3A_256 in 1 : vector<64x128xf32>, vector<64x128xf32>, vector<64x128xf32>, vector<64x128xf32>, vector<64x128xf32>, vector<64x128xf32>, vector<64x128xf32>, vector<64x128xf32>, vector<64x128xf32>, vector<64x128xf32>, vector<64x128xf32>, vector<64x128xf32>, vector<64x128xf32>, vector<64x128xf32>, vector<64x128xf32>, vector<64x128xf32>, vector<64x128xf32>, vector<64x128xf32>, vector<64x128xf32>, vector<64x128xf32>, vector<64x128xf32>, vector<64x128xf32>, vector<64x128xf32>, vector<64x128xf32>, vector<64x128xf32>, vector<64x128xf32>, vector<64x128xf32>, vector<64x128xf32>, vector<64x128xf32>, vector<64x128xf32>, vector<64x128xf32>, vector<64x128xf32>, vector<64x128xf32>, vector<64x128xf32>, vector<64x128xf32>, vector<64x128xf32>, vector<64x128xf32>, vector<64x128xf32>, vector<64x128xf32>, vector<64x128xf32>, vector<64x128xf32>, vector<64x128xf32>, vector<64x128xf32>, vector<64x128xf32>, vector<64x128xf32>, vector<64x128xf32>, vector<64x128xf32>, vector<64x128xf32>, vector<64x128xf32>, vector<64x128xf32>, vector<64x128xf32>, vector<64x128xf32>, vector<64x128xf32>, vector<64x128xf32>, vector<64x128xf32>, vector<64x128xf32>, vector<64x128xf32>, vector<64x128xf32>, vector<64x128xf32>, vector<64x128xf32>, vector<64x128xf32>, vector<64x128xf32>, vector<64x128xf32>, vector<64x128xf32>, vector<64x128xf32>, vector<64x128xf32>, vector<64x128xf32>, vector<64x128xf32>, vector<64x128xf32>, vector<64x128xf32>, vector<64x128xf32>, vector<64x128xf32>, vector<64x128xf32>, vector<64x128xf32>, vector<64x128xf32>, vector<64x128xf32>, vector<64x128xf32>, vector<64x128xf32>, vector<64x128xf32>, vector<64x128xf32>, vector<64x128xf32>, vector<64x128xf32>, vector<64x128xf32>, vector<64x128xf32>, vector<64x128xf32>, vector<64x128xf32>, vector<64x128xf32>, vector<64x128xf32>, vector<64x128xf32>, vector<64x128xf32>, vector<64x128xf32>, vector<64x128xf32>, vector<64x128xf32>, vector<64x128xf32>, vector<64x128xf32>, vector<64x128xf32>, vector<64x128xf32>, vector<64x128xf32>, vector<64x128xf32>, vector<64x128xf32>, vector<64x128xf32>, vector<64x128xf32>, vector<64x128xf32>, vector<64x128xf32>, vector<64x128xf32>, vector<64x128xf32>, vector<64x128xf32>, vector<64x128xf32>, vector<64x128xf32>, vector<64x128xf32>, vector<64x128xf32>, vector<64x128xf32>, vector<64x128xf32>, vector<64x128xf32>, vector<64x128xf32>, vector<64x128xf32>, vector<64x128xf32>, vector<64x128xf32>, vector<64x128xf32>, vector<64x128xf32>, vector<64x128xf32>, vector<64x128xf32>, vector<64x128xf32>, vector<64x128xf32>, vector<64x128xf32>, vector<64x128xf32>, vector<64x128xf32>, vector<64x128xf32> -> vector<64x16384xf32>
    %concatenate3A_258 = tpu.concatenate %concatenate3A, %concatenate3A_257 in 0 : vector<64x16384xf32>, vector<64x16384xf32> -> vector<128x16384xf32>
    %transpose3A = tpu.transpose %concatenate3A_258, [1, 0] : vector<128x16384xf32> -> vector<16384x128xf32>
    %swap3A = arith.constant 0 : index
    %swap3A_259 = arith.constant 0 : index
    %swap3A_260 = vector.load %arg2[%swap3A, %swap3A_259] : memref<16384x128xf32, #tpu.memory_space<vmem>>, vector<16384x128xf32>
    tpu.vector_store %arg2[%swap3A, %swap3A_259], %transpose3A {strides = array<i32>} : memref<16384x128xf32, #tpu.memory_space<vmem>>, vector<16384x128xf32>,
    return
  }
  func.func @transform_0(%arg0: i32) -> (i32, i32) {
    %c0_i32 = arith.constant 0 : i32
    %c0_i32_0 = arith.constant 0 : i32
    return %c0_i32, %arg0 : i32, i32
  }
  func.func @transform_1(%arg0: i32) -> (i32, i32) {
    %c0_i32 = arith.constant 0 : i32
    %c0_i32_0 = arith.constant 0 : i32
    return %arg0, %c0_i32 : i32, i32
  }
}

</mosaic_0001>

<sc_bundles>
// kernel: kernel.4.cloned.1.call-start
scs
__scs_entry_jumppad:
0x0: {  	(pc) =	sbr.rel $0x88, $3  }
0x1: {  	(tag) =	ssettag $0x0;
	lr =	simm.s32 $0x1  }
0x2: {  	[smem:$0x3F9F] =	sst lr;
	_ =	strace $0xD0000000  }
0x3: {  	_ = 	snop  }
0x4: {  	_ = 	snop  }
0x5: {  	_ = 	snop  }
0x6: {  	_ = 	snop  }
0x7: {  	_ = 	snop  }
__scs_overlays_trampoline_lowered:
0x8: {  	[smem:$0x3FAE] =	sst s0  }
0x9: {  	[smem:$0x3FAF] =	sst s1  }
0xa: {  	[smem:$0x3FB0] =	sst s2  }
0xb: {  	[smem:$0x3FB1] =	sst s3  }
0xc: {  	[smem:$0x3FB2] =	sst s4  }
0xd: {  	[smem:$0x3FB3] =	sst s5  }
0xe: {  	[smem:$0x3FB4] =	sst s6  }
0xf: {  	[smem:$0x3FB5] =	sst s7  }
0x10: {  	[smem:$0x3FB6] =	sst s8  }
0x11: {  	[smem:$0x3FB7] =	sst s9;
	s0 =	simm.s32 @!p0 $0x0  }
0x12: {  	s1 =	sld [smem:$0x3F9D];
	s0 =	simm.s32 @p0 $0x1  }
0x13: {  	[smem:$0x3FB8] =	sst s0;
	s0 =	simm.s32 @!p1 $0x0  }
0x14: {  	s2 =	sld [smem:$0x3F9C];
	s0 =	simm.s32 @p1 $0x1  }
0x15: {  	[smem:$0x3FB9] =	sst s0;
	s0 =	simm.s32 @!p2 $0x0  }
0x16: {  	s3 =	sld [smem:$0x3FDB];
	s0 =	simm.s32 @p2 $0x1  }
0x17: {  	s4 =	simm.s32 $0x1BF5;
	[smem:$0x3FBB] =	sst s0  }
0x18: {  	s0 =	sld [smem:$0x3F9E];
	_ =	swait.ge [sflag:s4], $0x0  }
0x19: {  	s7 =	sld [smem:$0x3F9F]  }
0x1a: {  	s8 =	sadd.s32 $0xFFFFE003, lr  }
0x1b: {  	s9 =	sadd.s32 $0xFFFFFEF7, lr;
	s5 =	simm.s32 $0xFFFFFFFF;
	p2 =	slt.u32 s8, $0xFFFFF086  }
0x1c: {  	p1 =	slt.u32 s9, $0xF7A;
	s5 =	simm.s32 @!p2 $0x0  }
0x1d: {  	s5 =	simm.s32 @p1 $0x1;
	p0 =	seq.s32 s7, s2  }
0x1e: {  	s7 =	smul.u32 @!p0 $0xF7A, s2;
	p2 =	seq.s32 @!p0 s5, $0x0  }
0x1f: {  	s9 =	smul.u32 $0xF7A, s1;
	s8 =	simm.s32 @!p0 $0x1BF5;
	p2 =	por !p2, p0  }
0x20: {  	[sflag:s8] =	ssyncset.s32 @!p0 $0xFFFFF086;
	s6 =	sadd.s32 @!p0 s3, s7;
	s7 =	simm.s32 @!p0 $0x108  }
0x21: {  	s3 =	sadd.s32 s3, s9;
	s6 =	sadd.s32 @!p0 $0x88, s6;
	s7 =	simm.s32 @p2 $0x1082  }
0x22: {  	[simem:s7], [sflag:s8] =	dma.local @!p0 [hbm:s6], $0xF7A  }
0x23: {  	s9 =	sor.u32 $0xD0000000, s2;
	s6 =	simm.s32 $0x108;
	_ =	swait.ge @!p0 [sflag:s8], $0x0  }
0x24: {  	s3 =	sadd.s32 $0x88, s3;
	s6 =	simm.s32 @!p1 $0x1082;
	[sflag:s4] =	ssyncset.s32 $0xFFFFF086  }
0x25: {  	[simem:s6], [sflag:s4] =	dma.local [hbm:s3], $0xF7A  }
0x26: {  	[smem:$0x3F9F] =	sst s1;
	(tag) =	ssettag s2;
	_ =	strace s9  }
0x27: {  	s1 =	sld [smem:$0x3FAF]  }
0x28: {  	s2 =	sld [smem:$0x3FB0]  }
0x29: {  	s4 =	sld [smem:$0x3FB2]  }
0x2a: {  	p0 =	seq.s32 s5, $0x0;
	s5 =	sld [smem:$0x3FB3]  }
0x2b: {  	s6 =	sld [smem:$0x3FB4]  }
0x2c: {  	s7 =	sld [smem:$0x3FB5]  }
0x2d: {  	s3 =	simm.s32 $0x108;
	s8 =	sld [smem:$0x3FB6]  }
0x2e: {  	s3 =	simm.s32 @!p0 $0x1082;
	s9 =	sld [smem:$0x3FB7]  }
0x2f: {  	lr =	sadd.s32 s0, s3;
	s0 =	sld [smem:$0x3FAE]  }
0x30: {  	s3 =	sld [smem:$0x3FB1]  }
0x31: {  	[smem:$0x3FBA] =	sst s10  }
0x32: {  	s10 =	sld [smem:$0x3FB8];
	_ =	sdelay $0x3  }
0x33: {  	p0 =	seq.s32 s10, $0x1;
	s10 =	sld [smem:$0x3FBA];
	_ =	sdelay $0x3  }
0x34: {  	[smem:$0x3FBA] =	sst s10  }
0x35: {  	s10 =	sld [smem:$0x3FB9];
	_ =	sdelay $0x3  }
0x36: {  	p1 =	seq.s32 s10, $0x1;
	s10 =	sld [smem:$0x3FBA];
	_ =	sdelay $0x3  }
0x37: {  	[smem:$0x3FBA] =	sst s10  }
0x38: {  	s10 =	sld [smem:$0x3FBB]  }
0x39: {  	_ = 	snop;
	(pc) =	sbr.ind lr, $3  }
0x3a: {  	_ = 	snop  }
0x3b: {  	_ = 	snop  }
0x3c: {  	p2 =	seq.s32 s10, $0x1;
	s10 =	sld [smem:$0x3FBA]  }
0x3d: {  	_ =	shalt  }
0x3e: {  	_ =	shalt  }
0x3f: {  	_ =	shalt  }
0x40: {  	_ =	shalt  }
0x41: {  	_ =	shalt  }
0x42: {  	_ =	shalt  }
0x43: {  	_ =	shalt  }
0x44: {  	_ =	shalt  }
0x45: {  	_ =	shalt  }
0x46: {  	_ =	shalt  }
0x47: {  	_ =	shalt  }
0x48: {  	_ =	shalt  }
0x49: {  	_ =	shalt  }
0x4a: {  	_ =	shalt  }
0x4b: {  	_ =	shalt  }
0x4c: {  	_ =	shalt  }
0x4d: {  	_ =	shalt  }
0x4e: {  	_ =	shalt  }
0x4f: {  	_ =	shalt  }
0x50: {  	_ =	shalt  }
0x51: {  	_ =	shalt  }
0x52: {  	_ =	shalt  }
0x53: {  	_ =	shalt  }
0x54: {  	_ =	shalt  }
0x55: {  	_ =	shalt  }
0x56: {  	_ =	shalt  }
0x57: {  	_ =	shalt  }
0x58: {  	_ =	shalt  }
0x59: {  	_ =	shalt  }
0x5a: {  	_ =	shalt  }
0x5b: {  	_ =	shalt  }
0x5c: {  	_ =	shalt  }
0x5d: {  	_ =	shalt  }
0x5e: {  	_ =	shalt  }
0x5f: {  	_ =	shalt  }
0x60: {  	_ =	shalt  }
0x61: {  	_ =	shalt  }
0x62: {  	_ =	shalt  }
0x63: {  	_ =	shalt  }
0x64: {  	_ =	shalt  }
0x65: {  	_ =	shalt  }
0x66: {  	_ =	shalt  }
0x67: {  	_ =	shalt  }
0x68: {  	_ =	shalt  }
0x69: {  	_ =	shalt  }
0x6a: {  	_ =	shalt  }
0x6b: {  	_ =	shalt  }
0x6c: {  	_ =	shalt  }
0x6d: {  	_ =	shalt  }
0x6e: {  	_ =	shalt  }
0x6f: {  	_ =	shalt  }
0x70: {  	_ =	shalt  }
0x71: {  	_ =	shalt  }
0x72: {  	_ =	shalt  }
0x73: {  	_ =	shalt  }
0x74: {  	_ =	shalt  }
0x75: {  	_ =	shalt  }
0x76: {  	_ =	shalt  }
0x77: {  	_ =	shalt  }
0x78: {  	_ =	shalt  }
0x79: {  	_ =	shalt  }
0x7a: {  	_ =	shalt  }
0x7b: {  	_ =	shalt  }
0x7c: {  	_ =	shalt  }
0x7d: {  	_ =	shalt  }
0x7e: {  	_ =	shalt  }
0x7f: {  	_ =	shalt  }
0x80: {  	_ =	shalt  }
0x81: {  	_ =	shalt  }
0x82: {  	_ =	shalt  }
0x83: {  	_ =	shalt  }
0x84: {  	_ =	shalt  }
0x85: {  	_ =	shalt  }
0x86: {  	_ =	shalt  }
0x87: {  	_ =	shalt  }
.Lfunc_end0:
.L_simem_size_0:
called_computation.1_lowered:
.L_overlay_start_0:
0x88: {  	s2 =	sld [smem:$0x3FD9]  }
0x89: {  	s3 =	sld [smem:$0x3FFE];
	_ =	sdelay $0x1  }
0x8a: {  	s1 =	srdreg.scid  }
0x8b: {  	s0 =	sand.u32 $0x1, s1  }
0x8c: {  	s17 =	sshll.u32 s0, $0xA;
	s2 =	sadd.s32 s3, s2  }
0x8d: {  	s2 =	sadd.s32 s2, s17  }
0x8e: {  	[smem:$0x3FC6] =	sst s2  }
0x8f: {  	_ = 	snop  }
0x90: {  	s2 =	sld [smem:$0x3FD0];
	(tm) =	ssettm $0x1  }
0x91: {  	s18 =	sld [smem:$0x3FFB];
	_ =	sdelay $0x3  }
0x92: {  	_ =	strace s18  }
0x93: {  	s3 =	sld [smem:$0x3FFC];
	_ =	sdelay $0x3  }
0x94: {  	_ =	strace s3  }
0x95: {  	s3 =	sld [smem:$0x3FFD];
	_ =	sdelay $0x3  }
0x96: {  	_ =	strace s3  }
0x97: {  	_ =	strace $0x8FFFFFFF  }
0x98: {  	s19 =	sld [smem:$0x3FDB];
	_ =	sdelay $0x1  }
0x99: {  	s4 =	simm.s32 $_scs_section_size  }
0x9a: {  	s5 =	simm.s32 $_size__tile_overlayer_lowered;
	s6 =	simm.s32 $_tile_overlayer_lowered  }
0x9b: {  	s22 =	simm.s32 $0x1BFF;
	s21 =	sshll.u32 s6, $0x1;
	s3 =	sadd.s32 s4, s19  }
0x9c: {  	s7 =	simm.s32 $0x0;
	s20 =	sshll.u32 s5, $0x1;
	s5 =	sadd.s32 s21, s3  }
0x9d: {  	[timem:s7], [sflag:s22] =	dma.local [hbm:s5], s20  }
0x9e: {  	_ =	swait.ge [sflag:s22], s20  }
0x9f: {  	s4 =	ssub.s32 $0x0, s20;
	[sflag:s22] =	ssyncset.done $0x0  }
0xa0: {  	[sflag:s22] =	ssyncadd.s32 s4;
	_ =	sdelay $0x1  }
0xa1: {  	s23 =	simm.s32 $0x1B8B  }
0xa2: {  	_ =	swait.ge [sflag:s23], $0x1  }
0xa3: {  	[sflag:s23] =	ssyncset.done $0x0  }
0xa4: {  	s25 =	simm.s32 $0x1B8E;
	s24 =	sld [smem:$0x3FFE];
	[sflag:s23] =	ssyncadd.s32 $0xFFFFFFFF  }
0xa5: {  	s26 =	simm.s32 $execute0_lowered;
	[smem:$0x3FD2] =	sst s25  }
0xa6: {  	s5 =	sshll.u32 s26, $0x1;
	_ =	strace $0x80000046;
	[dreg:$0x1] =	wrdreg $0xFFFFFFFF  }
0xa7: {  	s28 =	simm.s32 $_size_execute0_lowered;
	s3 =	sadd.s32 s3, s5;
	[dreg:$0x0] =	wrdreg $0x0  }
0xa8: {  	s5 =	sshll.u32 s28, $0x1;
	[dreg:$0x2] =	wrdreg s3  }
0xa9: {  	[dreg:$0x3] =	wrdreg s5  }
0xaa: {  	[dreg:$0x4] =	wrdreg $0xC0  }
0xab: {  	_ =	task [dreg:s7], $0x5FFFF  }
0xac: {  	[dreg:$0x1] =	wrdreg $0xFFFFFFFF  }
0xad: {  	[dreg:$0x0] =	wrdreg $0x60  }
0xae: {  	[dreg:$0x2] =	wrdreg s24  }
0xaf: {  	[dreg:$0x3] =	wrdreg s2  }
0xb0: {  	[dreg:$0x4] =	wrdreg $0x9  }
0xb1: {  	_ =	task.clear_ibuf [dreg:s7], $0x5FFFF;
	_ =	strace $0x90000046  }
0xb2: {  	s29 =	simm.s32 $0x9;
	_ =	strace $0x80000048  }
0xb3: {  	_ =	swait.ge [sflag:s29], $0x1  }
0xb4: {  	[sflag:s29] =	ssyncadd.s32 $0xFFFFFFFF  }
0xb5: {  	_ =	strace $0x90000048  }
0xb6: {  	_ =	sfence  }
0xb7: {  	s30 =	sld [smem:$0x0];
	_ =	sdelay $0x2  }
0xb8: {  	s31 =	sshll.u32 s1, $0xD;
	s1 =	sshrl.u32 s1, $0x2  }
0xb9: {  	s3 =	sand.u32 $0x4000, s31;
	s1 =	sadd.s32 s1, s30  }
0xba: {  	s0 =	sor.u32 s3, s0;
	s1 =	sshll.u32 s1, $0x11  }
0xbb: {  	s0 =	sor.u32 s1, s0  }
0xbc: {  	s0 =	sadd.s32 $0x8F2B, s0  }
0xbd: {  	[sflag:s0] =	ssyncadd.remote.s32 $0x1  }
0xbe: {  	_ =	sfence.sel $0xFFFF  }
0xbf: {  	[dreg:$0x0] =	wrdreg $0xFFFFFFFF;
	(pc) =	sbr.abs _section_cstart, $3  }
0xc0: {  	[dreg:$0x1] =	wrdreg $0xFFFFFFFF  }
0xc1: {  	_ =	task.clear_ibuf [dreg:s7], $0x2FFFF;
	_ =	strace $0x9FFFFFFF  }
0xc2: {  	(tm) =	ssettm $0x7FFFFFFF  }
0xc3: {  	_ =	shalt  }
tec
execute0_lowered:
.L_overlay_start_1:
0x0: {  	(tag) =	ssettag $0x1  }
0x1: {  	s0 =	srdreg.scid;
	s1 =	rddreg [dreg:$0x0]  }
0x2: {  	s9 =	stileid.u32;
	s4 =	rddreg [dreg:$0x1]  }
0x3: {  	s24 =	simm.s32 $0x0;
	s10 =	simm.s32 $0x32;
	s20 =	simm.s32 $0x7000  }
0x4: {  	s29 =	simm.s32 $0x8900;
	s18 =	simm.s32 $0xA200;
	s14 =	simm.s32 $0xBB00  }
0x5: {  	s30 =	simm.s32 $0xC780;
	s22 =	simm.s32 $0xD400;
	s31 =	simm.s32 $0xED00  }
0x6: {  	s19 =	simm.s32 $0x40;
	s21 =	simm.s32 $0x80;
	s0 =	sand.u32 $0x1, s0  }
0x7: {  	s2 =	sshll.u32 s9, $0xA;
	s9 =	smul.u32 $0xE0000, s9;
	s3 =	sshll.u32 s0, $0x9  }
0x8: {  	s7 =	ssub.s32 $0x2, s0;
	s0 =	smul.u32 $0x70000, s0;
	s2 =	sor.u32 s3, s2  }
0x9: {  	[smem:$0x7FF] =	sst s24;
	s24 =	simm.s32 $0x7C80;
	s5 =	smul.u32 $0x7, s2  }
0xa: {  	_ =	strace $0x80000047;
	s3 =	sadd.s32 $0x800, s1;
	s6 =	smul.u32 $0x380, s2  }
0xb: {  	s8 =	sshrl.u32 s7, $0x1;
	s1 =	sadd.s32 $0x7A2000, s1;
	s2 =	smul.u32 $0x1C00, s2  }
0xc: {  	s7 =	ssub.s32 s7, s8;
	s25 =	sadd.s32 s9, s1;
	s9 =	simm.s32 $0x10600  }
0xd: {  	s8 =	simm.s32 $0x0;
	s0 =	sadd.s32 s0, s25;
	s28 =	smax.u32 s7, $0x1  }
0xe: {  	s7 =	simm.s32 $0xF980;
	s4 =	sadd.s32 s4, s5;
	[dreg:$0x6] =	wrdreg s28  }
0xf: {  	s2 =	sshrl.u32 s2, $0x3;
	s26 =	sadd.s32 s1, s6;
	[dreg:$0x3] =	wrdreg s4  }
0x10: {  	s0 =	sadd.s32 $0x3800, s0;
	s5 =	simm.s32 $0x11280;
	[dreg:$0x4] =	wrdreg s26  }
0x11: {  	s6 =	simm.s32 $0x11F00;
	s1 =	sadd.s32 s1, s2;
	[dreg:$0x7] =	wrdreg s0  }
0x12: {  	s0 =	simm.s32 $0x9580;
	s26 =	simm.s32 $0xAE80;
	s1 =	sadd.s32 $0x6C800, s1  }
0x13: {  	s2 =	simm.s32 $0xE080;
	s4 =	simm.s32 $0x1;
	[dreg:$0x5] =	wrdreg s1  }
.LBB2_1:
0x14: {  	[dreg:$0x8] =	wrdreg s8  }
0x15: {  	s1 =	simm.s32 $0x0;
	s12 =	rddreg [dreg:$0x3];
	s25 =	simm.s32 $0x5  }
0x16: {  	[tilespmem:s1], [sflag:$0x5] =	stream.linear.gather [hbm4b:s12+s1], $0x7000, $0x38;
	v63 =	vld [tilespmem:$0x0]  }
0x17: {  	_ =	swait.ge [sflag:s25], $0x7000  }
0x18: {  	[sflag:s25] =	ssyncset.done $0x0  }
0x19: {  	[sflag:s25] =	ssyncadd.s32 $0xFFFF9000  }
0x1a: {  	[tilespmem:s20], [sflag:$0x1] =	stream.indirect.gather [hbm4b:s3+s10], $0x40, s1, s10, $0xb8;
	v63 =	vld [tilespmem:$0x0]  }
0x1b: {  	s28 =	simm.s32 $0x38  }
0x1c: {  	[tilespmem:s24], [sflag:$0x1] =	stream.indirect.gather [hbm4b:s3+s10], $0x40, s28, s10, $0xb8;
	v63 =	vld [tilespmem:$0x0]  }
0x1d: {  	s8 =	simm.s32 $0x70  }
0x1e: {  	[tilespmem:s29], [sflag:$0x1] =	stream.indirect.gather [hbm4b:s3+s10], $0x40, s8, s10, $0xb8;
	v63 =	vld [tilespmem:$0x0]  }
0x1f: {  	s11 =	simm.s32 $0xA8  }
0x20: {  	[tilespmem:s0], [sflag:$0x1] =	stream.indirect.gather [hbm4b:s3+s10], $0x40, s11, s10, $0xb8;
	v63 =	vld [tilespmem:$0x0]  }
0x21: {  	s12 =	simm.s32 $0xE0  }
0x22: {  	[tilespmem:s18], [sflag:$0x1] =	stream.indirect.gather [hbm4b:s3+s10], $0x40, s12, s10, $0xb8;
	v63 =	vld [tilespmem:$0x0]  }
0x23: {  	s13 =	simm.s32 $0x118  }
0x24: {  	[tilespmem:s26], [sflag:$0x1] =	stream.indirect.gather [hbm4b:s3+s10], $0x40, s13, s10, $0xb8;
	v63 =	vld [tilespmem:$0x0]  }
0x25: {  	s15 =	simm.s32 $0x150  }
0x26: {  	[tilespmem:s14], [sflag:$0x1] =	stream.indirect.gather [hbm4b:s3+s10], $0x40, s15, s10, $0xb8;
	v63 =	vld [tilespmem:$0x0]  }
0x27: {  	s16 =	simm.s32 $0x188  }
0x28: {  	[tilespmem:s30], [sflag:$0x1] =	stream.indirect.gather [hbm4b:s3+s10], $0x40, s16, s10, $0xb8;
	v63 =	vld [tilespmem:$0x0]  }
0x29: {  	s17 =	simm.s32 $0x1C0  }
0x2a: {  	[tilespmem:s22], [sflag:$0x1] =	stream.indirect.gather [hbm4b:s3+s10], $0x40, s17, s10, $0xb8;
	v63 =	vld [tilespmem:$0x0]  }
0x2b: {  	s23 =	simm.s32 $0x1F8  }
0x2c: {  	[tilespmem:s2], [sflag:$0x1] =	stream.indirect.gather [hbm4b:s3+s10], $0x40, s23, s10, $0xb8;
	v63 =	vld [tilespmem:$0x0]  }
0x2d: {  	s25 =	simm.s32 $0x230  }
0x2e: {  	[tilespmem:s31], [sflag:$0x1] =	stream.indirect.gather [hbm4b:s3+s10], $0x40, s25, s10, $0xb8;
	v63 =	vld [tilespmem:$0x0]  }
0x2f: {  	s28 =	simm.s32 $0x268  }
0x30: {  	[tilespmem:s7], [sflag:$0x1] =	stream.indirect.gather [hbm4b:s3+s10], $0x40, s28, s10, $0xb8;
	v63 =	vld [tilespmem:$0x0]  }
0x31: {  	s8 =	simm.s32 $0x2A0  }
0x32: {  	[tilespmem:s9], [sflag:$0x1] =	stream.indirect.gather [hbm4b:s3+s10], $0x40, s8, s10, $0xb8;
	v63 =	vld [tilespmem:$0x0]  }
0x33: {  	s11 =	simm.s32 $0x2D8  }
0x34: {  	[tilespmem:s5], [sflag:$0x1] =	stream.indirect.gather [hbm4b:s3+s10], $0x40, s11, s10, $0xb8;
	v63 =	vld [tilespmem:$0x0]  }
0x35: {  	s12 =	simm.s32 $0x310  }
0x36: {  	[tilespmem:s6], [sflag:$0x1] =	stream.indirect.gather [hbm4b:s3+s10], $0x40, s12, s10, $0xb8;
	v63 =	vld [tilespmem:$0x0]  }
0x37: {  	s13 =	simm.s32 $0x348;
	s8 =	simm.s32 $0x12B80  }
0x38: {  	[tilespmem:s8], [sflag:$0x1] =	stream.indirect.gather [hbm4b:s3+s10], $0x40, s13, s10, $0xb8;
	v63 =	vld [tilespmem:$0x0]  }
0x39: {  	s15 =	simm.s32 $0x380;
	s11 =	simm.s32 $0x13800  }
0x3a: {  	[tilespmem:s11], [sflag:$0x2] =	stream.indirect.gather [hbm4b:s3+s10], $0x40, s15, s10, $0xb8;
	v63 =	vld [tilespmem:$0x0]  }
0x3b: {  	s16 =	simm.s32 $0x3B8;
	s23 =	simm.s32 $0x14480  }
0x3c: {  	[tilespmem:s23], [sflag:$0x2] =	stream.indirect.gather [hbm4b:s3+s10], $0x40, s16, s10, $0xb8;
	v63 =	vld [tilespmem:$0x0]  }
0x3d: {  	s25 =	simm.s32 $0x3F0;
	s28 =	simm.s32 $0x15100  }
0x3e: {  	[tilespmem:s28], [sflag:$0x2] =	stream.indirect.gather [hbm4b:s3+s10], $0x40, s25, s10, $0xb8;
	v63 =	vld [tilespmem:$0x0]  }
0x3f: {  	s12 =	simm.s32 $0x15D80;
	s13 =	simm.s32 $0x428  }
0x40: {  	[tilespmem:s12], [sflag:$0x2] =	stream.indirect.gather [hbm4b:s3+s10], $0x40, s13, s10, $0xb8;
	v63 =	vld [tilespmem:$0x0]  }
0x41: {  	s16 =	simm.s32 $0x16A00;
	s23 =	simm.s32 $0x460  }
0x42: {  	[tilespmem:s16], [sflag:$0x2] =	stream.indirect.gather [hbm4b:s3+s10], $0x40, s23, s10, $0xb8;
	v63 =	vld [tilespmem:$0x0]  }
0x43: {  	s25 =	simm.s32 $0x17680;
	s28 =	simm.s32 $0x498  }
0x44: {  	[tilespmem:s25], [sflag:$0x2] =	stream.indirect.gather [hbm4b:s3+s10], $0x40, s28, s10, $0xb8;
	v63 =	vld [tilespmem:$0x0]  }
0x45: {  	s12 =	simm.s32 $0x18300;
	s16 =	simm.s32 $0x4D0  }
0x46: {  	[tilespmem:s12], [sflag:$0x2] =	stream.indirect.gather [hbm4b:s3+s10], $0x40, s16, s10, $0xb8;
	v63 =	vld [tilespmem:$0x0]  }
0x47: {  	s23 =	simm.s32 $0x18F80;
	s25 =	simm.s32 $0x508  }
0x48: {  	[tilespmem:s23], [sflag:$0x2] =	stream.indirect.gather [hbm4b:s3+s10], $0x40, s25, s10, $0xb8;
	v63 =	vld [tilespmem:$0x0]  }
0x49: {  	s1 =	simm.s32 $0x19C00;
	s11 =	simm.s32 $0x540  }
0x4a: {  	[tilespmem:s1], [sflag:$0x2] =	stream.indirect.gather [hbm4b:s3+s10], $0x40, s11, s10, $0xb8;
	v63 =	vld [tilespmem:$0x0]  }
0x4b: {  	s16 =	simm.s32 $0x1A880;
	s23 =	simm.s32 $0x578  }
0x4c: {  	[tilespmem:s16], [sflag:$0x2] =	stream.indirect.gather [hbm4b:s3+s10], $0x40, s23, s10, $0xb8;
	v63 =	vld [tilespmem:$0x0]  }
0x4d: {  	s16 =	simm.s32 $0x1B500;
	s23 =	simm.s32 $0x5B0  }
0x4e: {  	[tilespmem:s16], [sflag:$0x2] =	stream.indirect.gather [hbm4b:s3+s10], $0x40, s23, s10, $0xb8;
	v63 =	vld [tilespmem:$0x0]  }
0x4f: {  	s16 =	simm.s32 $0x1C180;
	s23 =	simm.s32 $0x5E8  }
0x50: {  	[tilespmem:s16], [sflag:$0x2] =	stream.indirect.gather [hbm4b:s3+s10], $0x40, s23, s10, $0xb8;
	v63 =	vld [tilespmem:$0x0]  }
0x51: {  	s16 =	simm.s32 $0x1CE00;
	s23 =	simm.s32 $0x620  }
0x52: {  	[tilespmem:s16], [sflag:$0x2] =	stream.indirect.gather [hbm4b:s3+s10], $0x40, s23, s10, $0xb8;
	v63 =	vld [tilespmem:$0x0]  }
0x53: {  	s16 =	simm.s32 $0x1DA80;
	s23 =	simm.s32 $0x658  }
0x54: {  	[tilespmem:s16], [sflag:$0x2] =	stream.indirect.gather [hbm4b:s3+s10], $0x40, s23, s10, $0xb8;
	v63 =	vld [tilespmem:$0x0]  }
0x55: {  	s16 =	simm.s32 $0x1E700;
	s23 =	simm.s32 $0x690  }
0x56: {  	[tilespmem:s16], [sflag:$0x2] =	stream.indirect.gather [hbm4b:s3+s10], $0x40, s23, s10, $0xb8;
	v63 =	vld [tilespmem:$0x0]  }
0x57: {  	s1 =	simm.s32 $0x1F380;
	s16 =	simm.s32 $0x6C8  }
0x58: {  	[tilespmem:s1], [sflag:$0x2] =	stream.indirect.gather [hbm4b:s3+s10], $0x40, s16, s10, $0xb8;
	v63 =	vld [tilespmem:$0x0]  }
0x59: {  	_ =	swait.ge [sflag:s4], $0xC800  }
0x5a: {  	[sflag:s4] =	ssyncset.done $0x0  }
0x5b: {  	s12 =	rddreg [dreg:$0x4];
	[sflag:s4] =	ssyncadd.s32 $0xFFFF3800  }
0x5c: {  	[hbm4b:s12+s19] =	stream.strided.scatter [tilespmem:s20], [sflag:$0x3], $0xC80, s21, s19, $0x38;
	v63 =	vld [tilespmem:$0x0]  }
0x5d: {  	s23 =	sadd.s32 $0x380, s12  }
0x5e: {  	[hbm4b:s23+s19] =	stream.strided.scatter [tilespmem:s24], [sflag:$0x3], $0xC80, s21, s19, $0x38;
	v63 =	vld [tilespmem:$0x0]  }
0x5f: {  	s4 =	sadd.s32 $0x700, s12  }
0x60: {  	[hbm4b:s4+s19] =	stream.strided.scatter [tilespmem:s29], [sflag:$0x3], $0xC80, s21, s19, $0x38;
	v63 =	vld [tilespmem:$0x0]  }
0x61: {  	s16 =	sadd.s32 $0xA80, s12  }
0x62: {  	[hbm4b:s16+s19] =	stream.strided.scatter [tilespmem:s0], [sflag:$0x3], $0xC80, s21, s19, $0x38;
	v63 =	vld [tilespmem:$0x0]  }
0x63: {  	s23 =	sadd.s32 $0xE00, s12  }
0x64: {  	[hbm4b:s23+s19] =	stream.strided.scatter [tilespmem:s18], [sflag:$0x3], $0xC80, s21, s19, $0x38;
	v63 =	vld [tilespmem:$0x0]  }
0x65: {  	s4 =	sadd.s32 $0x1180, s12  }
0x66: {  	[hbm4b:s4+s19] =	stream.strided.scatter [tilespmem:s26], [sflag:$0x3], $0xC80, s21, s19, $0x38;
	v63 =	vld [tilespmem:$0x0]  }
0x67: {  	s16 =	sadd.s32 $0x1500, s12  }
0x68: {  	[hbm4b:s16+s19] =	stream.strided.scatter [tilespmem:s14], [sflag:$0x3], $0xC80, s21, s19, $0x38;
	v63 =	vld [tilespmem:$0x0]  }
0x69: {  	s23 =	sadd.s32 $0x1880, s12  }
0x6a: {  	[hbm4b:s23+s19] =	stream.strided.scatter [tilespmem:s30], [sflag:$0x3], $0xC80, s21, s19, $0x38;
	v63 =	vld [tilespmem:$0x0]  }
0x6b: {  	s4 =	sadd.s32 $0x1C00, s12  }
0x6c: {  	[hbm4b:s4+s19] =	stream.strided.scatter [tilespmem:s22], [sflag:$0x3], $0xC80, s21, s19, $0x38;
	v63 =	vld [tilespmem:$0x0]  }
0x6d: {  	s16 =	sadd.s32 $0x1F80, s12  }
0x6e: {  	[hbm4b:s16+s19] =	stream.strided.scatter [tilespmem:s2], [sflag:$0x3], $0xC80, s21, s19, $0x38;
	v63 =	vld [tilespmem:$0x0]  }
0x6f: {  	s23 =	sadd.s32 $0x2300, s12  }
0x70: {  	[hbm4b:s23+s19] =	stream.strided.scatter [tilespmem:s31], [sflag:$0x3], $0xC80, s21, s19, $0x38;
	v63 =	vld [tilespmem:$0x0]  }
0x71: {  	s4 =	sadd.s32 $0x2680, s12  }
0x72: {  	[hbm4b:s4+s19] =	stream.strided.scatter [tilespmem:s7], [sflag:$0x3], $0xC80, s21, s19, $0x38;
	v63 =	vld [tilespmem:$0x0]  }
0x73: {  	s16 =	sadd.s32 $0x2A00, s12  }
0x74: {  	[hbm4b:s16+s19] =	stream.strided.scatter [tilespmem:s9], [sflag:$0x3], $0xC80, s21, s19, $0x38;
	v63 =	vld [tilespmem:$0x0]  }
0x75: {  	s23 =	sadd.s32 $0x2D80, s12  }
0x76: {  	[hbm4b:s23+s19] =	stream.strided.scatter [tilespmem:s5], [sflag:$0x3], $0xC80, s21, s19, $0x38;
	v63 =	vld [tilespmem:$0x0]  }
0x77: {  	s4 =	sadd.s32 $0x3100, s12  }
0x78: {  	[hbm4b:s4+s19] =	stream.strided.scatter [tilespmem:s6], [sflag:$0x3], $0xC80, s21, s19, $0x38;
	v63 =	vld [tilespmem:$0x0]  }
0x79: {  	s12 =	sadd.s32 $0x3480, s12;
	s16 =	simm.s32 $0x3  }
0x7a: {  	[hbm4b:s12+s19] =	stream.strided.scatter [tilespmem:s8], [sflag:$0x3], $0xC80, s21, s19, $0x38;
	v63 =	vld [tilespmem:$0x0]  }
0x7b: {  	_ =	swait.ge [sflag:s16], $0xC800  }
0x7c: {  	[sflag:s16] =	ssyncset.done $0x0  }
0x7d: {  	s23 =	simm.s32 $0x700;
	[sflag:s16] =	ssyncadd.s32 $0xFFFF3800  }
0x7e: {  	[tilespmem:s20], [sflag:$0x1] =	stream.indirect.gather [hbm4b:s3+s10], $0x40, s23, s10, $0xb8;
	v63 =	vld [tilespmem:$0x0]  }
0x7f: {  	s4 =	simm.s32 $0x738  }
0x80: {  	[tilespmem:s24], [sflag:$0x1] =	stream.indirect.gather [hbm4b:s3+s10], $0x40, s4, s10, $0xb8;
	v63 =	vld [tilespmem:$0x0]  }
0x81: {  	s12 =	simm.s32 $0x770  }
0x82: {  	[tilespmem:s29], [sflag:$0x1] =	stream.indirect.gather [hbm4b:s3+s10], $0x40, s12, s10, $0xb8;
	v63 =	vld [tilespmem:$0x0]  }
0x83: {  	s16 =	simm.s32 $0x7A8  }
0x84: {  	[tilespmem:s0], [sflag:$0x1] =	stream.indirect.gather [hbm4b:s3+s10], $0x40, s16, s10, $0xb8;
	v63 =	vld [tilespmem:$0x0]  }
0x85: {  	s23 =	simm.s32 $0x7E0  }
0x86: {  	[tilespmem:s18], [sflag:$0x1] =	stream.indirect.gather [hbm4b:s3+s10], $0x40, s23, s10, $0xb8;
	v63 =	vld [tilespmem:$0x0]  }
0x87: {  	s4 =	simm.s32 $0x818  }
0x88: {  	[tilespmem:s26], [sflag:$0x1] =	stream.indirect.gather [hbm4b:s3+s10], $0x40, s4, s10, $0xb8;
	v63 =	vld [tilespmem:$0x0]  }
0x89: {  	s12 =	simm.s32 $0x850  }
0x8a: {  	[tilespmem:s14], [sflag:$0x1] =	stream.indirect.gather [hbm4b:s3+s10], $0x40, s12, s10, $0xb8;
	v63 =	vld [tilespmem:$0x0]  }
0x8b: {  	s16 =	simm.s32 $0x888  }
0x8c: {  	[tilespmem:s30], [sflag:$0x1] =	stream.indirect.gather [hbm4b:s3+s10], $0x40, s16, s10, $0xb8;
	v63 =	vld [tilespmem:$0x0]  }
0x8d: {  	s23 =	simm.s32 $0x8C0  }
0x8e: {  	[tilespmem:s22], [sflag:$0x1] =	stream.indirect.gather [hbm4b:s3+s10], $0x40, s23, s10, $0xb8;
	v63 =	vld [tilespmem:$0x0]  }
0x8f: {  	s4 =	simm.s32 $0x8F8  }
0x90: {  	[tilespmem:s2], [sflag:$0x1] =	stream.indirect.gather [hbm4b:s3+s10], $0x40, s4, s10, $0xb8;
	v63 =	vld [tilespmem:$0x0]  }
0x91: {  	s12 =	simm.s32 $0x930  }
0x92: {  	[tilespmem:s31], [sflag:$0x1] =	stream.indirect.gather [hbm4b:s3+s10], $0x40, s12, s10, $0xb8;
	v63 =	vld [tilespmem:$0x0]  }
0x93: {  	s16 =	simm.s32 $0x968  }
0x94: {  	[tilespmem:s7], [sflag:$0x1] =	stream.indirect.gather [hbm4b:s3+s10], $0x40, s16, s10, $0xb8;
	v63 =	vld [tilespmem:$0x0]  }
0x95: {  	s23 =	simm.s32 $0x9A0  }
0x96: {  	[tilespmem:s9], [sflag:$0x1] =	stream.indirect.gather [hbm4b:s3+s10], $0x40, s23, s10, $0xb8;
	v63 =	vld [tilespmem:$0x0]  }
0x97: {  	s4 =	simm.s32 $0x9D8  }
0x98: {  	[tilespmem:s5], [sflag:$0x1] =	stream.indirect.gather [hbm4b:s3+s10], $0x40, s4, s10, $0xb8;
	v63 =	vld [tilespmem:$0x0]  }
0x99: {  	s12 =	simm.s32 $0xA10  }
0x9a: {  	[tilespmem:s6], [sflag:$0x1] =	stream.indirect.gather [hbm4b:s3+s10], $0x40, s12, s10, $0xb8;
	v63 =	vld [tilespmem:$0x0]  }
0x9b: {  	s16 =	simm.s32 $0xA48;
	s23 =	simm.s32 $0x2  }
0x9c: {  	[tilespmem:s8], [sflag:$0x1] =	stream.indirect.gather [hbm4b:s3+s10], $0x40, s16, s10, $0xb8;
	v63 =	vld [tilespmem:$0x0]  }
0x9d: {  	_ =	swait.ge [sflag:s23], $0xC800  }
0x9e: {  	[sflag:s23] =	ssyncset.done $0x0  }
0x9f: {  	s17 =	simm.s32 $0x13800;
	s16 =	rddreg [dreg:$0x7];
	[sflag:s23] =	ssyncadd.s32 $0xFFFF3800  }
0xa0: {  	[hbm4b:s16+s19] =	stream.strided.scatter [tilespmem:s17], [sflag:$0x4], $0xC80, s21, s19, $0x38;
	v63 =	vld [tilespmem:$0x0]  }
0xa1: {  	s4 =	sadd.s32 $0x380, s16;
	s17 =	simm.s32 $0x14480  }
0xa2: {  	[hbm4b:s4+s19] =	stream.strided.scatter [tilespmem:s17], [sflag:$0x4], $0xC80, s21, s19, $0x38;
	v63 =	vld [tilespmem:$0x0]  }
0xa3: {  	s15 =	simm.s32 $0x15100;
	s8 =	sadd.s32 $0x700, s16  }
0xa4: {  	[hbm4b:s8+s19] =	stream.strided.scatter [tilespmem:s15], [sflag:$0x4], $0xC80, s21, s19, $0x38;
	v63 =	vld [tilespmem:$0x0]  }
0xa5: {  	s12 =	sadd.s32 $0xA80, s16;
	s15 =	simm.s32 $0x15D80  }
0xa6: {  	[hbm4b:s12+s19] =	stream.strided.scatter [tilespmem:s15], [sflag:$0x4], $0xC80, s21, s19, $0x38;
	v63 =	vld [tilespmem:$0x0]  }
0xa7: {  	s13 =	simm.s32 $0x16A00;
	s4 =	sadd.s32 $0xE00, s16  }
0xa8: {  	[hbm4b:s4+s19] =	stream.strided.scatter [tilespmem:s13], [sflag:$0x4], $0xC80, s21, s19, $0x38;
	v63 =	vld [tilespmem:$0x0]  }
0xa9: {  	s8 =	sadd.s32 $0x1180, s16;
	s13 =	simm.s32 $0x17680  }
0xaa: {  	[hbm4b:s8+s19] =	stream.strided.scatter [tilespmem:s13], [sflag:$0x4], $0xC80, s21, s19, $0x38;
	v63 =	vld [tilespmem:$0x0]  }
0xab: {  	s28 =	simm.s32 $0x18300;
	s12 =	sadd.s32 $0x1500, s16  }
0xac: {  	[hbm4b:s12+s19] =	stream.strided.scatter [tilespmem:s28], [sflag:$0x4], $0xC80, s21, s19, $0x38;
	v63 =	vld [tilespmem:$0x0]  }
0xad: {  	s25 =	simm.s32 $0x18F80;
	s28 =	sadd.s32 $0x1880, s16  }
0xae: {  	[hbm4b:s28+s19] =	stream.strided.scatter [tilespmem:s25], [sflag:$0x4], $0xC80, s21, s19, $0x38;
	v63 =	vld [tilespmem:$0x0]  }
0xaf: {  	s11 =	simm.s32 $0x19C00;
	s4 =	sadd.s32 $0x1C00, s16  }
0xb0: {  	[hbm4b:s4+s19] =	stream.strided.scatter [tilespmem:s11], [sflag:$0x4], $0xC80, s21, s19, $0x38;
	v63 =	vld [tilespmem:$0x0]  }
0xb1: {  	s8 =	sadd.s32 $0x1F80, s16;
	s11 =	simm.s32 $0x1A880  }
0xb2: {  	[hbm4b:s8+s19] =	stream.strided.scatter [tilespmem:s11], [sflag:$0x4], $0xC80, s21, s19, $0x38;
	v63 =	vld [tilespmem:$0x0]  }
0xb3: {  	s12 =	sadd.s32 $0x2300, s16;
	s25 =	simm.s32 $0x1B500  }
0xb4: {  	[hbm4b:s12+s19] =	stream.strided.scatter [tilespmem:s25], [sflag:$0x4], $0xC80, s21, s19, $0x38;
	v63 =	vld [tilespmem:$0x0]  }
0xb5: {  	s8 =	sadd.s32 $0x2680, s16;
	s11 =	simm.s32 $0x1C180  }
0xb6: {  	[hbm4b:s8+s19] =	stream.strided.scatter [tilespmem:s11], [sflag:$0x4], $0xC80, s21, s19, $0x38;
	v63 =	vld [tilespmem:$0x0]  }
0xb7: {  	s12 =	sadd.s32 $0x2A00, s16;
	s11 =	simm.s32 $0x1CE00  }
0xb8: {  	[hbm4b:s12+s19] =	stream.strided.scatter [tilespmem:s11], [sflag:$0x4], $0xC80, s21, s19, $0x38;
	v63 =	vld [tilespmem:$0x0]  }
0xb9: {  	s4 =	simm.s32 $0x1DA80;
	s25 =	sadd.s32 $0x2D80, s16  }
0xba: {  	[hbm4b:s25+s19] =	stream.strided.scatter [tilespmem:s4], [sflag:$0x4], $0xC80, s21, s19, $0x38;
	v63 =	vld [tilespmem:$0x0]  }
0xbb: {  	s8 =	sadd.s32 $0x3100, s16;
	s12 =	simm.s32 $0x1E700  }
0xbc: {  	[hbm4b:s8+s19] =	stream.strided.scatter [tilespmem:s12], [sflag:$0x4], $0xC80, s21, s19, $0x38;
	v63 =	vld [tilespmem:$0x0]  }
0xbd: {  	s25 =	sadd.s32 $0x3480, s16;
	s8 =	simm.s32 $0x1F380  }
0xbe: {  	[hbm4b:s25+s19] =	stream.strided.scatter [tilespmem:s8], [sflag:$0x4], $0xC80, s21, s19, $0x38;
	v63 =	vld [tilespmem:$0x0]  }
0xbf: {  	s25 =	simm.s32 $0x4  }
0xc0: {  	_ =	swait.ge [sflag:s25], $0xC800  }
0xc1: {  	[sflag:s25] =	ssyncset.done $0x0  }
0xc2: {  	s1 =	simm.s32 $0xA80;
	[sflag:s25] =	ssyncadd.s32 $0xFFFF3800;
	s25 =	simm.s32 $0x13800  }
0xc3: {  	[tilespmem:s25], [sflag:$0x2] =	stream.indirect.gather [hbm4b:s3+s10], $0x40, s1, s10, $0xb8;
	v63 =	vld [tilespmem:$0x0]  }
0xc4: {  	s25 =	simm.s32 $0xAB8  }
0xc5: {  	[tilespmem:s17], [sflag:$0x2] =	stream.indirect.gather [hbm4b:s3+s10], $0x40, s25, s10, $0xb8;
	v63 =	vld [tilespmem:$0x0]  }
0xc6: {  	s17 =	simm.s32 $0xAF0;
	s25 =	simm.s32 $0x15100  }
0xc7: {  	[tilespmem:s25], [sflag:$0x2] =	stream.indirect.gather [hbm4b:s3+s10], $0x40, s17, s10, $0xb8;
	v63 =	vld [tilespmem:$0x0]  }
0xc8: {  	s25 =	simm.s32 $0xB28  }
0xc9: {  	[tilespmem:s15], [sflag:$0x2] =	stream.indirect.gather [hbm4b:s3+s10], $0x40, s25, s10, $0xb8;
	v63 =	vld [tilespmem:$0x0]  }
0xca: {  	s17 =	simm.s32 $0x16A00;
	s15 =	simm.s32 $0xB60  }
0xcb: {  	[tilespmem:s17], [sflag:$0x2] =	stream.indirect.gather [hbm4b:s3+s10], $0x40, s15, s10, $0xb8;
	v63 =	vld [tilespmem:$0x0]  }
0xcc: {  	s25 =	simm.s32 $0xB98  }
0xcd: {  	[tilespmem:s13], [sflag:$0x2] =	stream.indirect.gather [hbm4b:s3+s10], $0x40, s25, s10, $0xb8;
	v63 =	vld [tilespmem:$0x0]  }
0xce: {  	s15 =	simm.s32 $0x18300;
	s13 =	simm.s32 $0xBD0  }
0xcf: {  	[tilespmem:s15], [sflag:$0x2] =	stream.indirect.gather [hbm4b:s3+s10], $0x40, s13, s10, $0xb8;
	v63 =	vld [tilespmem:$0x0]  }
0xd0: {  	s28 =	simm.s32 $0x18F80;
	s17 =	simm.s32 $0xC08  }
0xd1: {  	[tilespmem:s28], [sflag:$0x2] =	stream.indirect.gather [hbm4b:s3+s10], $0x40, s17, s10, $0xb8;
	v63 =	vld [tilespmem:$0x0]  }
0xd2: {  	s25 =	simm.s32 $0xC40;
	s28 =	simm.s32 $0x19C00  }
0xd3: {  	[tilespmem:s28], [sflag:$0x2] =	stream.indirect.gather [hbm4b:s3+s10], $0x40, s25, s10, $0xb8;
	v63 =	vld [tilespmem:$0x0]  }
0xd4: {  	s15 =	simm.s32 $0xC78;
	s17 =	simm.s32 $0x1A880  }
0xd5: {  	[tilespmem:s17], [sflag:$0x2] =	stream.indirect.gather [hbm4b:s3+s10], $0x40, s15, s10, $0xb8;
	v63 =	vld [tilespmem:$0x0]  }
0xd6: {  	s25 =	simm.s32 $0xCB0;
	s28 =	simm.s32 $0x1B500  }
0xd7: {  	[tilespmem:s28], [sflag:$0x2] =	stream.indirect.gather [hbm4b:s3+s10], $0x40, s25, s10, $0xb8;
	v63 =	vld [tilespmem:$0x0]  }
0xd8: {  	s13 =	simm.s32 $0xCE8;
	s15 =	simm.s32 $0x1C180  }
0xd9: {  	[tilespmem:s15], [sflag:$0x2] =	stream.indirect.gather [hbm4b:s3+s10], $0x40, s13, s10, $0xb8;
	v63 =	vld [tilespmem:$0x0]  }
0xda: {  	s17 =	simm.s32 $0xD20  }
0xdb: {  	[tilespmem:s11], [sflag:$0x2] =	stream.indirect.gather [hbm4b:s3+s10], $0x40, s17, s10, $0xb8;
	v63 =	vld [tilespmem:$0x0]  }
0xdc: {  	s25 =	simm.s32 $0xD58  }
0xdd: {  	[tilespmem:s4], [sflag:$0x2] =	stream.indirect.gather [hbm4b:s3+s10], $0x40, s25, s10, $0xb8;
	v63 =	vld [tilespmem:$0x0]  }
0xde: {  	s28 =	simm.s32 $0xD90  }
0xdf: {  	[tilespmem:s12], [sflag:$0x2] =	stream.indirect.gather [hbm4b:s3+s10], $0x40, s28, s10, $0xb8;
	v63 =	vld [tilespmem:$0x0]  }
0xe0: {  	s23 =	simm.s32 $0x1;
	s4 =	simm.s32 $0xDC8  }
0xe1: {  	[tilespmem:s8], [sflag:$0x2] =	stream.indirect.gather [hbm4b:s3+s10], $0x40, s4, s10, $0xb8;
	v63 =	vld [tilespmem:$0x0]  }
0xe2: {  	_ =	swait.ge [sflag:s23], $0xC800  }
0xe3: {  	[sflag:s23] =	ssyncset.done $0x0  }
0xe4: {  	s8 =	sadd.s32 $0x3800, s16;
	[sflag:s23] =	ssyncadd.s32 $0xFFFF3800  }
0xe5: {  	[hbm4b:s8+s19] =	stream.strided.scatter [tilespmem:s20], [sflag:$0x3], $0xC80, s21, s19, $0x38;
	v63 =	vld [tilespmem:$0x0]  }
0xe6: {  	s11 =	sadd.s32 $0x3B80, s16  }
0xe7: {  	[hbm4b:s11+s19] =	stream.strided.scatter [tilespmem:s24], [sflag:$0x3], $0xC80, s21, s19, $0x38;
	v63 =	vld [tilespmem:$0x0]  }
0xe8: {  	s12 =	sadd.s32 $0x3F00, s16  }
0xe9: {  	[hbm4b:s12+s19] =	stream.strided.scatter [tilespmem:s29], [sflag:$0x3], $0xC80, s21, s19, $0x38;
	v63 =	vld [tilespmem:$0x0]  }
0xea: {  	s13 =	sadd.s32 $0x4280, s16  }
0xeb: {  	[hbm4b:s13+s19] =	stream.strided.scatter [tilespmem:s0], [sflag:$0x3], $0xC80, s21, s19, $0x38;
	v63 =	vld [tilespmem:$0x0]  }
0xec: {  	s15 =	sadd.s32 $0x4600, s16  }
0xed: {  	[hbm4b:s15+s19] =	stream.strided.scatter [tilespmem:s18], [sflag:$0x3], $0xC80, s21, s19, $0x38;
	v63 =	vld [tilespmem:$0x0]  }
0xee: {  	s17 =	sadd.s32 $0x4980, s16  }
0xef: {  	[hbm4b:s17+s19] =	stream.strided.scatter [tilespmem:s26], [sflag:$0x3], $0xC80, s21, s19, $0x38;
	v63 =	vld [tilespmem:$0x0]  }
0xf0: {  	s18 =	sadd.s32 $0x4D00, s16  }
0xf1: {  	[hbm4b:s18+s19] =	stream.strided.scatter [tilespmem:s14], [sflag:$0x3], $0xC80, s21, s19, $0x38;
	v63 =	vld [tilespmem:$0x0]  }
0xf2: {  	s20 =	sadd.s32 $0x5080, s16  }
0xf3: {  	[hbm4b:s20+s19] =	stream.strided.scatter [tilespmem:s30], [sflag:$0x3], $0xC80, s21, s19, $0x38;
	v63 =	vld [tilespmem:$0x0]  }
0xf4: {  	s23 =	sadd.s32 $0x5400, s16  }
0xf5: {  	[hbm4b:s23+s19] =	stream.strided.scatter [tilespmem:s22], [sflag:$0x3], $0xC80, s21, s19, $0x38;
	v63 =	vld [tilespmem:$0x0]  }
0xf6: {  	s24 =	sadd.s32 $0x5780, s16  }
0xf7: {  	[hbm4b:s24+s19] =	stream.strided.scatter [tilespmem:s2], [sflag:$0x3], $0xC80, s21, s19, $0x38;
	v63 =	vld [tilespmem:$0x0]  }
0xf8: {  	s25 =	sadd.s32 $0x5B00, s16  }
0xf9: {  	[hbm4b:s25+s19] =	stream.strided.scatter [tilespmem:s31], [sflag:$0x3], $0xC80, s21, s19, $0x38;
	v63 =	vld [tilespmem:$0x0]  }
0xfa: {  	s26 =	sadd.s32 $0x5E80, s16  }
0xfb: {  	[hbm4b:s26+s19] =	stream.strided.scatter [tilespmem:s7], [sflag:$0x3], $0xC80, s21, s19, $0x38;
	v63 =	vld [tilespmem:$0x0]  }
0xfc: {  	s28 =	sadd.s32 $0x6200, s16  }
0xfd: {  	[hbm4b:s28+s19] =	stream.strided.scatter [tilespmem:s9], [sflag:$0x3], $0xC80, s21, s19, $0x38;
	v63 =	vld [tilespmem:$0x0]  }
0xfe: {  	s1 =	sadd.s32 $0x7000, s16;
	s29 =	sadd.s32 $0x6580, s16  }
0xff: {  	[hbm4b:s29+s19] =	stream.strided.scatter [tilespmem:s5], [sflag:$0x3], $0xC80, s21, s19, $0x38;
	v63 =	vld [tilespmem:$0x0]  }
0x100: {  	s12 =	sadd.s32 $0x6C80, s16;
	s30 =	simm.s32 $0x1C00;
	s31 =	sadd.s32 $0x6900, s16  }
0x101: {  	[hbm4b:s31+s19] =	stream.strided.scatter [tilespmem:s6], [sflag:$0x3], $0xC80, s21, s19, $0x38;
	v63 =	vld [tilespmem:$0x0]  }
.LBB2_2:
0x102: {  	s11 =	simm.s32 $0x12B80  }
0x103: {  	[hbm4b:s12+s19] =	stream.strided.scatter [tilespmem:s11], [sflag:$0x3], $0xC80, s21, s19, $0x38;
	v63 =	vld [tilespmem:$0x0]  }
0x104: {  	s0 =	simm.s32 $0x3;
	s12 =	smov.u32 s30  }
0x105: {  	p0 =	sne.s32 s30, $0x18800;
	s30 =	sadd.s32 $0x1C00, s30;
	_ =	swait.ge [sflag:s0], $0xC800  }
0x106: {  	s12 =	sshra.s32 s12, $0x2;
	[sflag:s0] =	ssyncset.done $0x0  }
0x107: {  	s7 =	simm.s32 $0x7000;
	s16 =	sadd.s32 $0x700, s12;
	[sflag:s0] =	ssyncadd.s32 $0xFFFF3800  }
0x108: {  	[tilespmem:s7], [sflag:$0x1] =	stream.indirect.gather [hbm4b:s3+s10], $0x40, s16, s10, $0xb8;
	v63 =	vld [tilespmem:$0x0]  }
0x109: {  	s9 =	simm.s32 $0x7C80;
	s16 =	sadd.s32 $0x738, s12  }
0x10a: {  	[tilespmem:s9], [sflag:$0x1] =	stream.indirect.gather [hbm4b:s3+s10], $0x40, s16, s10, $0xb8;
	v63 =	vld [tilespmem:$0x0]  }
0x10b: {  	s5 =	simm.s32 $0x8900;
	s16 =	sadd.s32 $0x770, s12  }
0x10c: {  	[tilespmem:s5], [sflag:$0x1] =	stream.indirect.gather [hbm4b:s3+s10], $0x40, s16, s10, $0xb8;
	v63 =	vld [tilespmem:$0x0]  }
0x10d: {  	s6 =	simm.s32 $0x9580;
	s16 =	sadd.s32 $0x7A8, s12  }
0x10e: {  	[tilespmem:s6], [sflag:$0x1] =	stream.indirect.gather [hbm4b:s3+s10], $0x40, s16, s10, $0xb8;
	v63 =	vld [tilespmem:$0x0]  }
0x10f: {  	s4 =	simm.s32 $0xA200;
	s16 =	sadd.s32 $0x7E0, s12  }
0x110: {  	[tilespmem:s4], [sflag:$0x1] =	stream.indirect.gather [hbm4b:s3+s10], $0x40, s16, s10, $0xb8;
	v63 =	vld [tilespmem:$0x0]  }
0x111: {  	s8 =	simm.s32 $0xAE80;
	s16 =	sadd.s32 $0x818, s12  }
0x112: {  	[tilespmem:s8], [sflag:$0x1] =	stream.indirect.gather [hbm4b:s3+s10], $0x40, s16, s10, $0xb8;
	v63 =	vld [tilespmem:$0x0]  }
0x113: {  	s0 =	simm.s32 $0xBB00;
	s16 =	sadd.s32 $0x850, s12  }
0x114: {  	[tilespmem:s0], [sflag:$0x1] =	stream.indirect.gather [hbm4b:s3+s10], $0x40, s16, s10, $0xb8;
	v63 =	vld [tilespmem:$0x0]  }
0x115: {  	s16 =	sadd.s32 $0x888, s12;
	s0 =	simm.s32 $0xC780  }
0x116: {  	[tilespmem:s0], [sflag:$0x1] =	stream.indirect.gather [hbm4b:s3+s10], $0x40, s16, s10, $0xb8;
	v63 =	vld [tilespmem:$0x0]  }
0x117: {  	s16 =	sadd.s32 $0x8C0, s12;
	s0 =	simm.s32 $0xD400  }
0x118: {  	[tilespmem:s0], [sflag:$0x1] =	stream.indirect.gather [hbm4b:s3+s10], $0x40, s16, s10, $0xb8;
	v63 =	vld [tilespmem:$0x0]  }
0x119: {  	s16 =	sadd.s32 $0x8F8, s12;
	s0 =	simm.s32 $0xE080  }
0x11a: {  	[tilespmem:s0], [sflag:$0x1] =	stream.indirect.gather [hbm4b:s3+s10], $0x40, s16, s10, $0xb8;
	v63 =	vld [tilespmem:$0x0]  }
0x11b: {  	s16 =	sadd.s32 $0x930, s12;
	s0 =	simm.s32 $0xED00  }
0x11c: {  	[tilespmem:s0], [sflag:$0x1] =	stream.indirect.gather [hbm4b:s3+s10], $0x40, s16, s10, $0xb8;
	v63 =	vld [tilespmem:$0x0]  }
0x11d: {  	s16 =	sadd.s32 $0x968, s12;
	s0 =	simm.s32 $0xF980  }
0x11e: {  	[tilespmem:s0], [sflag:$0x1] =	stream.indirect.gather [hbm4b:s3+s10], $0x40, s16, s10, $0xb8;
	v63 =	vld [tilespmem:$0x0]  }
0x11f: {  	s16 =	sadd.s32 $0x9A0, s12;
	s0 =	simm.s32 $0x10600  }
0x120: {  	[tilespmem:s0], [sflag:$0x1] =	stream.indirect.gather [hbm4b:s3+s10], $0x40, s16, s10, $0xb8;
	v63 =	vld [tilespmem:$0x0]  }
0x121: {  	s16 =	sadd.s32 $0x9D8, s12;
	s0 =	simm.s32 $0x11280  }
0x122: {  	[tilespmem:s0], [sflag:$0x1] =	stream.indirect.gather [hbm4b:s3+s10], $0x40, s16, s10, $0xb8;
	v63 =	vld [tilespmem:$0x0]  }
0x123: {  	s16 =	sadd.s32 $0xA10, s12;
	s0 =	simm.s32 $0x11F00  }
0x124: {  	[tilespmem:s0], [sflag:$0x1] =	stream.indirect.gather [hbm4b:s3+s10], $0x40, s16, s10, $0xb8;
	v63 =	vld [tilespmem:$0x0]  }
0x125: {  	s16 =	sadd.s32 $0xA48, s12;
	s0 =	simm.s32 $0x2  }
0x126: {  	[tilespmem:s11], [sflag:$0x1] =	stream.indirect.gather [hbm4b:s3+s10], $0x40, s16, s10, $0xb8;
	v63 =	vld [tilespmem:$0x0]  }
0x127: {  	_ =	swait.ge [sflag:s0], $0xC800  }
0x128: {  	[sflag:s0] =	ssyncset.done $0x0  }
0x129: {  	s13 =	simm.s32 $0x13800;
	[sflag:s0] =	ssyncadd.s32 $0xFFFF3800  }
0x12a: {  	[hbm4b:s1+s19] =	stream.strided.scatter [tilespmem:s13], [sflag:$0x4], $0xC80, s21, s19, $0x38;
	v63 =	vld [tilespmem:$0x0]  }
0x12b: {  	s15 =	simm.s32 $0x14480;
	s16 =	sadd.s32 $0x380, s1  }
0x12c: {  	[hbm4b:s16+s19] =	stream.strided.scatter [tilespmem:s15], [sflag:$0x4], $0xC80, s21, s19, $0x38;
	v63 =	vld [tilespmem:$0x0]  }
0x12d: {  	s17 =	simm.s32 $0x15100;
	s16 =	sadd.s32 $0x700, s1  }
0x12e: {  	[hbm4b:s16+s19] =	stream.strided.scatter [tilespmem:s17], [sflag:$0x4], $0xC80, s21, s19, $0x38;
	v63 =	vld [tilespmem:$0x0]  }
0x12f: {  	s23 =	simm.s32 $0x15D80;
	s16 =	sadd.s32 $0xA80, s1  }
0x130: {  	[hbm4b:s16+s19] =	stream.strided.scatter [tilespmem:s23], [sflag:$0x4], $0xC80, s21, s19, $0x38;
	v63 =	vld [tilespmem:$0x0]  }
0x131: {  	s25 =	simm.s32 $0x16A00;
	s16 =	sadd.s32 $0xE00, s1  }
0x132: {  	[hbm4b:s16+s19] =	stream.strided.scatter [tilespmem:s25], [sflag:$0x4], $0xC80, s21, s19, $0x38;
	v63 =	vld [tilespmem:$0x0]  }
0x133: {  	s28 =	simm.s32 $0x17680;
	s16 =	sadd.s32 $0x1180, s1  }
0x134: {  	[hbm4b:s16+s19] =	stream.strided.scatter [tilespmem:s28], [sflag:$0x4], $0xC80, s21, s19, $0x38;
	v63 =	vld [tilespmem:$0x0]  }
0x135: {  	s20 =	simm.s32 $0x18300;
	s16 =	sadd.s32 $0x1500, s1  }
0x136: {  	[hbm4b:s16+s19] =	stream.strided.scatter [tilespmem:s20], [sflag:$0x4], $0xC80, s21, s19, $0x38;
	v63 =	vld [tilespmem:$0x0]  }
0x137: {  	s24 =	simm.s32 $0x18F80;
	s16 =	sadd.s32 $0x1880, s1  }
0x138: {  	[hbm4b:s16+s19] =	stream.strided.scatter [tilespmem:s24], [sflag:$0x4], $0xC80, s21, s19, $0x38;
	v63 =	vld [tilespmem:$0x0]  }
0x139: {  	s29 =	simm.s32 $0x19C00;
	s16 =	sadd.s32 $0x1C00, s1  }
0x13a: {  	[hbm4b:s16+s19] =	stream.strided.scatter [tilespmem:s29], [sflag:$0x4], $0xC80, s21, s19, $0x38;
	v63 =	vld [tilespmem:$0x0]  }
0x13b: {  	s0 =	simm.s32 $0x1A880;
	s16 =	sadd.s32 $0x1F80, s1  }
0x13c: {  	[hbm4b:s16+s19] =	stream.strided.scatter [tilespmem:s0], [sflag:$0x4], $0xC80, s21, s19, $0x38;
	v63 =	vld [tilespmem:$0x0]  }
0x13d: {  	s18 =	simm.s32 $0x1B500;
	s16 =	sadd.s32 $0x2300, s1  }
0x13e: {  	[hbm4b:s16+s19] =	stream.strided.scatter [tilespmem:s18], [sflag:$0x4], $0xC80, s21, s19, $0x38;
	v63 =	vld [tilespmem:$0x0]  }
0x13f: {  	s26 =	simm.s32 $0x1C180;
	s16 =	sadd.s32 $0x2680, s1  }
0x140: {  	[hbm4b:s16+s19] =	stream.strided.scatter [tilespmem:s26], [sflag:$0x4], $0xC80, s21, s19, $0x38;
	v63 =	vld [tilespmem:$0x0]  }
0x141: {  	s14 =	simm.s32 $0x1CE00;
	s16 =	sadd.s32 $0x2A00, s1  }
0x142: {  	[hbm4b:s16+s19] =	stream.strided.scatter [tilespmem:s14], [sflag:$0x4], $0xC80, s21, s19, $0x38;
	v63 =	vld [tilespmem:$0x0]  }
0x143: {  	s31 =	simm.s32 $0x1DA80;
	s16 =	sadd.s32 $0x2D80, s1  }
0x144: {  	[hbm4b:s16+s19] =	stream.strided.scatter [tilespmem:s31], [sflag:$0x4], $0xC80, s21, s19, $0x38;
	v63 =	vld [tilespmem:$0x0]  }
0x145: {  	s22 =	simm.s32 $0x1E700;
	s16 =	sadd.s32 $0x3100, s1  }
0x146: {  	[hbm4b:s16+s19] =	stream.strided.scatter [tilespmem:s22], [sflag:$0x4], $0xC80, s21, s19, $0x38;
	v63 =	vld [tilespmem:$0x0]  }
0x147: {  	s2 =	simm.s32 $0x1F380;
	s11 =	simm.s32 $0x4;
	s16 =	sadd.s32 $0x3480, s1  }
0x148: {  	[hbm4b:s16+s19] =	stream.strided.scatter [tilespmem:s2], [sflag:$0x4], $0xC80, s21, s19, $0x38;
	v63 =	vld [tilespmem:$0x0]  }
0x149: {  	_ =	swait.ge [sflag:s11], $0xC800  }
0x14a: {  	[sflag:s11] =	ssyncset.done $0x0  }
0x14b: {  	s16 =	sadd.s32 $0xA80, s12;
	[sflag:s11] =	ssyncadd.s32 $0xFFFF3800;
	s11 =	simm.s32 $0x13800  }
0x14c: {  	[tilespmem:s13], [sflag:$0x2] =	stream.indirect.gather [hbm4b:s3+s10], $0x40, s16, s10, $0xb8;
	v63 =	vld [tilespmem:$0x0]  }
0x14d: {  	s16 =	sadd.s32 $0xAB8, s12;
	s13 =	simm.s32 $0x14480  }
0x14e: {  	[tilespmem:s15], [sflag:$0x2] =	stream.indirect.gather [hbm4b:s3+s10], $0x40, s16, s10, $0xb8;
	v63 =	vld [tilespmem:$0x0]  }
0x14f: {  	s16 =	sadd.s32 $0xAF0, s12;
	s15 =	simm.s32 $0x15100  }
0x150: {  	[tilespmem:s17], [sflag:$0x2] =	stream.indirect.gather [hbm4b:s3+s10], $0x40, s16, s10, $0xb8;
	v63 =	vld [tilespmem:$0x0]  }
0x151: {  	s16 =	sadd.s32 $0xB28, s12;
	s17 =	simm.s32 $0x15D80  }
0x152: {  	[tilespmem:s23], [sflag:$0x2] =	stream.indirect.gather [hbm4b:s3+s10], $0x40, s16, s10, $0xb8;
	v63 =	vld [tilespmem:$0x0]  }
0x153: {  	s16 =	sadd.s32 $0xB60, s12;
	s23 =	simm.s32 $0x16A00  }
0x154: {  	[tilespmem:s25], [sflag:$0x2] =	stream.indirect.gather [hbm4b:s3+s10], $0x40, s16, s10, $0xb8;
	v63 =	vld [tilespmem:$0x0]  }
0x155: {  	s16 =	sadd.s32 $0xB98, s12;
	s25 =	simm.s32 $0x17680  }
0x156: {  	[tilespmem:s28], [sflag:$0x2] =	stream.indirect.gather [hbm4b:s3+s10], $0x40, s16, s10, $0xb8;
	v63 =	vld [tilespmem:$0x0]  }
0x157: {  	s16 =	sadd.s32 $0xBD0, s12;
	s28 =	simm.s32 $0x18300  }
0x158: {  	[tilespmem:s20], [sflag:$0x2] =	stream.indirect.gather [hbm4b:s3+s10], $0x40, s16, s10, $0xb8;
	v63 =	vld [tilespmem:$0x0]  }
0x159: {  	s16 =	sadd.s32 $0xC08, s12;
	s20 =	simm.s32 $0x18F80  }
0x15a: {  	[tilespmem:s24], [sflag:$0x2] =	stream.indirect.gather [hbm4b:s3+s10], $0x40, s16, s10, $0xb8;
	v63 =	vld [tilespmem:$0x0]  }
0x15b: {  	s16 =	sadd.s32 $0xC40, s12;
	s24 =	simm.s32 $0x19C00  }
0x15c: {  	[tilespmem:s29], [sflag:$0x2] =	stream.indirect.gather [hbm4b:s3+s10], $0x40, s16, s10, $0xb8;
	v63 =	vld [tilespmem:$0x0]  }
0x15d: {  	s16 =	sadd.s32 $0xC78, s12;
	s29 =	simm.s32 $0x1A880  }
0x15e: {  	[tilespmem:s0], [sflag:$0x2] =	stream.indirect.gather [hbm4b:s3+s10], $0x40, s16, s10, $0xb8;
	v63 =	vld [tilespmem:$0x0]  }
0x15f: {  	s16 =	sadd.s32 $0xCB0, s12;
	s0 =	simm.s32 $0x1B500  }
0x160: {  	[tilespmem:s18], [sflag:$0x2] =	stream.indirect.gather [hbm4b:s3+s10], $0x40, s16, s10, $0xb8;
	v63 =	vld [tilespmem:$0x0]  }
0x161: {  	s16 =	sadd.s32 $0xCE8, s12;
	s18 =	simm.s32 $0x1C180  }
0x162: {  	[tilespmem:s26], [sflag:$0x2] =	stream.indirect.gather [hbm4b:s3+s10], $0x40, s16, s10, $0xb8;
	v63 =	vld [tilespmem:$0x0]  }
0x163: {  	s16 =	sadd.s32 $0xD20, s12;
	s26 =	simm.s32 $0x1CE00  }
0x164: {  	[tilespmem:s14], [sflag:$0x2] =	stream.indirect.gather [hbm4b:s3+s10], $0x40, s16, s10, $0xb8;
	v63 =	vld [tilespmem:$0x0]  }
0x165: {  	s16 =	sadd.s32 $0xD58, s12;
	s14 =	simm.s32 $0x1DA80  }
0x166: {  	[tilespmem:s31], [sflag:$0x2] =	stream.indirect.gather [hbm4b:s3+s10], $0x40, s16, s10, $0xb8;
	v63 =	vld [tilespmem:$0x0]  }
0x167: {  	s16 =	sadd.s32 $0xD90, s12;
	s31 =	simm.s32 $0x1E700  }
0x168: {  	[tilespmem:s22], [sflag:$0x2] =	stream.indirect.gather [hbm4b:s3+s10], $0x40, s16, s10, $0xb8;
	v63 =	vld [tilespmem:$0x0]  }
0x169: {  	s12 =	sadd.s32 $0xDC8, s12  }
0x16a: {  	[tilespmem:s2], [sflag:$0x2] =	stream.indirect.gather [hbm4b:s3+s10], $0x40, s12, s10, $0xb8;
	v63 =	vld [tilespmem:$0x0]  }
0x16b: {  	s16 =	simm.s32 $0x1F380;
	s2 =	simm.s32 $0x1  }
0x16c: {  	_ =	swait.ge [sflag:s2], $0xC800  }
0x16d: {  	[sflag:s2] =	ssyncset.done $0x0  }
0x16e: {  	s12 =	sadd.s32 $0x3800, s1;
	[sflag:s2] =	ssyncadd.s32 $0xFFFF3800  }
0x16f: {  	[hbm4b:s12+s19] =	stream.strided.scatter [tilespmem:s7], [sflag:$0x3], $0xC80, s21, s19, $0x38;
	v63 =	vld [tilespmem:$0x0]  }
0x170: {  	s12 =	sadd.s32 $0x3B80, s1  }
0x171: {  	[hbm4b:s12+s19] =	stream.strided.scatter [tilespmem:s9], [sflag:$0x3], $0xC80, s21, s19, $0x38;
	v63 =	vld [tilespmem:$0x0]  }
0x172: {  	s12 =	sadd.s32 $0x3F00, s1  }
0x173: {  	[hbm4b:s12+s19] =	stream.strided.scatter [tilespmem:s5], [sflag:$0x3], $0xC80, s21, s19, $0x38;
	v63 =	vld [tilespmem:$0x0]  }
0x174: {  	s12 =	sadd.s32 $0x4280, s1  }
0x175: {  	[hbm4b:s12+s19] =	stream.strided.scatter [tilespmem:s6], [sflag:$0x3], $0xC80, s21, s19, $0x38;
	v63 =	vld [tilespmem:$0x0]  }
0x176: {  	s12 =	sadd.s32 $0x4600, s1  }
0x177: {  	[hbm4b:s12+s19] =	stream.strided.scatter [tilespmem:s4], [sflag:$0x3], $0xC80, s21, s19, $0x38;
	v63 =	vld [tilespmem:$0x0]  }
0x178: {  	s12 =	sadd.s32 $0x4980, s1  }
0x179: {  	[hbm4b:s12+s19] =	stream.strided.scatter [tilespmem:s8], [sflag:$0x3], $0xC80, s21, s19, $0x38;
	v63 =	vld [tilespmem:$0x0]  }
0x17a: {  	s2 =	simm.s32 $0xBB00;
	s12 =	sadd.s32 $0x4D00, s1  }
0x17b: {  	[hbm4b:s12+s19] =	stream.strided.scatter [tilespmem:s2], [sflag:$0x3], $0xC80, s21, s19, $0x38;
	v63 =	vld [tilespmem:$0x0]  }
0x17c: {  	s12 =	sadd.s32 $0x5080, s1;
	s2 =	simm.s32 $0xC780  }
0x17d: {  	[hbm4b:s12+s19] =	stream.strided.scatter [tilespmem:s2], [sflag:$0x3], $0xC80, s21, s19, $0x38;
	v63 =	vld [tilespmem:$0x0]  }
0x17e: {  	s12 =	sadd.s32 $0x5400, s1;
	s2 =	simm.s32 $0xD400  }
0x17f: {  	[hbm4b:s12+s19] =	stream.strided.scatter [tilespmem:s2], [sflag:$0x3], $0xC80, s21, s19, $0x38;
	v63 =	vld [tilespmem:$0x0]  }
0x180: {  	s12 =	sadd.s32 $0x5780, s1;
	s2 =	simm.s32 $0xE080  }
0x181: {  	[hbm4b:s12+s19] =	stream.strided.scatter [tilespmem:s2], [sflag:$0x3], $0xC80, s21, s19, $0x38;
	v63 =	vld [tilespmem:$0x0]  }
0x182: {  	s12 =	sadd.s32 $0x5B00, s1;
	s2 =	simm.s32 $0xED00  }
0x183: {  	[hbm4b:s12+s19] =	stream.strided.scatter [tilespmem:s2], [sflag:$0x3], $0xC80, s21, s19, $0x38;
	v63 =	vld [tilespmem:$0x0]  }
0x184: {  	s12 =	sadd.s32 $0x5E80, s1;
	s2 =	simm.s32 $0xF980  }
0x185: {  	[hbm4b:s12+s19] =	stream.strided.scatter [tilespmem:s2], [sflag:$0x3], $0xC80, s21, s19, $0x38;
	v63 =	vld [tilespmem:$0x0]  }
0x186: {  	s12 =	sadd.s32 $0x6200, s1;
	s2 =	simm.s32 $0x10600  }
0x187: {  	[hbm4b:s12+s19] =	stream.strided.scatter [tilespmem:s2], [sflag:$0x3], $0xC80, s21, s19, $0x38;
	v63 =	vld [tilespmem:$0x0]  }
.Ltmp0:
0x188: {  	s12 =	sadd.s32 $0x6580, s1;
	s2 =	simm.s32 $0x11280;
	(pc) =	sbr.rel @p0 .LBB2_2-.Ltmp0, $4  }
0x189: {  	[hbm4b:s12+s19] =	stream.strided.scatter [tilespmem:s2], [sflag:$0x3], $0xC80, s21, s19, $0x38;
	v63 =	vld [tilespmem:$0x0]  }
0x18a: {  	s12 =	sadd.s32 $0x6900, s1;
	s2 =	simm.s32 $0x11F00  }
0x18b: {  	[hbm4b:s12+s19] =	stream.strided.scatter [tilespmem:s2], [sflag:$0x3], $0xC80, s21, s19, $0x38;
	v63 =	vld [tilespmem:$0x0]  }
0x18c: {  	s12 =	sadd.s32 $0x6C80, s1;
	s1 =	sadd.s32 $0x7000, s1  }
0x18d: {  	s1 =	simm.s32 $0x12B80;
	s22 =	simm.s32 $0x2  }
0x18e: {  	[hbm4b:s12+s19] =	stream.strided.scatter [tilespmem:s1], [sflag:$0x3], $0xC80, s21, s19, $0x38;
	v63 =	vld [tilespmem:$0x0]  }
0x18f: {  	_ =	swait.ge [sflag:s22], $0xC800  }
0x190: {  	[sflag:s22] =	ssyncset.done $0x0  }
0x191: {  	s12 =	rddreg [dreg:$0x5];
	[sflag:s22] =	ssyncadd.s32 $0xFFFF3800  }
0x192: {  	[hbm4b:s12+s19] =	stream.strided.scatter [tilespmem:s11], [sflag:$0x4], $0xC80, s21, s19, $0x38;
	v63 =	vld [tilespmem:$0x0]  }
0x193: {  	s2 =	sadd.s32 $0x380, s12  }
0x194: {  	[hbm4b:s2+s19] =	stream.strided.scatter [tilespmem:s13], [sflag:$0x4], $0xC80, s21, s19, $0x38;
	v63 =	vld [tilespmem:$0x0]  }
0x195: {  	s4 =	sadd.s32 $0x700, s12  }
0x196: {  	[hbm4b:s4+s19] =	stream.strided.scatter [tilespmem:s15], [sflag:$0x4], $0xC80, s21, s19, $0x38;
	v63 =	vld [tilespmem:$0x0]  }
0x197: {  	s5 =	sadd.s32 $0xA80, s12  }
0x198: {  	[hbm4b:s5+s19] =	stream.strided.scatter [tilespmem:s17], [sflag:$0x4], $0xC80, s21, s19, $0x38;
	v63 =	vld [tilespmem:$0x0]  }
0x199: {  	s6 =	sadd.s32 $0xE00, s12  }
0x19a: {  	[hbm4b:s6+s19] =	stream.strided.scatter [tilespmem:s23], [sflag:$0x4], $0xC80, s21, s19, $0x38;
	v63 =	vld [tilespmem:$0x0]  }
0x19b: {  	s7 =	sadd.s32 $0x1180, s12  }
0x19c: {  	[hbm4b:s7+s19] =	stream.strided.scatter [tilespmem:s25], [sflag:$0x4], $0xC80, s21, s19, $0x38;
	v63 =	vld [tilespmem:$0x0]  }
0x19d: {  	s8 =	sadd.s32 $0x1500, s12  }
0x19e: {  	[hbm4b:s8+s19] =	stream.strided.scatter [tilespmem:s28], [sflag:$0x4], $0xC80, s21, s19, $0x38;
	v63 =	vld [tilespmem:$0x0]  }
0x19f: {  	s9 =	sadd.s32 $0x1880, s12  }
0x1a0: {  	[hbm4b:s9+s19] =	stream.strided.scatter [tilespmem:s20], [sflag:$0x4], $0xC80, s21, s19, $0x38;
	v63 =	vld [tilespmem:$0x0]  }
0x1a1: {  	s11 =	sadd.s32 $0x1C00, s12  }
0x1a2: {  	[hbm4b:s11+s19] =	stream.strided.scatter [tilespmem:s24], [sflag:$0x4], $0xC80, s21, s19, $0x38;
	v63 =	vld [tilespmem:$0x0]  }
0x1a3: {  	s13 =	sadd.s32 $0x1F80, s12  }
0x1a4: {  	[hbm4b:s13+s19] =	stream.strided.scatter [tilespmem:s29], [sflag:$0x4], $0xC80, s21, s19, $0x38;
	v63 =	vld [tilespmem:$0x0]  }
0x1a5: {  	s15 =	sadd.s32 $0x2300, s12  }
0x1a6: {  	[hbm4b:s15+s19] =	stream.strided.scatter [tilespmem:s0], [sflag:$0x4], $0xC80, s21, s19, $0x38;
	v63 =	vld [tilespmem:$0x0]  }
0x1a7: {  	s17 =	sadd.s32 $0x2680, s12  }
0x1a8: {  	[hbm4b:s17+s19] =	stream.strided.scatter [tilespmem:s18], [sflag:$0x4], $0xC80, s21, s19, $0x38;
	v63 =	vld [tilespmem:$0x0]  }
0x1a9: {  	s20 =	sadd.s32 $0x2A00, s12  }
0x1aa: {  	[hbm4b:s20+s19] =	stream.strided.scatter [tilespmem:s26], [sflag:$0x4], $0xC80, s21, s19, $0x38;
	v63 =	vld [tilespmem:$0x0]  }
0x1ab: {  	s22 =	sadd.s32 $0x2D80, s12  }
0x1ac: {  	[hbm4b:s22+s19] =	stream.strided.scatter [tilespmem:s14], [sflag:$0x4], $0xC80, s21, s19, $0x38;
	v63 =	vld [tilespmem:$0x0]  }
0x1ad: {  	s23 =	sadd.s32 $0x3100, s12  }
0x1ae: {  	[hbm4b:s23+s19] =	stream.strided.scatter [tilespmem:s31], [sflag:$0x4], $0xC80, s21, s19, $0x38;
	v63 =	vld [tilespmem:$0x0]  }
0x1af: {  	s25 =	simm.s32 $0x3;
	s24 =	sadd.s32 $0x3480, s12  }
0x1b0: {  	[hbm4b:s24+s19] =	stream.strided.scatter [tilespmem:s16], [sflag:$0x4], $0xC80, s21, s19, $0x38;
	v63 =	vld [tilespmem:$0x0]  }
0x1b1: {  	_ =	swait.ge [sflag:s25], $0xC800  }
0x1b2: {  	[sflag:s25] =	ssyncset.done $0x0  }
0x1b3: {  	s26 =	simm.s32 $0x4;
	[sflag:s25] =	ssyncadd.s32 $0xFFFF3800  }
0x1b4: {  	_ =	swait.ge [sflag:s26], $0xC800  }
0x1b5: {  	s30 =	simm.s32 $0xC780;
	s8 =	rddreg [dreg:$0x8]  }
0x1b6: {  	s2 =	simm.s32 $0xE080;
	s28 =	rddreg [dreg:$0x6];
	s8 =	sadd.s32 $0x1, s8  }
0x1b7: {  	s4 =	simm.s32 $0x1;
	s5 =	simm.s32 $0x11280;
	p0 =	sne.s32 s8, s28  }
.Ltmp1:
0x1b8: {  	s6 =	simm.s32 $0x11F00;
	s7 =	simm.s32 $0xF980;
	(pc) =	sbr.rel @p0 .LBB2_1-.Ltmp1, $4  }
0x1b9: {  	s9 =	simm.s32 $0x10600;
	s29 =	simm.s32 $0x8900;
	s0 =	simm.s32 $0x9580  }
0x1ba: {  	s18 =	simm.s32 $0xA200;
	s20 =	simm.s32 $0x7000;
	s14 =	simm.s32 $0xBB00  }
0x1bb: {  	s22 =	simm.s32 $0xD400;
	s31 =	simm.s32 $0xED00;
	[sflag:s26] =	ssyncset.done $0x0  }
0x1bc: {  	s24 =	simm.s32 $0x7C80;
	[sflag:s26] =	ssyncadd.s32 $0xFFFF3800;
	s26 =	simm.s32 $0xAE80  }
0x1bd: {  	_ =	sfence.sel $0x180000  }
0x1be: {  	[bflag:$0x0] =	sbarrier.arrive $0xFFFF  }
0x1bf: {  	_ =	strace $0x90000047  }
0x1c0: {  	s0 =	stileid.u32;
	[bflag:$0x2] =	sbarrier.arrive $0xFFFF  }
0x1c1: {  	p0 =	sne.s32 s0, $0x0;
	s0 =	rddreg [dreg:$0x2]  }
0x1c2: {  	s0 =	sadd.s32 @!p0 $0x100000, s0  }
0x1c3: {  	[sflag:s0] =	ssyncadd.tile.s32 @!p0 $0x1;
	_ =	shalt  }
.Lfunc_end2:
_tile_overlayer_lowered:
.L_overlay_start_2:
0x1c4: {  	(tag) =	ssettag $0x2  }
0x1c5: {  	s0 =	rddreg [dreg:$0x0];
	s2 =	stileid.u32  }
0x1c6: {  	s1 =	rddreg [dreg:$0x1];
	p0 =	sne.s32 s2, $0x0  }
0x1c7: {  	s3 =	rddreg [dreg:$0x2];
	[bflag:$0x3] =	sbarrier.arrive $0xFFFF;
	s2 =	simm.s32 @!p0 $0x1C05  }
0x1c8: {  	[timem:s3], [sflag:s2] =	dma.local @!p0 [hbm:s0], s1  }
0x1c9: {  	s0 =	simm.s32 @!p0 $0x5  }
0x1ca: {  	_ =	swait.ge @!p0 [sflag:s0], s1  }
0x1cb: {  	s1 =	ssub.s32 @!p0 $0x0, s1;
	[sflag:s0] =	ssyncset.done @!p0 $0x0  }
0x1cc: {  	[sflag:s0] =	ssyncadd.s32 @!p0 s1  }
0x1cd: {  	[bflag:$0x3] =	sbarrier.arrive $0xFFFF  }
0x1ce: {  	_ =	shalt  }

// kernel: sparse-core-data-format-call.cloned.1.call-start
scs
called_computation_lowered:
.L_overlay_start_0:
0x0: {  	s2 =	sld [smem:$0x3FD9]  }
0x1: {  	s3 =	sld [smem:$0x3FFE];
	_ =	sdelay $0x1  }
0x2: {  	s1 =	srdreg.scid  }
0x3: {  	s0 =	sand.u32 $0x1, s1  }
0x4: {  	s18 =	sshll.u32 s0, $0xA;
	s2 =	sadd.s32 s3, s2  }
0x5: {  	s2 =	sadd.s32 s2, s18  }
0x6: {  	[smem:$0x3FC6] =	sst s2  }
0x7: {  	_ = 	snop  }
0x8: {  	s2 =	sld [smem:$0x3FD0];
	(tm) =	ssettm $0x1  }
0x9: {  	s19 =	sld [smem:$0x3FFB];
	_ =	sdelay $0x3  }
0xa: {  	_ =	strace s19  }
0xb: {  	s3 =	sld [smem:$0x3FFC];
	_ =	sdelay $0x3  }
0xc: {  	_ =	strace s3  }
0xd: {  	s3 =	sld [smem:$0x3FFD];
	_ =	sdelay $0x3  }
0xe: {  	_ =	strace s3  }
0xf: {  	_ =	strace $0x8FFFFFFF  }
0x10: {  	s20 =	sld [smem:$0x3FDB];
	_ =	sdelay $0x1  }
0x11: {  	s4 =	simm.s32 $_scs_section_size  }
0x12: {  	s5 =	simm.s32 $_size__tile_overlayer_lowered;
	s6 =	simm.s32 $_tile_overlayer_lowered  }
0x13: {  	s23 =	simm.s32 $0x1BFF;
	s22 =	sshll.u32 s6, $0x1;
	s3 =	sadd.s32 s4, s20  }
0x14: {  	s7 =	simm.s32 $0x0;
	s21 =	sshll.u32 s5, $0x1;
	s5 =	sadd.s32 s22, s3  }
0x15: {  	[timem:s7], [sflag:s23] =	dma.local [hbm:s5], s21  }
0x16: {  	_ =	swait.ge [sflag:s23], s21  }
0x17: {  	s4 =	ssub.s32 $0x0, s21;
	[sflag:s23] =	ssyncset.done $0x0  }
0x18: {  	[sflag:s23] =	ssyncadd.s32 s4;
	_ =	sdelay $0x1  }
0x19: {  	s24 =	simm.s32 $0x1B8B  }
0x1a: {  	_ =	swait.ge [sflag:s24], $0x1  }
0x1b: {  	[sflag:s24] =	ssyncset.done $0x0  }
0x1c: {  	s26 =	simm.s32 $0x1B8E;
	s25 =	sld [smem:$0x3FFE];
	[sflag:s24] =	ssyncadd.s32 $0xFFFFFFFF  }
0x1d: {  	s27 =	simm.s32 $execute0_lowered;
	[smem:$0x3FD2] =	sst s26  }
0x1e: {  	s5 =	sshll.u32 s27, $0x1;
	_ =	strace $0x80000049;
	[dreg:$0x1] =	wrdreg $0xFFFFFFFF  }
0x1f: {  	s28 =	simm.s32 $_size_execute0_lowered;
	s3 =	sadd.s32 s3, s5;
	[dreg:$0x0] =	wrdreg $0x0  }
0x20: {  	s5 =	sshll.u32 s28, $0x1;
	[dreg:$0x2] =	wrdreg s3  }
0x21: {  	[dreg:$0x3] =	wrdreg s5  }
0x22: {  	[dreg:$0x4] =	wrdreg $0xC0  }
0x23: {  	_ =	task [dreg:s7], $0x5FFFF  }
0x24: {  	[dreg:$0x1] =	wrdreg $0xFFFFFFFF  }
0x25: {  	[dreg:$0x0] =	wrdreg $0x60  }
0x26: {  	[dreg:$0x2] =	wrdreg s25  }
0x27: {  	[dreg:$0x3] =	wrdreg s2  }
0x28: {  	[dreg:$0x4] =	wrdreg $0x9  }
0x29: {  	_ =	task.clear_ibuf [dreg:s7], $0x5FFFF;
	_ =	strace $0x90000049  }
0x2a: {  	s29 =	simm.s32 $0x9;
	_ =	strace $0x8000004B  }
0x2b: {  	_ =	swait.ge [sflag:s29], $0x1  }
0x2c: {  	[sflag:s29] =	ssyncadd.s32 $0xFFFFFFFF  }
0x2d: {  	_ =	strace $0x9000004B  }
0x2e: {  	_ =	sfence  }
0x2f: {  	s30 =	sld [smem:$0x0];
	_ =	sdelay $0x2  }
0x30: {  	s31 =	sshll.u32 s1, $0xD;
	s1 =	sshrl.u32 s1, $0x2  }
0x31: {  	s3 =	sand.u32 $0x4000, s31;
	s1 =	sadd.s32 s1, s30  }
0x32: {  	s0 =	sor.u32 s3, s0;
	s1 =	sshll.u32 s1, $0x11  }
0x33: {  	s0 =	sor.u32 s1, s0  }
0x34: {  	s0 =	sadd.s32 $0x8F2B, s0  }
0x35: {  	[sflag:s0] =	ssyncadd.remote.s32 $0x1  }
0x36: {  	_ =	sfence.sel $0xFFFF  }
0x37: {  	[dreg:$0x0] =	wrdreg $0xFFFFFFFF;
	(pc) =	sbr.abs _section_cstart, $3  }
0x38: {  	[dreg:$0x1] =	wrdreg $0xFFFFFFFF  }
0x39: {  	_ =	task.clear_ibuf [dreg:s7], $0x2FFFF;
	_ =	strace $0x9FFFFFFF  }
0x3a: {  	(tm) =	ssettm $0x7FFFFFFF  }
0x3b: {  	_ =	shalt  }
tec
execute0_lowered:
.L_overlay_start_1:
0x0: {  	(tag) =	ssettag $0x1  }
0x1: {  	s0 =	srdreg.scid  }
0x2: {  	s1 =	sshll.u32 s0, $0x4  }
0x3: {  	s0 =	stileid.u32;
	s1 =	sand.u32 $0x10, s1  }
0x4: {  	s1 =	sor.u32 s0, s1  }
0x5: {  	s6 =	rddreg [dreg:$0x0];
	s4 =	simm.s32 $0x1;
	s2 =	sshll.u32 s1, $0x7  }
0x6: {  	s7 =	simm.s32 $0x2;
	s12 =	simm.s32 $0x0;
	s1 =	ssub.s32 $0x4000, s2  }
0x7: {  	s8 =	simm.s32 $0x20000;
	s13 =	simm.s32 $0x0;
	s3 =	sand.u32 $0xF80, s1  }
0x8: {  	s9 =	simm.s32 $0x0;
	s5 =	sshrl.u32 s1, $0xC;
	p0 =	sne.s32 s3, $0x0  }
.Ltmp0:
0x9: {  	s1 =	rddreg [dreg:$0x2];
	s4 =	simm.s32 @!p0 $0x0;
	(pc) =	sbr.rel .LBB1_1-.Ltmp0, $4  }
0xa: {  	s11 =	simm.s32 $0x0;
	s3 =	rddreg [dreg:$0x1];
	s5 =	sadd.s32 s4, s5  }
0xb: {  	_ =	strace $0x8000004A;
	s4 =	simm.s32 $0x1;
	s5 =	smul.u32 $0x32, s5  }
0xc: {  	s6 =	sadd.s32 $0x7A2000, s6;
	s10 =	smov.u32 s2;
	[sflag:s4] =	ssyncpa.u1 $0x0  }
0xd: {  	p0 =	por $0x0, $0x0;
	[sflag:s7] =	ssyncpa.u1 $0x0;
	s7 =	sor.u32 $0x1, s5  }
.LBB1_4:
0xe: {  	s16 =	sshll.u32 s13, $0x3;
	s17 =	sand.u32 $0x78, s13  }
0xf: {  	s30 =	sand.u32 $0x1F800, s13;
	s12 =	sshll.u32 s12, $0x11;
	s16 =	sand.u32 $0x3C00, s16  }
0x10: {  	[tilespmem:s15+$0x810 ss:$0x81] =	vst.msk $0xffff, v2;
	s31 =	sand.u32 $0x7, s13;
	s16 =	sor.u32 s17, s16;
	s17 =	sadd.s32 s3, s30  }
0x11: {  	[tilespmem:s15+$0x1020 ss:$0x81] =	vst.msk $0xffff, v0;
	s13 =	sshll.u32 s31, $0x12;
	s12 =	sadd.s32 s12, s17;
	s16 =	sshrl.u32 s16, $0x3  }
0x12: {  	[tilespmem:s15+$0x0 ss:$0x81] =	vst.msk $0xffff, v1;
	s13 =	sor.u32 $0x400, s13;
	s12 =	sadd.s32 s16, s12  }
0x13: {  	[hbm4b:s12+s13] =	stream.strided.scatter [tilespmem:s14], [sflag:$0x2], $0x2000, s8, s13, $0x20;
	[tilespmem:$0x8080] =	vst v63  }
.LBB1_5:
0x14: {  	s14 =	sadd.s32 $0x1, s9  }
0x15: {  	s12 =	sadd.s32 $0x1000, s10;
	s16 =	smov.u32 s10;
	p2 =	sgt.s32 s14, $0x31  }
0x16: {  	s16 =	smov.u32 @p2 s12  }
0x17: {  	s14 =	simm.s32 @p2 $0x0;
	p2 =	sgt.s32 s16, $0x3FFF  }
0x18: {  	s16 =	smov.u32 @p2 s2;
	p2 =	sne.s32 s11, s7  }
.Ltmp1:
0x19: {  	p1 =	slt.u32 s11, $0x2;
	(pc) =	sbr.rel @!p2 .LBB1_6-.Ltmp1, $4  }
0x1a: {  	s15 =	simm.s32 @!p1 $0x2  }
0x1b: {  	s13 =	smov.u32 s10;
	p0 =	por !p0, !p0;
	_ =	swait.ge @!p1 [sflag:s15], $0x2000  }
0x1c: {  	s12 =	smov.u32 s9;
	[sflag:s15] =	ssyncset.done @!p1 $0x0;
	s9 =	smov.u32 s14  }
0x1d: {  	s11 =	sadd.s32 $0x1, s11;
	[sflag:s15] =	ssyncadd.s32 @!p1 $0xFFFFE000;
	s10 =	smov.u32 s16  }
.LBB1_1:
0x1e: {  	p1 =	sge.u32 s11, s5  }
0x1f: {  	s14 =	sand.u32 @!p1 $0x1FFFFFF, s9  }
0x20: {  	s15 =	smulhi.u32 @!p1 $0x4924925, s14;
	_ =	sdelay $0x1  }
0x21: {  	s15 =	smul.u32 @!p1 $0x38, s15  }
0x22: {  	s16 =	sxor.u32 @!p1 $0xFFFFFFFF, s11;
	s17 =	smul.u32 @!p1 $0x380, s10  }
0x23: {  	s31 =	sadd.s32 $0xFFFFFFFF, s11;
	s16 =	sshll.u32 @!p1 s16, $0xD;
	s14 =	ssub.s32 @!p1 s14, s15  }
0x24: {  	s15 =	sand.u32 @!p1 $0x2000, s16;
	s16 =	sadd.s32 @!p1 s6, s17;
	s14 =	sshll.u32 @!p1 s14, $0x4  }
0x25: {  	s17 =	simm.s32 @!p1 $0x1C00;
	s14 =	sadd.s32 @!p1 s14, s16;
	s16 =	simm.s32 @!p1 $0x40  }
0x26: {  	[tilespmem:s15], [sflag:$0x1] =	stream.strided.gather @!p1 [hbm4b:s14+s16], $0x2000, s17, s16, $0x38;
	[tilespmem:$0x8080] =	vst v63  }
0x27: {  	p1 =	sge.u32 s31, s5  }
.Ltmp2:
0x28: {  	_ = 	snop;
	(pc) =	sbr.rel @p1 .LBB1_5-.Ltmp2, $1  }
0x29: {  	_ =	sdelay $0x3  }
0x2a: {  	s14 =	simm.s32 $0x1  }
0x2b: {  	_ =	swait.ge [sflag:s4], $0x2000;
	s14 =	simm.s32 @!p0 $0x0  }
0x2c: {  	[sflag:s4] =	ssyncset.done $0x0;
	s15 =	sshll.u32 s14, $0xD  }
0x2d: {  	[sflag:s4] =	ssyncadd.s32 $0xFFFFE000;
	s18 =	sor.u32 $0x20, s15  }
0x2e: {  	s14 =	smul.u32 $0x8100, s14;
	v3 =	vld [tilespmem:s18+$0x10]  }
0x2f: {  	s30 =	sand.u32 $0x1, s11;
	v2 =	vld [tilespmem:s18+$0xFFFFFFF0]  }
0x30: {  	s15 =	smul.u32 $0x8100, s30;
	s14 =	sshrl.u32 s14, $0x2;
	v0 =	vld [tilespmem:s18+$0x0]  }
0x31: {  	v1 =	vld [tilespmem:s18+$0xFFFFFFE0];
	s16 =	sor.u32 $0x4000, s14  }
0x32: {  	s31 =	sshrl.u32 s15, $0x2;
	s15 =	sadd.s32 $0x0, s16  }
0x33: {  	s17 =	simm.s32 $0x4;
	s18 =	sadd.s32 $0x40, s18;
	s14 =	sor.u32 $0x4000, s31;
	[tilespmem:s15+$0x1830 ss:$0x81] =	vst.msk $0xffff, v3  }
.LBB1_3:
0x34: {  	v3 =	vld [tilespmem:s18+$0x10];
	p1 =	sne.s32 s17, $0x1FC;
	[tilespmem:s15+$0x810 ss:$0x81] =	vst.msk $0xffff, v2;
	s19 =	smov.u32 s17;
	s17 =	sadd.s32 $0x4, s17  }
.Ltmp3:
0x35: {  	v2 =	vld [tilespmem:s18+$0xFFFFFFF0];
	[tilespmem:s15+$0x1020 ss:$0x81] =	vst.msk $0xffff, v0;
	(pc) =	sbr.rel @p1 .LBB1_3-.Ltmp3, $4  }
0x36: {  	v0 =	vld [tilespmem:s18+$0x0];
	[tilespmem:s15+$0x0 ss:$0x81] =	vst.msk $0xffff, v1  }
0x37: {  	s15 =	sshra.s32 s19, $0x2;
	v1 =	vld [tilespmem:s18+$0xFFFFFFE0]  }
0x38: {  	s15 =	sadd.s32 s15, s16  }
0x39: {  	s18 =	sadd.s32 $0x40, s18;
	[tilespmem:s15+$0x1830 ss:$0x81] =	vst.msk $0xffff, v3  }
.Ltmp4:
0x3a: {  	_ = 	snop;
	(pc) =	sbr.rel .LBB1_4-.Ltmp4, $1  }
0x3b: {  	_ =	sdelay $0x3  }
.LBB1_6:
0x3c: {  	_ =	sfence.sel $0x180000  }
0x3d: {  	s2 =	simm.s32 $0x1;
	[bflag:$0x0] =	sbarrier.arrive $0xFFFF  }
0x3e: {  	s31 =	simm.s32 $0x2;
	[sflag:s2] =	ssyncpa.u1 $0x1  }
0x3f: {  	[sflag:s31] =	ssyncpa.u1 $0x1  }
0x40: {  	p0 =	sne.s32 s0, $0x0;
	_ =	strace $0x9000004A  }
0x41: {  	s0 =	sadd.s32 @!p0 $0x100000, s1;
	[bflag:$0x2] =	sbarrier.arrive $0xFFFF  }
0x42: {  	[sflag:s0] =	ssyncadd.tile.s32 @!p0 $0x1;
	_ =	shalt  }
.Lfunc_end1:
_tile_overlayer_lowered:
.L_overlay_start_2:
0x43: {  	(tag) =	ssettag $0x2  }
0x44: {  	s0 =	rddreg [dreg:$0x0];
	s2 =	stileid.u32  }
0x45: {  	s1 =	rddreg [dreg:$0x1];
	p0 =	sne.s32 s2, $0x0  }
0x46: {  	s3 =	rddreg [dreg:$0x2];
	[bflag:$0x3] =	sbarrier.arrive $0xFFFF;
	s2 =	simm.s32 @!p0 $0x1C01  }
0x47: {  	[timem:s3], [sflag:s2] =	dma.local @!p0 [hbm:s0], s1  }
0x48: {  	s0 =	simm.s32 @!p0 $0x1  }
0x49: {  	_ =	swait.ge @!p0 [sflag:s0], s1  }
0x4a: {  	s1 =	ssub.s32 @!p0 $0x0, s1;
	[sflag:s0] =	ssyncset.done @!p0 $0x0  }
0x4b: {  	[sflag:s0] =	ssyncadd.s32 @!p0 s1  }
0x4c: {  	[bflag:$0x3] =	sbarrier.arrive $0xFFFF  }
0x4d: {  	_ =	shalt  }

</sc_bundles>
